<compile_context>
chip_gen: v7x
topology: tpu7x:2x2x1
jax: 0.10.2.dev20260603
libtpu: 0.0.44.dev20260713+nightly
codegen_flags: <defaults>
</compile_context>

<pallas_src>
import functools

import jax
import jax.numpy as jnp
from jax import lax
from jax.experimental import pallas as pl
from jax.experimental.pallas import tpu as pltpu
from jax.experimental.pallas import tpu_sc as plsc

_NC = 2
_NS = 16
_NW = _NC * _NS
_L = 16


@functools.lru_cache(maxsize=None)
def _make_sc_kernel(n_rows: int, n_cols: int, blk: int):
    assert n_rows % (_NW * blk) == 0
    per_w = n_rows // _NW
    n_chunks = per_w // blk
    assert n_chunks % 4 == 0
    n_quarter = n_chunks // 4
    n_cvec = n_cols // _L

    mesh = plsc.VectorSubcoreMesh(core_axis_name="c", subcore_axis_name="s")

    @functools.partial(
        pl.kernel,
        out_type=jax.ShapeDtypeStruct((n_rows, n_cols), jnp.float32),
        mesh=mesh,
        compiler_params=pltpu.CompilerParams(
            needs_layout_passes=False, use_tc_tiling_on_sc=True),
        scratch_types=[
            pltpu.VMEM((_L,), jnp.float32),
            pltpu.VMEM((_L,), jnp.float32),
            pltpu.VMEM((_L,), jnp.float32),
            pltpu.VMEM((_L,), jnp.float32),
            pltpu.VMEM((16 * _L,), jnp.float32),
            pltpu.VMEM((blk, n_cols), jnp.float32),
            pltpu.VMEM((blk, n_cols), jnp.float32),
            pltpu.VMEM((blk, n_cols), jnp.float32),
            pltpu.VMEM((blk, n_cols), jnp.float32),
            pltpu.VMEM((blk, n_cols), jnp.float32),
            pltpu.VMEM((blk, n_cols), jnp.float32),
            pltpu.SemaphoreType.DMA,
            pltpu.SemaphoreType.DMA,
            pltpu.SemaphoreType.DMA,
            pltpu.SemaphoreType.DMA,
            pltpu.SemaphoreType.DMA,
            pltpu.SemaphoreType.DMA,
        ],
    )
    def k(x_hbm, la_hbm, lb_hbm, mn_hbm, mx_hbm, out_hbm,
          la_v, lb_v, mn_v, mx_v, full_v,
          in_v0, in_v1, in_v2, in_v3, out_v0, out_v1,
          in_s0, in_s1, in_s2, in_s3, out_s0, out_s1):
        in_bufs, out_bufs = (in_v0, in_v1, in_v2, in_v3), (out_v0, out_v1)
        in_sems, out_sems = (in_s0, in_s1, in_s2, in_s3), (out_s0, out_s1)
        wid = lax.axis_index("s") * _NC + lax.axis_index("c")
        base = wid * per_w

        pltpu.sync_copy(la_hbm, la_v)
        pltpu.sync_copy(lb_hbm, lb_v)
        pltpu.sync_copy(mn_hbm, mn_v)
        pltpu.sync_copy(mx_hbm, mx_v)

        a_vec = la_v[...]
        b_vec = lb_v[...]
        mn = mn_v[...]
        mx = mx_v[...]
        row_ids = lax.iota(jnp.int32, _L) * _L
        for l in range(16):
            y = a_vec * (l / 16.0) + b_vec
            yf = y.astype(jnp.int32).astype(jnp.float32)
            plsc.store_scatter(full_v, [row_ids + l], jnp.clip(yf, mn, mx))

        def start_in(g, b):
            r0 = base + g * blk
            pltpu.async_copy(x_hbm.at[pl.ds(r0, blk), :], in_bufs[b], in_sems[b])

        def start_out(g, b):
            r0 = base + g * blk
            pltpu.async_copy(out_bufs[b], out_hbm.at[pl.ds(r0, blk), :], out_sems[b])

        def wait_in(g, b):
            r0 = base + g * blk
            pltpu.make_async_copy(
                x_hbm.at[pl.ds(r0, blk), :], in_bufs[b], in_sems[b]).wait()

        def wait_out(g, b):
            r0 = base + g * blk
            pltpu.make_async_copy(
                out_bufs[b], out_hbm.at[pl.ds(r0, blk), :], out_sems[b]).wait()

        for b in range(4):
            start_in(b, b)

        def outer(g4, _):
            for bi in range(4):
                g = g4 * 4 + bi
                bo = bi % 2
                wait_in(g, bi)
                if bi >= 2:
                    wait_out(g - 2, bo)
                else:
                    pl.when(g4 >= 1)(lambda: wait_out(g - 2, bo))
                iv, ov = in_bufs[bi], out_bufs[bo]

                def row_body(r):
                    for c in range(n_cvec):
                        xv = iv[r, pl.ds(c * _L, _L)]
                        idx = xv.astype(jnp.int32)
                        ov[r, pl.ds(c * _L, _L)] = plsc.load_gather(full_v, [idx])

                plsc.parallel_loop(0, blk, 1, unroll=2)(row_body)
                start_out(g, bo)
                pl.when(g4 < n_quarter - 1)(lambda: start_in(g + 4, bi))
            return 0

        lax.fori_loop(0, n_quarter, outer, 0)
        wait_out(n_chunks - 2, 0)
        wait_out(n_chunks - 1, 1)

    return k


def kernel(x, lut_embedding, n):
    shape = x.shape
    n_cols = shape[-1]
    n_rows = x.size // n_cols
    x2 = x.reshape(n_rows, n_cols)
    la = lut_embedding[:, 0]
    lb = lut_embedding[:, 1]
    p = jnp.exp2(jnp.asarray(n, jnp.float32) - 1.0)
    mn = jnp.full((_L,), 0.0, jnp.float32) - p
    mx = jnp.full((_L,), -1.0, jnp.float32) + p
    out = _make_sc_kernel(n_rows, n_cols, 56)(x2, la, lb, mn, mx)
    return out.reshape(shape)

# --- scband reference (transcript-rebuilt; emitter-appended) ---
"""Pipeline reference for scband-q-sigmoid-46909632807423 (READ-ONLY COPY).

The authoritative reference and input builder live on the scoring server;
editing this copy changes nothing except your own understanding.
"""

import jax, jax.numpy as jnp
import numpy as np


def _build_lut(in_scale=1.0 / 16.0, out_scale=1.0 / 256.0, x_bits=8, x1_bits=4):
    # Faithful port of Q_Sigmoid.build_lut: piecewise-linear int LUT for sigmoid.
    x2_bits = x_bits - x1_bits
    mul = 2 ** x2_bits  # becomes self.div
    lut = []
    idx_order = list(range(0, 2 ** (x2_bits - 1))) + list(range(-2 ** (x2_bits - 1), 0))
    for i in idx_order:
        x0_value = i * mul * in_scale
        x1_value = (i + 1) * mul * in_scale
        y0 = 1.0 / (1.0 + np.exp(-x0_value)) / out_scale
        y1 = 1.0 / (1.0 + np.exp(-x1_value)) / out_scale
        b = round(y0)
        a = round(y1 - y0)
        lut.append([float(a), float(b)])
    return np.array(lut, dtype=np.float32), mul


def setup_inputs(seed: int = 0):
    key = jax.random.key(seed)
    # Quantized int activations stored as float32, range [0, 128) so that
    # x1 = floor(x/16) lands in [0, 7] (valid non-negative LUT rows).
    x = jax.random.randint(jax.random.fold_in(key, 0), (4, 96, 224, 224), 0, 128).astype(jnp.float32)
    lut_np, _ = _build_lut()
    lut_embedding = jnp.asarray(lut_np)  # [16, 2] learned/derived table
    return {"x": x, "lut_embedding": lut_embedding, "n": 8}


def reference(x, lut_embedding, n=8):
    div = 16.0  # self.div after build_lut(x_bits=8, x1_bits=4)
    scale = 1.0  # self.scale
    # Q_Sigmoid.forward
    x1 = jnp.floor(x / div)
    x2 = x - x1 * div
    x1_idx = x1.astype(jnp.int32)
    lookup_result = jnp.take(lut_embedding, x1_idx, axis=0)  # [B,C,H,W,2] gather
    y = lookup_result[..., 0] * x2 / div + lookup_result[..., 1]
    y = jnp.floor(y)
    # Quantizer.forward (bq=None, sb unused, s=scale)
    q = jnp.floor(y * scale)
    minimum = -(2 ** (n - 1))
    maximum = 2 ** (n - 1) - 1
    out = jnp.clip(q, minimum, maximum)
    return out

if __name__ == "__main__":
    import jax
    _d = setup_inputs()
    print(jax.jit(kernel)(*tuple(_d.values())))

</pallas_src>

<mosaic_0001>
#map = affine_map<(d0, d1) -> (0, 0)>
#map1 = affine_map<(d0, d1) -> (0)>
module attributes {stable_mosaic.version = 14 : i64} {
  func.func @k(%arg0: i32, %arg1: i32, %arg2: memref<86016x224xf32, #tpu.memory_space<hbm>>, %arg3: memref<16xf32, #tpu.memory_space<hbm>>, %arg4: memref<16xf32, #tpu.memory_space<hbm>>, %arg5: memref<16xf32, #tpu.memory_space<hbm>>, %arg6: memref<16xf32, #tpu.memory_space<hbm>>, %arg7: memref<86016x224xf32, #tpu.memory_space<hbm>>, %arg8: memref<16xf32, #tpu.memory_space<vmem>>, %arg9: memref<16xf32, #tpu.memory_space<vmem>>, %arg10: memref<16xf32, #tpu.memory_space<vmem>>, %arg11: memref<16xf32, #tpu.memory_space<vmem>>, %arg12: memref<256xf32, #tpu.memory_space<vmem>>, %arg13: memref<56x224xf32, #tpu.memory_space<vmem>>, %arg14: memref<56x224xf32, #tpu.memory_space<vmem>>, %arg15: memref<56x224xf32, #tpu.memory_space<vmem>>, %arg16: memref<56x224xf32, #tpu.memory_space<vmem>>, %arg17: memref<56x224xf32, #tpu.memory_space<vmem>>, %arg18: memref<56x224xf32, #tpu.memory_space<vmem>>, %arg19: memref<!tpu.dma_semaphore, #tpu.memory_space<semaphore_mem>>, %arg20: memref<!tpu.dma_semaphore, #tpu.memory_space<semaphore_mem>>, %arg21: memref<!tpu.dma_semaphore, #tpu.memory_space<semaphore_mem>>, %arg22: memref<!tpu.dma_semaphore, #tpu.memory_space<semaphore_mem>>, %arg23: memref<!tpu.dma_semaphore, #tpu.memory_space<semaphore_mem>>, %arg24: memref<!tpu.dma_semaphore, #tpu.memory_space<semaphore_mem>>) attributes {dimension_semantics = [#tpu.dimension_semantics<core_parallel>, #tpu.dimension_semantics<subcore_parallel>], iteration_bounds = array<i64: 2, 16>, scalar_prefetch = 0 : i64, scratch_operands = 17 : i64, tpu.core_type = #tpu.core_type<sc_vector_subcore>, window_params = [{transform_indices = #map}, {transform_indices = #map1}, {transform_indices = #map1}, {transform_indices = #map1}, {transform_indices = #map1}, {transform_indices = #map}]} {
    %mul3A = arith.constant 2 : i32
    %mul3A_0 = arith.muli %arg1, %mul3A : i32
    %add3A = arith.addi %mul3A_0, %arg0 : i32
    %mul3A_1 = arith.constant 2688 : i32
    %mul3A_2 = arith.muli %add3A, %mul3A_1 : i32
    "tpu.region"() ({
      %run_scoped3A = tpu.sem_alloc : memref<!tpu.dma_semaphore, #tpu.memory_space<semaphore_mem>>
      tpu.enqueue_dma source(%arg3 : memref<16xf32, #tpu.memory_space<hbm>>) target(%arg8 : memref<16xf32, #tpu.memory_space<vmem>>) target_semaphore(%run_scoped3A : memref<!tpu.dma_semaphore, #tpu.memory_space<semaphore_mem>>)
      tpu.wait_dma2 semaphore(%run_scoped3A : memref<!tpu.dma_semaphore, #tpu.memory_space<semaphore_mem>>) src(%arg3 : memref<16xf32, #tpu.memory_space<hbm>>) dst(%arg8 : memref<16xf32, #tpu.memory_space<vmem>>)
      tpu.yield
    }) : () -> ()
    "tpu.region"() ({
      %run_scoped3A = tpu.sem_alloc : memref<!tpu.dma_semaphore, #tpu.memory_space<semaphore_mem>>
      tpu.enqueue_dma source(%arg4 : memref<16xf32, #tpu.memory_space<hbm>>) target(%arg9 : memref<16xf32, #tpu.memory_space<vmem>>) target_semaphore(%run_scoped3A : memref<!tpu.dma_semaphore, #tpu.memory_space<semaphore_mem>>)
      tpu.wait_dma2 semaphore(%run_scoped3A : memref<!tpu.dma_semaphore, #tpu.memory_space<semaphore_mem>>) src(%arg4 : memref<16xf32, #tpu.memory_space<hbm>>) dst(%arg9 : memref<16xf32, #tpu.memory_space<vmem>>)
      tpu.yield
    }) : () -> ()
    "tpu.region"() ({
      %run_scoped3A = tpu.sem_alloc : memref<!tpu.dma_semaphore, #tpu.memory_space<semaphore_mem>>
      tpu.enqueue_dma source(%arg5 : memref<16xf32, #tpu.memory_space<hbm>>) target(%arg10 : memref<16xf32, #tpu.memory_space<vmem>>) target_semaphore(%run_scoped3A : memref<!tpu.dma_semaphore, #tpu.memory_space<semaphore_mem>>)
      tpu.wait_dma2 semaphore(%run_scoped3A : memref<!tpu.dma_semaphore, #tpu.memory_space<semaphore_mem>>) src(%arg5 : memref<16xf32, #tpu.memory_space<hbm>>) dst(%arg10 : memref<16xf32, #tpu.memory_space<vmem>>)
      tpu.yield
    }) : () -> ()
    "tpu.region"() ({
      %run_scoped3A = tpu.sem_alloc : memref<!tpu.dma_semaphore, #tpu.memory_space<semaphore_mem>>
      tpu.enqueue_dma source(%arg6 : memref<16xf32, #tpu.memory_space<hbm>>) target(%arg11 : memref<16xf32, #tpu.memory_space<vmem>>) target_semaphore(%run_scoped3A : memref<!tpu.dma_semaphore, #tpu.memory_space<semaphore_mem>>)
      tpu.wait_dma2 semaphore(%run_scoped3A : memref<!tpu.dma_semaphore, #tpu.memory_space<semaphore_mem>>) src(%arg6 : memref<16xf32, #tpu.memory_space<hbm>>) dst(%arg11 : memref<16xf32, #tpu.memory_space<vmem>>)
      tpu.yield
    }) : () -> ()
    %get3A = arith.constant 0 : index
    %get3A_3 = tpu.vector_load %arg8[%get3A] {strides = array<i32>} : memref<16xf32, #tpu.memory_space<vmem>>, vector<16xf32>,
    %get3A_4 = arith.constant 0 : index
    %get3A_5 = tpu.vector_load %arg9[%get3A_4] {strides = array<i32>} : memref<16xf32, #tpu.memory_space<vmem>>, vector<16xf32>,
    %get3A_6 = arith.constant 0 : index
    %get3A_7 = tpu.vector_load %arg10[%get3A_6] {strides = array<i32>} : memref<16xf32, #tpu.memory_space<vmem>>, vector<16xf32>,
    %get3A_8 = arith.constant 0 : index
    %get3A_9 = tpu.vector_load %arg11[%get3A_8] {strides = array<i32>} : memref<16xf32, #tpu.memory_space<vmem>>, vector<16xf32>,
    %iota3A = tpu.iota {dimensions = array<i32: 0>} : vector<16xi32>
    %mul3A_10 = arith.constant 16 : i32
    %mul3A_11 = vector.broadcast %mul3A_10 : i32 to vector<16xi32>
    %mul3A_12 = arith.muli %iota3A, %mul3A_11 : vector<16xi32>
    %mul3A_13 = arith.constant 0.000000e+00 : f32
    %mul3A_14 = vector.broadcast %mul3A_13 : f32 to vector<16xf32>
    %mul3A_15 = arith.mulf %get3A_3, %mul3A_14 : vector<16xf32>
    %add3A_16 = arith.addf %mul3A_15, %get3A_5 : vector<16xf32>
    %convert_element_type3A = arith.fptosi %add3A_16 : vector<16xf32> to vector<16xi32>
    %convert_element_type3A_17 = arith.sitofp %convert_element_type3A : vector<16xi32> to vector<16xf32>
    %add3A_18 = arith.constant 0 : i32
    %add3A_19 = vector.broadcast %add3A_18 : i32 to vector<16xi32>
    %add3A_20 = arith.addi %mul3A_12, %add3A_19 : vector<16xi32>
    %max3A = arith.maximumf %get3A_7, %convert_element_type3A_17 : vector<16xf32>
    %min3A = arith.minimumf %get3A_9, %max3A : vector<16xf32>
    tpu.vector_store_idx %arg12[%add3A_20], %min3A : memref<256xf32, #tpu.memory_space<vmem>>[vector<16xi32>], vector<16xf32>,
    %mul3A_21 = arith.constant 6.250000e-02 : f32
    %mul3A_22 = vector.broadcast %mul3A_21 : f32 to vector<16xf32>
    %mul3A_23 = arith.mulf %get3A_3, %mul3A_22 : vector<16xf32>
    %add3A_24 = arith.addf %mul3A_23, %get3A_5 : vector<16xf32>
    %convert_element_type3A_25 = arith.fptosi %add3A_24 : vector<16xf32> to vector<16xi32>
    %convert_element_type3A_26 = arith.sitofp %convert_element_type3A_25 : vector<16xi32> to vector<16xf32>
    %add3A_27 = arith.constant 1 : i32
    %add3A_28 = vector.broadcast %add3A_27 : i32 to vector<16xi32>
    %add3A_29 = arith.addi %mul3A_12, %add3A_28 : vector<16xi32>
    %max3A_30 = arith.maximumf %get3A_7, %convert_element_type3A_26 : vector<16xf32>
    %min3A_31 = arith.minimumf %get3A_9, %max3A_30 : vector<16xf32>
    tpu.vector_store_idx %arg12[%add3A_29], %min3A_31 : memref<256xf32, #tpu.memory_space<vmem>>[vector<16xi32>], vector<16xf32>,
    %mul3A_32 = arith.constant 1.250000e-01 : f32
    %mul3A_33 = vector.broadcast %mul3A_32 : f32 to vector<16xf32>
    %mul3A_34 = arith.mulf %get3A_3, %mul3A_33 : vector<16xf32>
    %add3A_35 = arith.addf %mul3A_34, %get3A_5 : vector<16xf32>
    %convert_element_type3A_36 = arith.fptosi %add3A_35 : vector<16xf32> to vector<16xi32>
    %convert_element_type3A_37 = arith.sitofp %convert_element_type3A_36 : vector<16xi32> to vector<16xf32>
    %add3A_38 = arith.constant 2 : i32
    %add3A_39 = vector.broadcast %add3A_38 : i32 to vector<16xi32>
    %add3A_40 = arith.addi %mul3A_12, %add3A_39 : vector<16xi32>
    %max3A_41 = arith.maximumf %get3A_7, %convert_element_type3A_37 : vector<16xf32>
    %min3A_42 = arith.minimumf %get3A_9, %max3A_41 : vector<16xf32>
    tpu.vector_store_idx %arg12[%add3A_40], %min3A_42 : memref<256xf32, #tpu.memory_space<vmem>>[vector<16xi32>], vector<16xf32>,
    %mul3A_43 = arith.constant 1.875000e-01 : f32
    %mul3A_44 = vector.broadcast %mul3A_43 : f32 to vector<16xf32>
    %mul3A_45 = arith.mulf %get3A_3, %mul3A_44 : vector<16xf32>
    %add3A_46 = arith.addf %mul3A_45, %get3A_5 : vector<16xf32>
    %convert_element_type3A_47 = arith.fptosi %add3A_46 : vector<16xf32> to vector<16xi32>
    %convert_element_type3A_48 = arith.sitofp %convert_element_type3A_47 : vector<16xi32> to vector<16xf32>
    %add3A_49 = arith.constant 3 : i32
    %add3A_50 = vector.broadcast %add3A_49 : i32 to vector<16xi32>
    %add3A_51 = arith.addi %mul3A_12, %add3A_50 : vector<16xi32>
    %max3A_52 = arith.maximumf %get3A_7, %convert_element_type3A_48 : vector<16xf32>
    %min3A_53 = arith.minimumf %get3A_9, %max3A_52 : vector<16xf32>
    tpu.vector_store_idx %arg12[%add3A_51], %min3A_53 : memref<256xf32, #tpu.memory_space<vmem>>[vector<16xi32>], vector<16xf32>,
    %mul3A_54 = arith.constant 2.500000e-01 : f32
    %mul3A_55 = vector.broadcast %mul3A_54 : f32 to vector<16xf32>
    %mul3A_56 = arith.mulf %get3A_3, %mul3A_55 : vector<16xf32>
    %add3A_57 = arith.addf %mul3A_56, %get3A_5 : vector<16xf32>
    %convert_element_type3A_58 = arith.fptosi %add3A_57 : vector<16xf32> to vector<16xi32>
    %convert_element_type3A_59 = arith.sitofp %convert_element_type3A_58 : vector<16xi32> to vector<16xf32>
    %add3A_60 = arith.constant 4 : i32
    %add3A_61 = vector.broadcast %add3A_60 : i32 to vector<16xi32>
    %add3A_62 = arith.addi %mul3A_12, %add3A_61 : vector<16xi32>
    %max3A_63 = arith.maximumf %get3A_7, %convert_element_type3A_59 : vector<16xf32>
    %min3A_64 = arith.minimumf %get3A_9, %max3A_63 : vector<16xf32>
    tpu.vector_store_idx %arg12[%add3A_62], %min3A_64 : memref<256xf32, #tpu.memory_space<vmem>>[vector<16xi32>], vector<16xf32>,
    %mul3A_65 = arith.constant 3.125000e-01 : f32
    %mul3A_66 = vector.broadcast %mul3A_65 : f32 to vector<16xf32>
    %mul3A_67 = arith.mulf %get3A_3, %mul3A_66 : vector<16xf32>
    %add3A_68 = arith.addf %mul3A_67, %get3A_5 : vector<16xf32>
    %convert_element_type3A_69 = arith.fptosi %add3A_68 : vector<16xf32> to vector<16xi32>
    %convert_element_type3A_70 = arith.sitofp %convert_element_type3A_69 : vector<16xi32> to vector<16xf32>
    %add3A_71 = arith.constant 5 : i32
    %add3A_72 = vector.broadcast %add3A_71 : i32 to vector<16xi32>
    %add3A_73 = arith.addi %mul3A_12, %add3A_72 : vector<16xi32>
    %max3A_74 = arith.maximumf %get3A_7, %convert_element_type3A_70 : vector<16xf32>
    %min3A_75 = arith.minimumf %get3A_9, %max3A_74 : vector<16xf32>
    tpu.vector_store_idx %arg12[%add3A_73], %min3A_75 : memref<256xf32, #tpu.memory_space<vmem>>[vector<16xi32>], vector<16xf32>,
    %mul3A_76 = arith.constant 3.750000e-01 : f32
    %mul3A_77 = vector.broadcast %mul3A_76 : f32 to vector<16xf32>
    %mul3A_78 = arith.mulf %get3A_3, %mul3A_77 : vector<16xf32>
    %add3A_79 = arith.addf %mul3A_78, %get3A_5 : vector<16xf32>
    %convert_element_type3A_80 = arith.fptosi %add3A_79 : vector<16xf32> to vector<16xi32>
    %convert_element_type3A_81 = arith.sitofp %convert_element_type3A_80 : vector<16xi32> to vector<16xf32>
    %add3A_82 = arith.constant 6 : i32
    %add3A_83 = vector.broadcast %add3A_82 : i32 to vector<16xi32>
    %add3A_84 = arith.addi %mul3A_12, %add3A_83 : vector<16xi32>
    %max3A_85 = arith.maximumf %get3A_7, %convert_element_type3A_81 : vector<16xf32>
    %min3A_86 = arith.minimumf %get3A_9, %max3A_85 : vector<16xf32>
    tpu.vector_store_idx %arg12[%add3A_84], %min3A_86 : memref<256xf32, #tpu.memory_space<vmem>>[vector<16xi32>], vector<16xf32>,
    %mul3A_87 = arith.constant 4.375000e-01 : f32
    %mul3A_88 = vector.broadcast %mul3A_87 : f32 to vector<16xf32>
    %mul3A_89 = arith.mulf %get3A_3, %mul3A_88 : vector<16xf32>
    %add3A_90 = arith.addf %mul3A_89, %get3A_5 : vector<16xf32>
    %convert_element_type3A_91 = arith.fptosi %add3A_90 : vector<16xf32> to vector<16xi32>
    %convert_element_type3A_92 = arith.sitofp %convert_element_type3A_91 : vector<16xi32> to vector<16xf32>
    %add3A_93 = arith.constant 7 : i32
    %add3A_94 = vector.broadcast %add3A_93 : i32 to vector<16xi32>
    %add3A_95 = arith.addi %mul3A_12, %add3A_94 : vector<16xi32>
    %max3A_96 = arith.maximumf %get3A_7, %convert_element_type3A_92 : vector<16xf32>
    %min3A_97 = arith.minimumf %get3A_9, %max3A_96 : vector<16xf32>
    tpu.vector_store_idx %arg12[%add3A_95], %min3A_97 : memref<256xf32, #tpu.memory_space<vmem>>[vector<16xi32>], vector<16xf32>,
    %mul3A_98 = arith.constant 5.000000e-01 : f32
    %mul3A_99 = vector.broadcast %mul3A_98 : f32 to vector<16xf32>
    %mul3A_100 = arith.mulf %get3A_3, %mul3A_99 : vector<16xf32>
    %add3A_101 = arith.addf %mul3A_100, %get3A_5 : vector<16xf32>
    %convert_element_type3A_102 = arith.fptosi %add3A_101 : vector<16xf32> to vector<16xi32>
    %convert_element_type3A_103 = arith.sitofp %convert_element_type3A_102 : vector<16xi32> to vector<16xf32>
    %add3A_104 = arith.constant 8 : i32
    %add3A_105 = vector.broadcast %add3A_104 : i32 to vector<16xi32>
    %add3A_106 = arith.addi %mul3A_12, %add3A_105 : vector<16xi32>
    %max3A_107 = arith.maximumf %get3A_7, %convert_element_type3A_103 : vector<16xf32>
    %min3A_108 = arith.minimumf %get3A_9, %max3A_107 : vector<16xf32>
    tpu.vector_store_idx %arg12[%add3A_106], %min3A_108 : memref<256xf32, #tpu.memory_space<vmem>>[vector<16xi32>], vector<16xf32>,
    %mul3A_109 = arith.constant 5.625000e-01 : f32
    %mul3A_110 = vector.broadcast %mul3A_109 : f32 to vector<16xf32>
    %mul3A_111 = arith.mulf %get3A_3, %mul3A_110 : vector<16xf32>
    %add3A_112 = arith.addf %mul3A_111, %get3A_5 : vector<16xf32>
    %convert_element_type3A_113 = arith.fptosi %add3A_112 : vector<16xf32> to vector<16xi32>
    %convert_element_type3A_114 = arith.sitofp %convert_element_type3A_113 : vector<16xi32> to vector<16xf32>
    %add3A_115 = arith.constant 9 : i32
    %add3A_116 = vector.broadcast %add3A_115 : i32 to vector<16xi32>
    %add3A_117 = arith.addi %mul3A_12, %add3A_116 : vector<16xi32>
    %max3A_118 = arith.maximumf %get3A_7, %convert_element_type3A_114 : vector<16xf32>
    %min3A_119 = arith.minimumf %get3A_9, %max3A_118 : vector<16xf32>
    tpu.vector_store_idx %arg12[%add3A_117], %min3A_119 : memref<256xf32, #tpu.memory_space<vmem>>[vector<16xi32>], vector<16xf32>,
    %mul3A_120 = arith.constant 6.250000e-01 : f32
    %mul3A_121 = vector.broadcast %mul3A_120 : f32 to vector<16xf32>
    %mul3A_122 = arith.mulf %get3A_3, %mul3A_121 : vector<16xf32>
    %add3A_123 = arith.addf %mul3A_122, %get3A_5 : vector<16xf32>
    %convert_element_type3A_124 = arith.fptosi %add3A_123 : vector<16xf32> to vector<16xi32>
    %convert_element_type3A_125 = arith.sitofp %convert_element_type3A_124 : vector<16xi32> to vector<16xf32>
    %add3A_126 = arith.constant 10 : i32
    %add3A_127 = vector.broadcast %add3A_126 : i32 to vector<16xi32>
    %add3A_128 = arith.addi %mul3A_12, %add3A_127 : vector<16xi32>
    %max3A_129 = arith.maximumf %get3A_7, %convert_element_type3A_125 : vector<16xf32>
    %min3A_130 = arith.minimumf %get3A_9, %max3A_129 : vector<16xf32>
    tpu.vector_store_idx %arg12[%add3A_128], %min3A_130 : memref<256xf32, #tpu.memory_space<vmem>>[vector<16xi32>], vector<16xf32>,
    %mul3A_131 = arith.constant 6.875000e-01 : f32
    %mul3A_132 = vector.broadcast %mul3A_131 : f32 to vector<16xf32>
    %mul3A_133 = arith.mulf %get3A_3, %mul3A_132 : vector<16xf32>
    %add3A_134 = arith.addf %mul3A_133, %get3A_5 : vector<16xf32>
    %convert_element_type3A_135 = arith.fptosi %add3A_134 : vector<16xf32> to vector<16xi32>
    %convert_element_type3A_136 = arith.sitofp %convert_element_type3A_135 : vector<16xi32> to vector<16xf32>
    %add3A_137 = arith.constant 11 : i32
    %add3A_138 = vector.broadcast %add3A_137 : i32 to vector<16xi32>
    %add3A_139 = arith.addi %mul3A_12, %add3A_138 : vector<16xi32>
    %max3A_140 = arith.maximumf %get3A_7, %convert_element_type3A_136 : vector<16xf32>
    %min3A_141 = arith.minimumf %get3A_9, %max3A_140 : vector<16xf32>
    tpu.vector_store_idx %arg12[%add3A_139], %min3A_141 : memref<256xf32, #tpu.memory_space<vmem>>[vector<16xi32>], vector<16xf32>,
    %mul3A_142 = arith.constant 7.500000e-01 : f32
    %mul3A_143 = vector.broadcast %mul3A_142 : f32 to vector<16xf32>
    %mul3A_144 = arith.mulf %get3A_3, %mul3A_143 : vector<16xf32>
    %add3A_145 = arith.addf %mul3A_144, %get3A_5 : vector<16xf32>
    %convert_element_type3A_146 = arith.fptosi %add3A_145 : vector<16xf32> to vector<16xi32>
    %convert_element_type3A_147 = arith.sitofp %convert_element_type3A_146 : vector<16xi32> to vector<16xf32>
    %add3A_148 = arith.constant 12 : i32
    %add3A_149 = vector.broadcast %add3A_148 : i32 to vector<16xi32>
    %add3A_150 = arith.addi %mul3A_12, %add3A_149 : vector<16xi32>
    %max3A_151 = arith.maximumf %get3A_7, %convert_element_type3A_147 : vector<16xf32>
    %min3A_152 = arith.minimumf %get3A_9, %max3A_151 : vector<16xf32>
    tpu.vector_store_idx %arg12[%add3A_150], %min3A_152 : memref<256xf32, #tpu.memory_space<vmem>>[vector<16xi32>], vector<16xf32>,
    %mul3A_153 = arith.constant 8.125000e-01 : f32
    %mul3A_154 = vector.broadcast %mul3A_153 : f32 to vector<16xf32>
    %mul3A_155 = arith.mulf %get3A_3, %mul3A_154 : vector<16xf32>
    %add3A_156 = arith.addf %mul3A_155, %get3A_5 : vector<16xf32>
    %convert_element_type3A_157 = arith.fptosi %add3A_156 : vector<16xf32> to vector<16xi32>
    %convert_element_type3A_158 = arith.sitofp %convert_element_type3A_157 : vector<16xi32> to vector<16xf32>
    %add3A_159 = arith.constant 13 : i32
    %add3A_160 = vector.broadcast %add3A_159 : i32 to vector<16xi32>
    %add3A_161 = arith.addi %mul3A_12, %add3A_160 : vector<16xi32>
    %max3A_162 = arith.maximumf %get3A_7, %convert_element_type3A_158 : vector<16xf32>
    %min3A_163 = arith.minimumf %get3A_9, %max3A_162 : vector<16xf32>
    tpu.vector_store_idx %arg12[%add3A_161], %min3A_163 : memref<256xf32, #tpu.memory_space<vmem>>[vector<16xi32>], vector<16xf32>,
    %mul3A_164 = arith.constant 8.750000e-01 : f32
    %mul3A_165 = vector.broadcast %mul3A_164 : f32 to vector<16xf32>
    %mul3A_166 = arith.mulf %get3A_3, %mul3A_165 : vector<16xf32>
    %add3A_167 = arith.addf %mul3A_166, %get3A_5 : vector<16xf32>
    %convert_element_type3A_168 = arith.fptosi %add3A_167 : vector<16xf32> to vector<16xi32>
    %convert_element_type3A_169 = arith.sitofp %convert_element_type3A_168 : vector<16xi32> to vector<16xf32>
    %add3A_170 = arith.constant 14 : i32
    %add3A_171 = vector.broadcast %add3A_170 : i32 to vector<16xi32>
    %add3A_172 = arith.addi %mul3A_12, %add3A_171 : vector<16xi32>
    %max3A_173 = arith.maximumf %get3A_7, %convert_element_type3A_169 : vector<16xf32>
    %min3A_174 = arith.minimumf %get3A_9, %max3A_173 : vector<16xf32>
    tpu.vector_store_idx %arg12[%add3A_172], %min3A_174 : memref<256xf32, #tpu.memory_space<vmem>>[vector<16xi32>], vector<16xf32>,
    %mul3A_175 = arith.constant 9.375000e-01 : f32
    %mul3A_176 = vector.broadcast %mul3A_175 : f32 to vector<16xf32>
    %mul3A_177 = arith.mulf %get3A_3, %mul3A_176 : vector<16xf32>
    %add3A_178 = arith.addf %mul3A_177, %get3A_5 : vector<16xf32>
    %convert_element_type3A_179 = arith.fptosi %add3A_178 : vector<16xf32> to vector<16xi32>
    %convert_element_type3A_180 = arith.sitofp %convert_element_type3A_179 : vector<16xi32> to vector<16xf32>
    %add3A_181 = arith.constant 15 : i32
    %add3A_182 = vector.broadcast %add3A_181 : i32 to vector<16xi32>
    %add3A_183 = arith.addi %mul3A_12, %add3A_182 : vector<16xi32>
    %max3A_184 = arith.maximumf %get3A_7, %convert_element_type3A_180 : vector<16xf32>
    %min3A_185 = arith.minimumf %get3A_9, %max3A_184 : vector<16xf32>
    tpu.vector_store_idx %arg12[%add3A_183], %min3A_185 : memref<256xf32, #tpu.memory_space<vmem>>[vector<16xi32>], vector<16xf32>,
    %add3A_186 = arith.constant 0 : i32
    %add3A_187 = arith.addi %mul3A_2, %add3A_186 : i32
    %dma_start3A = arith.constant 0 : i32
    %dma_start3A_188 = tpu.memref_slice %arg2[%add3A_187, %dma_start3A] : memref<86016x224xf32, #tpu.memory_space<hbm>> -> memref<56x224xf32, #tpu.memory_space<hbm>>
    %dma_start3A_189 = arith.constant 0 : i32
    %dma_start3A_190 = tpu.memref_slice %arg2[%add3A_187, %dma_start3A_189] : memref<86016x224xf32, #tpu.memory_space<hbm>> -> memref<56x224xf32, #tpu.memory_space<hbm>>
    tpu.enqueue_dma source(%dma_start3A_190 : memref<56x224xf32, #tpu.memory_space<hbm>>) target(%arg13 : memref<56x224xf32, #tpu.memory_space<vmem>>) target_semaphore(%arg19 : memref<!tpu.dma_semaphore, #tpu.memory_space<semaphore_mem>>)
    %add3A_191 = arith.constant 56 : i32
    %add3A_192 = arith.addi %mul3A_2, %add3A_191 : i32
    %dma_start3A_193 = arith.constant 0 : i32
    %dma_start3A_194 = tpu.memref_slice %arg2[%add3A_192, %dma_start3A_193] : memref<86016x224xf32, #tpu.memory_space<hbm>> -> memref<56x224xf32, #tpu.memory_space<hbm>>
    %dma_start3A_195 = arith.constant 0 : i32
    %dma_start3A_196 = tpu.memref_slice %arg2[%add3A_192, %dma_start3A_195] : memref<86016x224xf32, #tpu.memory_space<hbm>> -> memref<56x224xf32, #tpu.memory_space<hbm>>
    tpu.enqueue_dma source(%dma_start3A_196 : memref<56x224xf32, #tpu.memory_space<hbm>>) target(%arg14 : memref<56x224xf32, #tpu.memory_space<vmem>>) target_semaphore(%arg20 : memref<!tpu.dma_semaphore, #tpu.memory_space<semaphore_mem>>)
    %add3A_197 = arith.constant 112 : i32
    %add3A_198 = arith.addi %mul3A_2, %add3A_197 : i32
    %dma_start3A_199 = arith.constant 0 : i32
    %dma_start3A_200 = tpu.memref_slice %arg2[%add3A_198, %dma_start3A_199] : memref<86016x224xf32, #tpu.memory_space<hbm>> -> memref<56x224xf32, #tpu.memory_space<hbm>>
    %dma_start3A_201 = arith.constant 0 : i32
    %dma_start3A_202 = tpu.memref_slice %arg2[%add3A_198, %dma_start3A_201] : memref<86016x224xf32, #tpu.memory_space<hbm>> -> memref<56x224xf32, #tpu.memory_space<hbm>>
    tpu.enqueue_dma source(%dma_start3A_202 : memref<56x224xf32, #tpu.memory_space<hbm>>) target(%arg15 : memref<56x224xf32, #tpu.memory_space<vmem>>) target_semaphore(%arg21 : memref<!tpu.dma_semaphore, #tpu.memory_space<semaphore_mem>>)
    %add3A_203 = arith.constant 168 : i32
    %add3A_204 = arith.addi %mul3A_2, %add3A_203 : i32
    %dma_start3A_205 = arith.constant 0 : i32
    %dma_start3A_206 = tpu.memref_slice %arg2[%add3A_204, %dma_start3A_205] : memref<86016x224xf32, #tpu.memory_space<hbm>> -> memref<56x224xf32, #tpu.memory_space<hbm>>
    %dma_start3A_207 = arith.constant 0 : i32
    %dma_start3A_208 = tpu.memref_slice %arg2[%add3A_204, %dma_start3A_207] : memref<86016x224xf32, #tpu.memory_space<hbm>> -> memref<56x224xf32, #tpu.memory_space<hbm>>
    tpu.enqueue_dma source(%dma_start3A_208 : memref<56x224xf32, #tpu.memory_space<hbm>>) target(%arg16 : memref<56x224xf32, #tpu.memory_space<vmem>>) target_semaphore(%arg22 : memref<!tpu.dma_semaphore, #tpu.memory_space<semaphore_mem>>)
    %scan3A = arith.constant 0 : i32
    %scan3A_209 = arith.constant 0 : i32
    %scan3A_210 = arith.constant 12 : i32
    %scan3A_211 = arith.addi %scan3A_209, %scan3A_210 : i32
    %scan3A_212 = arith.constant 1 : i32
    %scan3A_213 = scf.for %scan3A_226 = %scan3A_209 to %scan3A_211 step %scan3A_212 iter_args(%scan3A_227 = %scan3A) -> (i32)  : i32 {
      %mul3A_228 = arith.constant 4 : i32
      %mul3A_229 = arith.muli %scan3A_226, %mul3A_228 : i32
      %add3A_230 = arith.constant 0 : i32
      %add3A_231 = arith.addi %mul3A_229, %add3A_230 : i32
      %mul3A_232 = arith.constant 56 : i32
      %mul3A_233 = arith.muli %add3A_231, %mul3A_232 : i32
      %add3A_234 = arith.addi %mul3A_2, %mul3A_233 : i32
      %dma_wait3A_235 = arith.constant 0 : i32
      %dma_wait3A_236 = tpu.memref_slice %arg2[%add3A_234, %dma_wait3A_235] : memref<86016x224xf32, #tpu.memory_space<hbm>> -> memref<56x224xf32, #tpu.memory_space<hbm>>
      %dma_wait3A_237 = arith.constant 0 : i32
      %dma_wait3A_238 = tpu.memref_slice %arg2[%add3A_234, %dma_wait3A_237] : memref<86016x224xf32, #tpu.memory_space<hbm>> -> memref<56x224xf32, #tpu.memory_space<hbm>>
      tpu.wait_dma2 semaphore(%arg19 : memref<!tpu.dma_semaphore, #tpu.memory_space<semaphore_mem>>) src(%dma_wait3A_238 : memref<56x224xf32, #tpu.memory_space<hbm>>) dst(%arg13 : memref<56x224xf32, #tpu.memory_space<vmem>>)
      %ge3A = arith.constant 1 : i32
      %ge3A_239 = arith.cmpi sge, %scan3A_226, %ge3A : i32
      %convert_element_type3A_240 = arith.extui %ge3A_239 : i1 to i32
      %cond3A = arith.constant 0 : i32
      %cond3A_241 = arith.cmpi ne, %convert_element_type3A_240, %cond3A : i32
      scf.if %cond3A_241 {
        %sub3A_356 = arith.constant 2 : i32
        %sub3A_357 = arith.subi %add3A_231, %sub3A_356 : i32
        %mul3A_358 = arith.constant 56 : i32
        %mul3A_359 = arith.muli %sub3A_357, %mul3A_358 : i32
        %add3A_360 = arith.addi %mul3A_2, %mul3A_359 : i32
        %dma_wait3A_361 = arith.constant 0 : i32
        %dma_wait3A_362 = tpu.memref_slice %arg7[%add3A_360, %dma_wait3A_361] : memref<86016x224xf32, #tpu.memory_space<hbm>> -> memref<56x224xf32, #tpu.memory_space<hbm>>
        %dma_wait3A_363 = arith.constant 0 : i32
        %dma_wait3A_364 = tpu.memref_slice %arg7[%add3A_360, %dma_wait3A_363] : memref<86016x224xf32, #tpu.memory_space<hbm>> -> memref<56x224xf32, #tpu.memory_space<hbm>>
        tpu.wait_dma2 semaphore(%arg23 : memref<!tpu.dma_semaphore, #tpu.memory_space<semaphore_mem>>) src(%arg17 : memref<56x224xf32, #tpu.memory_space<vmem>>) dst(%dma_wait3A_364 : memref<56x224xf32, #tpu.memory_space<hbm>>)
      } else {
      }
      %parallel_loop3A = arith.constant 0 : i32
      %parallel_loop3A_242 = arith.constant 56 : i32
      %parallel_loop3A_243 = arith.constant 1 : i32
      scf.for %parallel_loop3A_356 = %parallel_loop3A to %parallel_loop3A_242 step %parallel_loop3A_243  : i32 {
        %parallel_loop3A_357 = arith.index_cast %parallel_loop3A_356 : i32 to index
        %parallel_loop3A_358 = arith.constant 0 : index
        %parallel_loop3A_359 = tpu.vector_load %arg13[%parallel_loop3A_357, %parallel_loop3A_358] {strides = array<i32>} : memref<56x224xf32, #tpu.memory_space<vmem>>, vector<16xf32>,
        %parallel_loop3A_360 = arith.fptosi %parallel_loop3A_359 : vector<16xf32> to vector<16xi32>
        %parallel_loop3A_361 = tpu.vector_load_idx %arg12[%parallel_loop3A_360] : memref<256xf32, #tpu.memory_space<vmem>>[vector<16xi32>], vector<16xf32>,
        %parallel_loop3A_362 = arith.index_cast %parallel_loop3A_356 : i32 to index
        %parallel_loop3A_363 = arith.constant 0 : index
        %parallel_loop3A_364 = tpu.vector_load %arg17[%parallel_loop3A_362, %parallel_loop3A_363] {strides = array<i32>} : memref<56x224xf32, #tpu.memory_space<vmem>>, vector<16xf32>,
        tpu.vector_store %arg17[%parallel_loop3A_362, %parallel_loop3A_363], %parallel_loop3A_361 {strides = array<i32>} : memref<56x224xf32, #tpu.memory_space<vmem>>, vector<16xf32>,
        %parallel_loop3A_365 = arith.index_cast %parallel_loop3A_356 : i32 to index
        %parallel_loop3A_366 = arith.constant 16 : index
        %parallel_loop3A_367 = tpu.vector_load %arg13[%parallel_loop3A_365, %parallel_loop3A_366] {strides = array<i32>} : memref<56x224xf32, #tpu.memory_space<vmem>>, vector<16xf32>,
        %parallel_loop3A_368 = arith.fptosi %parallel_loop3A_367 : vector<16xf32> to vector<16xi32>
        %parallel_loop3A_369 = tpu.vector_load_idx %arg12[%parallel_loop3A_368] : memref<256xf32, #tpu.memory_space<vmem>>[vector<16xi32>], vector<16xf32>,
        %parallel_loop3A_370 = arith.index_cast %parallel_loop3A_356 : i32 to index
        %parallel_loop3A_371 = arith.constant 16 : index
        %parallel_loop3A_372 = tpu.vector_load %arg17[%parallel_loop3A_370, %parallel_loop3A_371] {strides = array<i32>} : memref<56x224xf32, #tpu.memory_space<vmem>>, vector<16xf32>,
        tpu.vector_store %arg17[%parallel_loop3A_370, %parallel_loop3A_371], %parallel_loop3A_369 {strides = array<i32>} : memref<56x224xf32, #tpu.memory_space<vmem>>, vector<16xf32>,
        %parallel_loop3A_373 = arith.index_cast %parallel_loop3A_356 : i32 to index
        %parallel_loop3A_374 = arith.constant 32 : index
        %parallel_loop3A_375 = tpu.vector_load %arg13[%parallel_loop3A_373, %parallel_loop3A_374] {strides = array<i32>} : memref<56x224xf32, #tpu.memory_space<vmem>>, vector<16xf32>,
        %parallel_loop3A_376 = arith.fptosi %parallel_loop3A_375 : vector<16xf32> to vector<16xi32>
        %parallel_loop3A_377 = tpu.vector_load_idx %arg12[%parallel_loop3A_376] : memref<256xf32, #tpu.memory_space<vmem>>[vector<16xi32>], vector<16xf32>,
        %parallel_loop3A_378 = arith.index_cast %parallel_loop3A_356 : i32 to index
        %parallel_loop3A_379 = arith.constant 32 : index
        %parallel_loop3A_380 = tpu.vector_load %arg17[%parallel_loop3A_378, %parallel_loop3A_379] {strides = array<i32>} : memref<56x224xf32, #tpu.memory_space<vmem>>, vector<16xf32>,
        tpu.vector_store %arg17[%parallel_loop3A_378, %parallel_loop3A_379], %parallel_loop3A_377 {strides = array<i32>} : memref<56x224xf32, #tpu.memory_space<vmem>>, vector<16xf32>,
        %parallel_loop3A_381 = arith.index_cast %parallel_loop3A_356 : i32 to index
        %parallel_loop3A_382 = arith.constant 48 : index
        %parallel_loop3A_383 = tpu.vector_load %arg13[%parallel_loop3A_381, %parallel_loop3A_382] {strides = array<i32>} : memref<56x224xf32, #tpu.memory_space<vmem>>, vector<16xf32>,
        %parallel_loop3A_384 = arith.fptosi %parallel_loop3A_383 : vector<16xf32> to vector<16xi32>
        %parallel_loop3A_385 = tpu.vector_load_idx %arg12[%parallel_loop3A_384] : memref<256xf32, #tpu.memory_space<vmem>>[vector<16xi32>], vector<16xf32>,
        %parallel_loop3A_386 = arith.index_cast %parallel_loop3A_356 : i32 to index
        %parallel_loop3A_387 = arith.constant 48 : index
        %parallel_loop3A_388 = tpu.vector_load %arg17[%parallel_loop3A_386, %parallel_loop3A_387] {strides = array<i32>} : memref<56x224xf32, #tpu.memory_space<vmem>>, vector<16xf32>,
        tpu.vector_store %arg17[%parallel_loop3A_386, %parallel_loop3A_387], %parallel_loop3A_385 {strides = array<i32>} : memref<56x224xf32, #tpu.memory_space<vmem>>, vector<16xf32>,
        %parallel_loop3A_389 = arith.index_cast %parallel_loop3A_356 : i32 to index
        %parallel_loop3A_390 = arith.constant 64 : index
        %parallel_loop3A_391 = tpu.vector_load %arg13[%parallel_loop3A_389, %parallel_loop3A_390] {strides = array<i32>} : memref<56x224xf32, #tpu.memory_space<vmem>>, vector<16xf32>,
        %parallel_loop3A_392 = arith.fptosi %parallel_loop3A_391 : vector<16xf32> to vector<16xi32>
        %parallel_loop3A_393 = tpu.vector_load_idx %arg12[%parallel_loop3A_392] : memref<256xf32, #tpu.memory_space<vmem>>[vector<16xi32>], vector<16xf32>,
        %parallel_loop3A_394 = arith.index_cast %parallel_loop3A_356 : i32 to index
        %parallel_loop3A_395 = arith.constant 64 : index
        %parallel_loop3A_396 = tpu.vector_load %arg17[%parallel_loop3A_394, %parallel_loop3A_395] {strides = array<i32>} : memref<56x224xf32, #tpu.memory_space<vmem>>, vector<16xf32>,
        tpu.vector_store %arg17[%parallel_loop3A_394, %parallel_loop3A_395], %parallel_loop3A_393 {strides = array<i32>} : memref<56x224xf32, #tpu.memory_space<vmem>>, vector<16xf32>,
        %parallel_loop3A_397 = arith.index_cast %parallel_loop3A_356 : i32 to index
        %parallel_loop3A_398 = arith.constant 80 : index
        %parallel_loop3A_399 = tpu.vector_load %arg13[%parallel_loop3A_397, %parallel_loop3A_398] {strides = array<i32>} : memref<56x224xf32, #tpu.memory_space<vmem>>, vector<16xf32>,
        %parallel_loop3A_400 = arith.fptosi %parallel_loop3A_399 : vector<16xf32> to vector<16xi32>
        %parallel_loop3A_401 = tpu.vector_load_idx %arg12[%parallel_loop3A_400] : memref<256xf32, #tpu.memory_space<vmem>>[vector<16xi32>], vector<16xf32>,
        %parallel_loop3A_402 = arith.index_cast %parallel_loop3A_356 : i32 to index
        %parallel_loop3A_403 = arith.constant 80 : index
        %parallel_loop3A_404 = tpu.vector_load %arg17[%parallel_loop3A_402, %parallel_loop3A_403] {strides = array<i32>} : memref<56x224xf32, #tpu.memory_space<vmem>>, vector<16xf32>,
        tpu.vector_store %arg17[%parallel_loop3A_402, %parallel_loop3A_403], %parallel_loop3A_401 {strides = array<i32>} : memref<56x224xf32, #tpu.memory_space<vmem>>, vector<16xf32>,
        %parallel_loop3A_405 = arith.index_cast %parallel_loop3A_356 : i32 to index
        %parallel_loop3A_406 = arith.constant 96 : index
        %parallel_loop3A_407 = tpu.vector_load %arg13[%parallel_loop3A_405, %parallel_loop3A_406] {strides = array<i32>} : memref<56x224xf32, #tpu.memory_space<vmem>>, vector<16xf32>,
        %parallel_loop3A_408 = arith.fptosi %parallel_loop3A_407 : vector<16xf32> to vector<16xi32>
        %parallel_loop3A_409 = tpu.vector_load_idx %arg12[%parallel_loop3A_408] : memref<256xf32, #tpu.memory_space<vmem>>[vector<16xi32>], vector<16xf32>,
        %parallel_loop3A_410 = arith.index_cast %parallel_loop3A_356 : i32 to index
        %parallel_loop3A_411 = arith.constant 96 : index
        %parallel_loop3A_412 = tpu.vector_load %arg17[%parallel_loop3A_410, %parallel_loop3A_411] {strides = array<i32>} : memref<56x224xf32, #tpu.memory_space<vmem>>, vector<16xf32>,
        tpu.vector_store %arg17[%parallel_loop3A_410, %parallel_loop3A_411], %parallel_loop3A_409 {strides = array<i32>} : memref<56x224xf32, #tpu.memory_space<vmem>>, vector<16xf32>,
        %parallel_loop3A_413 = arith.index_cast %parallel_loop3A_356 : i32 to index
        %parallel_loop3A_414 = arith.constant 112 : index
        %parallel_loop3A_415 = tpu.vector_load %arg13[%parallel_loop3A_413, %parallel_loop3A_414] {strides = array<i32>} : memref<56x224xf32, #tpu.memory_space<vmem>>, vector<16xf32>,
        %parallel_loop3A_416 = arith.fptosi %parallel_loop3A_415 : vector<16xf32> to vector<16xi32>
        %parallel_loop3A_417 = tpu.vector_load_idx %arg12[%parallel_loop3A_416] : memref<256xf32, #tpu.memory_space<vmem>>[vector<16xi32>], vector<16xf32>,
        %parallel_loop3A_418 = arith.index_cast %parallel_loop3A_356 : i32 to index
        %parallel_loop3A_419 = arith.constant 112 : index
        %parallel_loop3A_420 = tpu.vector_load %arg17[%parallel_loop3A_418, %parallel_loop3A_419] {strides = array<i32>} : memref<56x224xf32, #tpu.memory_space<vmem>>, vector<16xf32>,
        tpu.vector_store %arg17[%parallel_loop3A_418, %parallel_loop3A_419], %parallel_loop3A_417 {strides = array<i32>} : memref<56x224xf32, #tpu.memory_space<vmem>>, vector<16xf32>,
        %parallel_loop3A_421 = arith.index_cast %parallel_loop3A_356 : i32 to index
        %parallel_loop3A_422 = arith.constant 128 : index
        %parallel_loop3A_423 = tpu.vector_load %arg13[%parallel_loop3A_421, %parallel_loop3A_422] {strides = array<i32>} : memref<56x224xf32, #tpu.memory_space<vmem>>, vector<16xf32>,
        %parallel_loop3A_424 = arith.fptosi %parallel_loop3A_423 : vector<16xf32> to vector<16xi32>
        %parallel_loop3A_425 = tpu.vector_load_idx %arg12[%parallel_loop3A_424] : memref<256xf32, #tpu.memory_space<vmem>>[vector<16xi32>], vector<16xf32>,
        %parallel_loop3A_426 = arith.index_cast %parallel_loop3A_356 : i32 to index
        %parallel_loop3A_427 = arith.constant 128 : index
        %parallel_loop3A_428 = tpu.vector_load %arg17[%parallel_loop3A_426, %parallel_loop3A_427] {strides = array<i32>} : memref<56x224xf32, #tpu.memory_space<vmem>>, vector<16xf32>,
        tpu.vector_store %arg17[%parallel_loop3A_426, %parallel_loop3A_427], %parallel_loop3A_425 {strides = array<i32>} : memref<56x224xf32, #tpu.memory_space<vmem>>, vector<16xf32>,
        %parallel_loop3A_429 = arith.index_cast %parallel_loop3A_356 : i32 to index
        %parallel_loop3A_430 = arith.constant 144 : index
        %parallel_loop3A_431 = tpu.vector_load %arg13[%parallel_loop3A_429, %parallel_loop3A_430] {strides = array<i32>} : memref<56x224xf32, #tpu.memory_space<vmem>>, vector<16xf32>,
        %parallel_loop3A_432 = arith.fptosi %parallel_loop3A_431 : vector<16xf32> to vector<16xi32>
        %parallel_loop3A_433 = tpu.vector_load_idx %arg12[%parallel_loop3A_432] : memref<256xf32, #tpu.memory_space<vmem>>[vector<16xi32>], vector<16xf32>,
        %parallel_loop3A_434 = arith.index_cast %parallel_loop3A_356 : i32 to index
        %parallel_loop3A_435 = arith.constant 144 : index
        %parallel_loop3A_436 = tpu.vector_load %arg17[%parallel_loop3A_434, %parallel_loop3A_435] {strides = array<i32>} : memref<56x224xf32, #tpu.memory_space<vmem>>, vector<16xf32>,
        tpu.vector_store %arg17[%parallel_loop3A_434, %parallel_loop3A_435], %parallel_loop3A_433 {strides = array<i32>} : memref<56x224xf32, #tpu.memory_space<vmem>>, vector<16xf32>,
        %parallel_loop3A_437 = arith.index_cast %parallel_loop3A_356 : i32 to index
        %parallel_loop3A_438 = arith.constant 160 : index
        %parallel_loop3A_439 = tpu.vector_load %arg13[%parallel_loop3A_437, %parallel_loop3A_438] {strides = array<i32>} : memref<56x224xf32, #tpu.memory_space<vmem>>, vector<16xf32>,
        %parallel_loop3A_440 = arith.fptosi %parallel_loop3A_439 : vector<16xf32> to vector<16xi32>
        %parallel_loop3A_441 = tpu.vector_load_idx %arg12[%parallel_loop3A_440] : memref<256xf32, #tpu.memory_space<vmem>>[vector<16xi32>], vector<16xf32>,
        %parallel_loop3A_442 = arith.index_cast %parallel_loop3A_356 : i32 to index
        %parallel_loop3A_443 = arith.constant 160 : index
        %parallel_loop3A_444 = tpu.vector_load %arg17[%parallel_loop3A_442, %parallel_loop3A_443] {strides = array<i32>} : memref<56x224xf32, #tpu.memory_space<vmem>>, vector<16xf32>,
        tpu.vector_store %arg17[%parallel_loop3A_442, %parallel_loop3A_443], %parallel_loop3A_441 {strides = array<i32>} : memref<56x224xf32, #tpu.memory_space<vmem>>, vector<16xf32>,
        %parallel_loop3A_445 = arith.index_cast %parallel_loop3A_356 : i32 to index
        %parallel_loop3A_446 = arith.constant 176 : index
        %parallel_loop3A_447 = tpu.vector_load %arg13[%parallel_loop3A_445, %parallel_loop3A_446] {strides = array<i32>} : memref<56x224xf32, #tpu.memory_space<vmem>>, vector<16xf32>,
        %parallel_loop3A_448 = arith.fptosi %parallel_loop3A_447 : vector<16xf32> to vector<16xi32>
        %parallel_loop3A_449 = tpu.vector_load_idx %arg12[%parallel_loop3A_448] : memref<256xf32, #tpu.memory_space<vmem>>[vector<16xi32>], vector<16xf32>,
        %parallel_loop3A_450 = arith.index_cast %parallel_loop3A_356 : i32 to index
        %parallel_loop3A_451 = arith.constant 176 : index
        %parallel_loop3A_452 = tpu.vector_load %arg17[%parallel_loop3A_450, %parallel_loop3A_451] {strides = array<i32>} : memref<56x224xf32, #tpu.memory_space<vmem>>, vector<16xf32>,
        tpu.vector_store %arg17[%parallel_loop3A_450, %parallel_loop3A_451], %parallel_loop3A_449 {strides = array<i32>} : memref<56x224xf32, #tpu.memory_space<vmem>>, vector<16xf32>,
        %parallel_loop3A_453 = arith.index_cast %parallel_loop3A_356 : i32 to index
        %parallel_loop3A_454 = arith.constant 192 : index
        %parallel_loop3A_455 = tpu.vector_load %arg13[%parallel_loop3A_453, %parallel_loop3A_454] {strides = array<i32>} : memref<56x224xf32, #tpu.memory_space<vmem>>, vector<16xf32>,
        %parallel_loop3A_456 = arith.fptosi %parallel_loop3A_455 : vector<16xf32> to vector<16xi32>
        %parallel_loop3A_457 = tpu.vector_load_idx %arg12[%parallel_loop3A_456] : memref<256xf32, #tpu.memory_space<vmem>>[vector<16xi32>], vector<16xf32>,
        %parallel_loop3A_458 = arith.index_cast %parallel_loop3A_356 : i32 to index
        %parallel_loop3A_459 = arith.constant 192 : index
        %parallel_loop3A_460 = tpu.vector_load %arg17[%parallel_loop3A_458, %parallel_loop3A_459] {strides = array<i32>} : memref<56x224xf32, #tpu.memory_space<vmem>>, vector<16xf32>,
        tpu.vector_store %arg17[%parallel_loop3A_458, %parallel_loop3A_459], %parallel_loop3A_457 {strides = array<i32>} : memref<56x224xf32, #tpu.memory_space<vmem>>, vector<16xf32>,
        %parallel_loop3A_461 = arith.index_cast %parallel_loop3A_356 : i32 to index
        %parallel_loop3A_462 = arith.constant 208 : index
        %parallel_loop3A_463 = tpu.vector_load %arg13[%parallel_loop3A_461, %parallel_loop3A_462] {strides = array<i32>} : memref<56x224xf32, #tpu.memory_space<vmem>>, vector<16xf32>,
        %parallel_loop3A_464 = arith.fptosi %parallel_loop3A_463 : vector<16xf32> to vector<16xi32>
        %parallel_loop3A_465 = tpu.vector_load_idx %arg12[%parallel_loop3A_464] : memref<256xf32, #tpu.memory_space<vmem>>[vector<16xi32>], vector<16xf32>,
        %parallel_loop3A_466 = arith.index_cast %parallel_loop3A_356 : i32 to index
        %parallel_loop3A_467 = arith.constant 208 : index
        %parallel_loop3A_468 = tpu.vector_load %arg17[%parallel_loop3A_466, %parallel_loop3A_467] {strides = array<i32>} : memref<56x224xf32, #tpu.memory_space<vmem>>, vector<16xf32>,
        tpu.vector_store %arg17[%parallel_loop3A_466, %parallel_loop3A_467], %parallel_loop3A_465 {strides = array<i32>} : memref<56x224xf32, #tpu.memory_space<vmem>>, vector<16xf32>,
      } {sc.loop_unroll_factor = 2 : i64, sc.parallel_access}
      %mul3A_244 = arith.constant 56 : i32
      %mul3A_245 = arith.muli %add3A_231, %mul3A_244 : i32
      %add3A_246 = arith.addi %mul3A_2, %mul3A_245 : i32
      %dma_start3A_247 = arith.constant 0 : i32
      %dma_start3A_248 = tpu.memref_slice %arg7[%add3A_246, %dma_start3A_247] : memref<86016x224xf32, #tpu.memory_space<hbm>> -> memref<56x224xf32, #tpu.memory_space<hbm>>
      %dma_start3A_249 = arith.constant 0 : i32
      %dma_start3A_250 = tpu.memref_slice %arg7[%add3A_246, %dma_start3A_249] : memref<86016x224xf32, #tpu.memory_space<hbm>> -> memref<56x224xf32, #tpu.memory_space<hbm>>
      tpu.enqueue_dma source(%arg17 : memref<56x224xf32, #tpu.memory_space<vmem>>) target(%dma_start3A_250 : memref<56x224xf32, #tpu.memory_space<hbm>>) target_semaphore(%arg23 : memref<!tpu.dma_semaphore, #tpu.memory_space<semaphore_mem>>)
      %lt3A = arith.constant 11 : i32
      %lt3A_251 = arith.cmpi slt, %scan3A_226, %lt3A : i32
      %convert_element_type3A_252 = arith.extui %lt3A_251 : i1 to i32
      %cond3A_253 = arith.constant 0 : i32
      %cond3A_254 = arith.cmpi ne, %convert_element_type3A_252, %cond3A_253 : i32
      scf.if %cond3A_254 {
        %add3A_356 = arith.constant 4 : i32
        %add3A_357 = arith.addi %add3A_231, %add3A_356 : i32
        %mul3A_358 = arith.constant 56 : i32
        %mul3A_359 = arith.muli %add3A_357, %mul3A_358 : i32
        %add3A_360 = arith.addi %mul3A_2, %mul3A_359 : i32
        %dma_start3A_361 = arith.constant 0 : i32
        %dma_start3A_362 = tpu.memref_slice %arg2[%add3A_360, %dma_start3A_361] : memref<86016x224xf32, #tpu.memory_space<hbm>> -> memref<56x224xf32, #tpu.memory_space<hbm>>
        %dma_start3A_363 = arith.constant 0 : i32
        %dma_start3A_364 = tpu.memref_slice %arg2[%add3A_360, %dma_start3A_363] : memref<86016x224xf32, #tpu.memory_space<hbm>> -> memref<56x224xf32, #tpu.memory_space<hbm>>
        tpu.enqueue_dma source(%dma_start3A_364 : memref<56x224xf32, #tpu.memory_space<hbm>>) target(%arg13 : memref<56x224xf32, #tpu.memory_space<vmem>>) target_semaphore(%arg19 : memref<!tpu.dma_semaphore, #tpu.memory_space<semaphore_mem>>)
      } else {
      }
      %mul3A_255 = arith.constant 4 : i32
      %mul3A_256 = arith.muli %scan3A_226, %mul3A_255 : i32
      %add3A_257 = arith.constant 1 : i32
      %add3A_258 = arith.addi %mul3A_256, %add3A_257 : i32
      %mul3A_259 = arith.constant 56 : i32
      %mul3A_260 = arith.muli %add3A_258, %mul3A_259 : i32
      %add3A_261 = arith.addi %mul3A_2, %mul3A_260 : i32
      %dma_wait3A_262 = arith.constant 0 : i32
      %dma_wait3A_263 = tpu.memref_slice %arg2[%add3A_261, %dma_wait3A_262] : memref<86016x224xf32, #tpu.memory_space<hbm>> -> memref<56x224xf32, #tpu.memory_space<hbm>>
      %dma_wait3A_264 = arith.constant 0 : i32
      %dma_wait3A_265 = tpu.memref_slice %arg2[%add3A_261, %dma_wait3A_264] : memref<86016x224xf32, #tpu.memory_space<hbm>> -> memref<56x224xf32, #tpu.memory_space<hbm>>
      tpu.wait_dma2 semaphore(%arg20 : memref<!tpu.dma_semaphore, #tpu.memory_space<semaphore_mem>>) src(%dma_wait3A_265 : memref<56x224xf32, #tpu.memory_space<hbm>>) dst(%arg14 : memref<56x224xf32, #tpu.memory_space<vmem>>)
      %ge3A_266 = arith.constant 1 : i32
      %ge3A_267 = arith.cmpi sge, %scan3A_226, %ge3A_266 : i32
      %convert_element_type3A_268 = arith.extui %ge3A_267 : i1 to i32
      %cond3A_269 = arith.constant 0 : i32
      %cond3A_270 = arith.cmpi ne, %convert_element_type3A_268, %cond3A_269 : i32
      scf.if %cond3A_270 {
        %sub3A_356 = arith.constant 2 : i32
        %sub3A_357 = arith.subi %add3A_258, %sub3A_356 : i32
        %mul3A_358 = arith.constant 56 : i32
        %mul3A_359 = arith.muli %sub3A_357, %mul3A_358 : i32
        %add3A_360 = arith.addi %mul3A_2, %mul3A_359 : i32
        %dma_wait3A_361 = arith.constant 0 : i32
        %dma_wait3A_362 = tpu.memref_slice %arg7[%add3A_360, %dma_wait3A_361] : memref<86016x224xf32, #tpu.memory_space<hbm>> -> memref<56x224xf32, #tpu.memory_space<hbm>>
        %dma_wait3A_363 = arith.constant 0 : i32
        %dma_wait3A_364 = tpu.memref_slice %arg7[%add3A_360, %dma_wait3A_363] : memref<86016x224xf32, #tpu.memory_space<hbm>> -> memref<56x224xf32, #tpu.memory_space<hbm>>
        tpu.wait_dma2 semaphore(%arg24 : memref<!tpu.dma_semaphore, #tpu.memory_space<semaphore_mem>>) src(%arg18 : memref<56x224xf32, #tpu.memory_space<vmem>>) dst(%dma_wait3A_364 : memref<56x224xf32, #tpu.memory_space<hbm>>)
      } else {
      }
      %parallel_loop3A_271 = arith.constant 0 : i32
      %parallel_loop3A_272 = arith.constant 56 : i32
      %parallel_loop3A_273 = arith.constant 1 : i32
      scf.for %parallel_loop3A_356 = %parallel_loop3A_271 to %parallel_loop3A_272 step %parallel_loop3A_273  : i32 {
        %parallel_loop3A_357 = arith.index_cast %parallel_loop3A_356 : i32 to index
        %parallel_loop3A_358 = arith.constant 0 : index
        %parallel_loop3A_359 = tpu.vector_load %arg14[%parallel_loop3A_357, %parallel_loop3A_358] {strides = array<i32>} : memref<56x224xf32, #tpu.memory_space<vmem>>, vector<16xf32>,
        %parallel_loop3A_360 = arith.fptosi %parallel_loop3A_359 : vector<16xf32> to vector<16xi32>
        %parallel_loop3A_361 = tpu.vector_load_idx %arg12[%parallel_loop3A_360] : memref<256xf32, #tpu.memory_space<vmem>>[vector<16xi32>], vector<16xf32>,
        %parallel_loop3A_362 = arith.index_cast %parallel_loop3A_356 : i32 to index
        %parallel_loop3A_363 = arith.constant 0 : index
        %parallel_loop3A_364 = tpu.vector_load %arg18[%parallel_loop3A_362, %parallel_loop3A_363] {strides = array<i32>} : memref<56x224xf32, #tpu.memory_space<vmem>>, vector<16xf32>,
        tpu.vector_store %arg18[%parallel_loop3A_362, %parallel_loop3A_363], %parallel_loop3A_361 {strides = array<i32>} : memref<56x224xf32, #tpu.memory_space<vmem>>, vector<16xf32>,
        %parallel_loop3A_365 = arith.index_cast %parallel_loop3A_356 : i32 to index
        %parallel_loop3A_366 = arith.constant 16 : index
        %parallel_loop3A_367 = tpu.vector_load %arg14[%parallel_loop3A_365, %parallel_loop3A_366] {strides = array<i32>} : memref<56x224xf32, #tpu.memory_space<vmem>>, vector<16xf32>,
        %parallel_loop3A_368 = arith.fptosi %parallel_loop3A_367 : vector<16xf32> to vector<16xi32>
        %parallel_loop3A_369 = tpu.vector_load_idx %arg12[%parallel_loop3A_368] : memref<256xf32, #tpu.memory_space<vmem>>[vector<16xi32>], vector<16xf32>,
        %parallel_loop3A_370 = arith.index_cast %parallel_loop3A_356 : i32 to index
        %parallel_loop3A_371 = arith.constant 16 : index
        %parallel_loop3A_372 = tpu.vector_load %arg18[%parallel_loop3A_370, %parallel_loop3A_371] {strides = array<i32>} : memref<56x224xf32, #tpu.memory_space<vmem>>, vector<16xf32>,
        tpu.vector_store %arg18[%parallel_loop3A_370, %parallel_loop3A_371], %parallel_loop3A_369 {strides = array<i32>} : memref<56x224xf32, #tpu.memory_space<vmem>>, vector<16xf32>,
        %parallel_loop3A_373 = arith.index_cast %parallel_loop3A_356 : i32 to index
        %parallel_loop3A_374 = arith.constant 32 : index
        %parallel_loop3A_375 = tpu.vector_load %arg14[%parallel_loop3A_373, %parallel_loop3A_374] {strides = array<i32>} : memref<56x224xf32, #tpu.memory_space<vmem>>, vector<16xf32>,
        %parallel_loop3A_376 = arith.fptosi %parallel_loop3A_375 : vector<16xf32> to vector<16xi32>
        %parallel_loop3A_377 = tpu.vector_load_idx %arg12[%parallel_loop3A_376] : memref<256xf32, #tpu.memory_space<vmem>>[vector<16xi32>], vector<16xf32>,
        %parallel_loop3A_378 = arith.index_cast %parallel_loop3A_356 : i32 to index
        %parallel_loop3A_379 = arith.constant 32 : index
        %parallel_loop3A_380 = tpu.vector_load %arg18[%parallel_loop3A_378, %parallel_loop3A_379] {strides = array<i32>} : memref<56x224xf32, #tpu.memory_space<vmem>>, vector<16xf32>,
        tpu.vector_store %arg18[%parallel_loop3A_378, %parallel_loop3A_379], %parallel_loop3A_377 {strides = array<i32>} : memref<56x224xf32, #tpu.memory_space<vmem>>, vector<16xf32>,
        %parallel_loop3A_381 = arith.index_cast %parallel_loop3A_356 : i32 to index
        %parallel_loop3A_382 = arith.constant 48 : index
        %parallel_loop3A_383 = tpu.vector_load %arg14[%parallel_loop3A_381, %parallel_loop3A_382] {strides = array<i32>} : memref<56x224xf32, #tpu.memory_space<vmem>>, vector<16xf32>,
        %parallel_loop3A_384 = arith.fptosi %parallel_loop3A_383 : vector<16xf32> to vector<16xi32>
        %parallel_loop3A_385 = tpu.vector_load_idx %arg12[%parallel_loop3A_384] : memref<256xf32, #tpu.memory_space<vmem>>[vector<16xi32>], vector<16xf32>,
        %parallel_loop3A_386 = arith.index_cast %parallel_loop3A_356 : i32 to index
        %parallel_loop3A_387 = arith.constant 48 : index
        %parallel_loop3A_388 = tpu.vector_load %arg18[%parallel_loop3A_386, %parallel_loop3A_387] {strides = array<i32>} : memref<56x224xf32, #tpu.memory_space<vmem>>, vector<16xf32>,
        tpu.vector_store %arg18[%parallel_loop3A_386, %parallel_loop3A_387], %parallel_loop3A_385 {strides = array<i32>} : memref<56x224xf32, #tpu.memory_space<vmem>>, vector<16xf32>,
        %parallel_loop3A_389 = arith.index_cast %parallel_loop3A_356 : i32 to index
        %parallel_loop3A_390 = arith.constant 64 : index
        %parallel_loop3A_391 = tpu.vector_load %arg14[%parallel_loop3A_389, %parallel_loop3A_390] {strides = array<i32>} : memref<56x224xf32, #tpu.memory_space<vmem>>, vector<16xf32>,
        %parallel_loop3A_392 = arith.fptosi %parallel_loop3A_391 : vector<16xf32> to vector<16xi32>
        %parallel_loop3A_393 = tpu.vector_load_idx %arg12[%parallel_loop3A_392] : memref<256xf32, #tpu.memory_space<vmem>>[vector<16xi32>], vector<16xf32>,
        %parallel_loop3A_394 = arith.index_cast %parallel_loop3A_356 : i32 to index
        %parallel_loop3A_395 = arith.constant 64 : index
        %parallel_loop3A_396 = tpu.vector_load %arg18[%parallel_loop3A_394, %parallel_loop3A_395] {strides = array<i32>} : memref<56x224xf32, #tpu.memory_space<vmem>>, vector<16xf32>,
        tpu.vector_store %arg18[%parallel_loop3A_394, %parallel_loop3A_395], %parallel_loop3A_393 {strides = array<i32>} : memref<56x224xf32, #tpu.memory_space<vmem>>, vector<16xf32>,
        %parallel_loop3A_397 = arith.index_cast %parallel_loop3A_356 : i32 to index
        %parallel_loop3A_398 = arith.constant 80 : index
        %parallel_loop3A_399 = tpu.vector_load %arg14[%parallel_loop3A_397, %parallel_loop3A_398] {strides = array<i32>} : memref<56x224xf32, #tpu.memory_space<vmem>>, vector<16xf32>,
        %parallel_loop3A_400 = arith.fptosi %parallel_loop3A_399 : vector<16xf32> to vector<16xi32>
        %parallel_loop3A_401 = tpu.vector_load_idx %arg12[%parallel_loop3A_400] : memref<256xf32, #tpu.memory_space<vmem>>[vector<16xi32>], vector<16xf32>,
        %parallel_loop3A_402 = arith.index_cast %parallel_loop3A_356 : i32 to index
        %parallel_loop3A_403 = arith.constant 80 : index
        %parallel_loop3A_404 = tpu.vector_load %arg18[%parallel_loop3A_402, %parallel_loop3A_403] {strides = array<i32>} : memref<56x224xf32, #tpu.memory_space<vmem>>, vector<16xf32>,
        tpu.vector_store %arg18[%parallel_loop3A_402, %parallel_loop3A_403], %parallel_loop3A_401 {strides = array<i32>} : memref<56x224xf32, #tpu.memory_space<vmem>>, vector<16xf32>,
        %parallel_loop3A_405 = arith.index_cast %parallel_loop3A_356 : i32 to index
        %parallel_loop3A_406 = arith.constant 96 : index
        %parallel_loop3A_407 = tpu.vector_load %arg14[%parallel_loop3A_405, %parallel_loop3A_406] {strides = array<i32>} : memref<56x224xf32, #tpu.memory_space<vmem>>, vector<16xf32>,
        %parallel_loop3A_408 = arith.fptosi %parallel_loop3A_407 : vector<16xf32> to vector<16xi32>
        %parallel_loop3A_409 = tpu.vector_load_idx %arg12[%parallel_loop3A_408] : memref<256xf32, #tpu.memory_space<vmem>>[vector<16xi32>], vector<16xf32>,
        %parallel_loop3A_410 = arith.index_cast %parallel_loop3A_356 : i32 to index
        %parallel_loop3A_411 = arith.constant 96 : index
        %parallel_loop3A_412 = tpu.vector_load %arg18[%parallel_loop3A_410, %parallel_loop3A_411] {strides = array<i32>} : memref<56x224xf32, #tpu.memory_space<vmem>>, vector<16xf32>,
        tpu.vector_store %arg18[%parallel_loop3A_410, %parallel_loop3A_411], %parallel_loop3A_409 {strides = array<i32>} : memref<56x224xf32, #tpu.memory_space<vmem>>, vector<16xf32>,
        %parallel_loop3A_413 = arith.index_cast %parallel_loop3A_356 : i32 to index
        %parallel_loop3A_414 = arith.constant 112 : index
        %parallel_loop3A_415 = tpu.vector_load %arg14[%parallel_loop3A_413, %parallel_loop3A_414] {strides = array<i32>} : memref<56x224xf32, #tpu.memory_space<vmem>>, vector<16xf32>,
        %parallel_loop3A_416 = arith.fptosi %parallel_loop3A_415 : vector<16xf32> to vector<16xi32>
        %parallel_loop3A_417 = tpu.vector_load_idx %arg12[%parallel_loop3A_416] : memref<256xf32, #tpu.memory_space<vmem>>[vector<16xi32>], vector<16xf32>,
        %parallel_loop3A_418 = arith.index_cast %parallel_loop3A_356 : i32 to index
        %parallel_loop3A_419 = arith.constant 112 : index
        %parallel_loop3A_420 = tpu.vector_load %arg18[%parallel_loop3A_418, %parallel_loop3A_419] {strides = array<i32>} : memref<56x224xf32, #tpu.memory_space<vmem>>, vector<16xf32>,
        tpu.vector_store %arg18[%parallel_loop3A_418, %parallel_loop3A_419], %parallel_loop3A_417 {strides = array<i32>} : memref<56x224xf32, #tpu.memory_space<vmem>>, vector<16xf32>,
        %parallel_loop3A_421 = arith.index_cast %parallel_loop3A_356 : i32 to index
        %parallel_loop3A_422 = arith.constant 128 : index
        %parallel_loop3A_423 = tpu.vector_load %arg14[%parallel_loop3A_421, %parallel_loop3A_422] {strides = array<i32>} : memref<56x224xf32, #tpu.memory_space<vmem>>, vector<16xf32>,
        %parallel_loop3A_424 = arith.fptosi %parallel_loop3A_423 : vector<16xf32> to vector<16xi32>
        %parallel_loop3A_425 = tpu.vector_load_idx %arg12[%parallel_loop3A_424] : memref<256xf32, #tpu.memory_space<vmem>>[vector<16xi32>], vector<16xf32>,
        %parallel_loop3A_426 = arith.index_cast %parallel_loop3A_356 : i32 to index
        %parallel_loop3A_427 = arith.constant 128 : index
        %parallel_loop3A_428 = tpu.vector_load %arg18[%parallel_loop3A_426, %parallel_loop3A_427] {strides = array<i32>} : memref<56x224xf32, #tpu.memory_space<vmem>>, vector<16xf32>,
        tpu.vector_store %arg18[%parallel_loop3A_426, %parallel_loop3A_427], %parallel_loop3A_425 {strides = array<i32>} : memref<56x224xf32, #tpu.memory_space<vmem>>, vector<16xf32>,
        %parallel_loop3A_429 = arith.index_cast %parallel_loop3A_356 : i32 to index
        %parallel_loop3A_430 = arith.constant 144 : index
        %parallel_loop3A_431 = tpu.vector_load %arg14[%parallel_loop3A_429, %parallel_loop3A_430] {strides = array<i32>} : memref<56x224xf32, #tpu.memory_space<vmem>>, vector<16xf32>,
        %parallel_loop3A_432 = arith.fptosi %parallel_loop3A_431 : vector<16xf32> to vector<16xi32>
        %parallel_loop3A_433 = tpu.vector_load_idx %arg12[%parallel_loop3A_432] : memref<256xf32, #tpu.memory_space<vmem>>[vector<16xi32>], vector<16xf32>,
        %parallel_loop3A_434 = arith.index_cast %parallel_loop3A_356 : i32 to index
        %parallel_loop3A_435 = arith.constant 144 : index
        %parallel_loop3A_436 = tpu.vector_load %arg18[%parallel_loop3A_434, %parallel_loop3A_435] {strides = array<i32>} : memref<56x224xf32, #tpu.memory_space<vmem>>, vector<16xf32>,
        tpu.vector_store %arg18[%parallel_loop3A_434, %parallel_loop3A_435], %parallel_loop3A_433 {strides = array<i32>} : memref<56x224xf32, #tpu.memory_space<vmem>>, vector<16xf32>,
        %parallel_loop3A_437 = arith.index_cast %parallel_loop3A_356 : i32 to index
        %parallel_loop3A_438 = arith.constant 160 : index
        %parallel_loop3A_439 = tpu.vector_load %arg14[%parallel_loop3A_437, %parallel_loop3A_438] {strides = array<i32>} : memref<56x224xf32, #tpu.memory_space<vmem>>, vector<16xf32>,
        %parallel_loop3A_440 = arith.fptosi %parallel_loop3A_439 : vector<16xf32> to vector<16xi32>
        %parallel_loop3A_441 = tpu.vector_load_idx %arg12[%parallel_loop3A_440] : memref<256xf32, #tpu.memory_space<vmem>>[vector<16xi32>], vector<16xf32>,
        %parallel_loop3A_442 = arith.index_cast %parallel_loop3A_356 : i32 to index
        %parallel_loop3A_443 = arith.constant 160 : index
        %parallel_loop3A_444 = tpu.vector_load %arg18[%parallel_loop3A_442, %parallel_loop3A_443] {strides = array<i32>} : memref<56x224xf32, #tpu.memory_space<vmem>>, vector<16xf32>,
        tpu.vector_store %arg18[%parallel_loop3A_442, %parallel_loop3A_443], %parallel_loop3A_441 {strides = array<i32>} : memref<56x224xf32, #tpu.memory_space<vmem>>, vector<16xf32>,
        %parallel_loop3A_445 = arith.index_cast %parallel_loop3A_356 : i32 to index
        %parallel_loop3A_446 = arith.constant 176 : index
        %parallel_loop3A_447 = tpu.vector_load %arg14[%parallel_loop3A_445, %parallel_loop3A_446] {strides = array<i32>} : memref<56x224xf32, #tpu.memory_space<vmem>>, vector<16xf32>,
        %parallel_loop3A_448 = arith.fptosi %parallel_loop3A_447 : vector<16xf32> to vector<16xi32>
        %parallel_loop3A_449 = tpu.vector_load_idx %arg12[%parallel_loop3A_448] : memref<256xf32, #tpu.memory_space<vmem>>[vector<16xi32>], vector<16xf32>,
        %parallel_loop3A_450 = arith.index_cast %parallel_loop3A_356 : i32 to index
        %parallel_loop3A_451 = arith.constant 176 : index
        %parallel_loop3A_452 = tpu.vector_load %arg18[%parallel_loop3A_450, %parallel_loop3A_451] {strides = array<i32>} : memref<56x224xf32, #tpu.memory_space<vmem>>, vector<16xf32>,
        tpu.vector_store %arg18[%parallel_loop3A_450, %parallel_loop3A_451], %parallel_loop3A_449 {strides = array<i32>} : memref<56x224xf32, #tpu.memory_space<vmem>>, vector<16xf32>,
        %parallel_loop3A_453 = arith.index_cast %parallel_loop3A_356 : i32 to index
        %parallel_loop3A_454 = arith.constant 192 : index
        %parallel_loop3A_455 = tpu.vector_load %arg14[%parallel_loop3A_453, %parallel_loop3A_454] {strides = array<i32>} : memref<56x224xf32, #tpu.memory_space<vmem>>, vector<16xf32>,
        %parallel_loop3A_456 = arith.fptosi %parallel_loop3A_455 : vector<16xf32> to vector<16xi32>
        %parallel_loop3A_457 = tpu.vector_load_idx %arg12[%parallel_loop3A_456] : memref<256xf32, #tpu.memory_space<vmem>>[vector<16xi32>], vector<16xf32>,
        %parallel_loop3A_458 = arith.index_cast %parallel_loop3A_356 : i32 to index
        %parallel_loop3A_459 = arith.constant 192 : index
        %parallel_loop3A_460 = tpu.vector_load %arg18[%parallel_loop3A_458, %parallel_loop3A_459] {strides = array<i32>} : memref<56x224xf32, #tpu.memory_space<vmem>>, vector<16xf32>,
        tpu.vector_store %arg18[%parallel_loop3A_458, %parallel_loop3A_459], %parallel_loop3A_457 {strides = array<i32>} : memref<56x224xf32, #tpu.memory_space<vmem>>, vector<16xf32>,
        %parallel_loop3A_461 = arith.index_cast %parallel_loop3A_356 : i32 to index
        %parallel_loop3A_462 = arith.constant 208 : index
        %parallel_loop3A_463 = tpu.vector_load %arg14[%parallel_loop3A_461, %parallel_loop3A_462] {strides = array<i32>} : memref<56x224xf32, #tpu.memory_space<vmem>>, vector<16xf32>,
        %parallel_loop3A_464 = arith.fptosi %parallel_loop3A_463 : vector<16xf32> to vector<16xi32>
        %parallel_loop3A_465 = tpu.vector_load_idx %arg12[%parallel_loop3A_464] : memref<256xf32, #tpu.memory_space<vmem>>[vector<16xi32>], vector<16xf32>,
        %parallel_loop3A_466 = arith.index_cast %parallel_loop3A_356 : i32 to index
        %parallel_loop3A_467 = arith.constant 208 : index
        %parallel_loop3A_468 = tpu.vector_load %arg18[%parallel_loop3A_466, %parallel_loop3A_467] {strides = array<i32>} : memref<56x224xf32, #tpu.memory_space<vmem>>, vector<16xf32>,
        tpu.vector_store %arg18[%parallel_loop3A_466, %parallel_loop3A_467], %parallel_loop3A_465 {strides = array<i32>} : memref<56x224xf32, #tpu.memory_space<vmem>>, vector<16xf32>,
      } {sc.loop_unroll_factor = 2 : i64, sc.parallel_access}
      %mul3A_274 = arith.constant 56 : i32
      %mul3A_275 = arith.muli %add3A_258, %mul3A_274 : i32
      %add3A_276 = arith.addi %mul3A_2, %mul3A_275 : i32
      %dma_start3A_277 = arith.constant 0 : i32
      %dma_start3A_278 = tpu.memref_slice %arg7[%add3A_276, %dma_start3A_277] : memref<86016x224xf32, #tpu.memory_space<hbm>> -> memref<56x224xf32, #tpu.memory_space<hbm>>
      %dma_start3A_279 = arith.constant 0 : i32
      %dma_start3A_280 = tpu.memref_slice %arg7[%add3A_276, %dma_start3A_279] : memref<86016x224xf32, #tpu.memory_space<hbm>> -> memref<56x224xf32, #tpu.memory_space<hbm>>
      tpu.enqueue_dma source(%arg18 : memref<56x224xf32, #tpu.memory_space<vmem>>) target(%dma_start3A_280 : memref<56x224xf32, #tpu.memory_space<hbm>>) target_semaphore(%arg24 : memref<!tpu.dma_semaphore, #tpu.memory_space<semaphore_mem>>)
      %lt3A_281 = arith.constant 11 : i32
      %lt3A_282 = arith.cmpi slt, %scan3A_226, %lt3A_281 : i32
      %convert_element_type3A_283 = arith.extui %lt3A_282 : i1 to i32
      %cond3A_284 = arith.constant 0 : i32
      %cond3A_285 = arith.cmpi ne, %convert_element_type3A_283, %cond3A_284 : i32
      scf.if %cond3A_285 {
        %add3A_356 = arith.constant 4 : i32
        %add3A_357 = arith.addi %add3A_258, %add3A_356 : i32
        %mul3A_358 = arith.constant 56 : i32
        %mul3A_359 = arith.muli %add3A_357, %mul3A_358 : i32
        %add3A_360 = arith.addi %mul3A_2, %mul3A_359 : i32
        %dma_start3A_361 = arith.constant 0 : i32
        %dma_start3A_362 = tpu.memref_slice %arg2[%add3A_360, %dma_start3A_361] : memref<86016x224xf32, #tpu.memory_space<hbm>> -> memref<56x224xf32, #tpu.memory_space<hbm>>
        %dma_start3A_363 = arith.constant 0 : i32
        %dma_start3A_364 = tpu.memref_slice %arg2[%add3A_360, %dma_start3A_363] : memref<86016x224xf32, #tpu.memory_space<hbm>> -> memref<56x224xf32, #tpu.memory_space<hbm>>
        tpu.enqueue_dma source(%dma_start3A_364 : memref<56x224xf32, #tpu.memory_space<hbm>>) target(%arg14 : memref<56x224xf32, #tpu.memory_space<vmem>>) target_semaphore(%arg20 : memref<!tpu.dma_semaphore, #tpu.memory_space<semaphore_mem>>)
      } else {
      }
      %mul3A_286 = arith.constant 4 : i32
      %mul3A_287 = arith.muli %scan3A_226, %mul3A_286 : i32
      %add3A_288 = arith.constant 2 : i32
      %add3A_289 = arith.addi %mul3A_287, %add3A_288 : i32
      %mul3A_290 = arith.constant 56 : i32
      %mul3A_291 = arith.muli %add3A_289, %mul3A_290 : i32
      %add3A_292 = arith.addi %mul3A_2, %mul3A_291 : i32
      %dma_wait3A_293 = arith.constant 0 : i32
      %dma_wait3A_294 = tpu.memref_slice %arg2[%add3A_292, %dma_wait3A_293] : memref<86016x224xf32, #tpu.memory_space<hbm>> -> memref<56x224xf32, #tpu.memory_space<hbm>>
      %dma_wait3A_295 = arith.constant 0 : i32
      %dma_wait3A_296 = tpu.memref_slice %arg2[%add3A_292, %dma_wait3A_295] : memref<86016x224xf32, #tpu.memory_space<hbm>> -> memref<56x224xf32, #tpu.memory_space<hbm>>
      tpu.wait_dma2 semaphore(%arg21 : memref<!tpu.dma_semaphore, #tpu.memory_space<semaphore_mem>>) src(%dma_wait3A_296 : memref<56x224xf32, #tpu.memory_space<hbm>>) dst(%arg15 : memref<56x224xf32, #tpu.memory_space<vmem>>)
      %sub3A = arith.constant 2 : i32
      %sub3A_297 = arith.subi %add3A_289, %sub3A : i32
      %mul3A_298 = arith.constant 56 : i32
      %mul3A_299 = arith.muli %sub3A_297, %mul3A_298 : i32
      %add3A_300 = arith.addi %mul3A_2, %mul3A_299 : i32
      %dma_wait3A_301 = arith.constant 0 : i32
      %dma_wait3A_302 = tpu.memref_slice %arg7[%add3A_300, %dma_wait3A_301] : memref<86016x224xf32, #tpu.memory_space<hbm>> -> memref<56x224xf32, #tpu.memory_space<hbm>>
      %dma_wait3A_303 = arith.constant 0 : i32
      %dma_wait3A_304 = tpu.memref_slice %arg7[%add3A_300, %dma_wait3A_303] : memref<86016x224xf32, #tpu.memory_space<hbm>> -> memref<56x224xf32, #tpu.memory_space<hbm>>
      tpu.wait_dma2 semaphore(%arg23 : memref<!tpu.dma_semaphore, #tpu.memory_space<semaphore_mem>>) src(%arg17 : memref<56x224xf32, #tpu.memory_space<vmem>>) dst(%dma_wait3A_304 : memref<56x224xf32, #tpu.memory_space<hbm>>)
      %parallel_loop3A_305 = arith.constant 0 : i32
      %parallel_loop3A_306 = arith.constant 56 : i32
      %parallel_loop3A_307 = arith.constant 1 : i32
      scf.for %parallel_loop3A_356 = %parallel_loop3A_305 to %parallel_loop3A_306 step %parallel_loop3A_307  : i32 {
        %parallel_loop3A_357 = arith.index_cast %parallel_loop3A_356 : i32 to index
        %parallel_loop3A_358 = arith.constant 0 : index
        %parallel_loop3A_359 = tpu.vector_load %arg15[%parallel_loop3A_357, %parallel_loop3A_358] {strides = array<i32>} : memref<56x224xf32, #tpu.memory_space<vmem>>, vector<16xf32>,
        %parallel_loop3A_360 = arith.fptosi %parallel_loop3A_359 : vector<16xf32> to vector<16xi32>
        %parallel_loop3A_361 = tpu.vector_load_idx %arg12[%parallel_loop3A_360] : memref<256xf32, #tpu.memory_space<vmem>>[vector<16xi32>], vector<16xf32>,
        %parallel_loop3A_362 = arith.index_cast %parallel_loop3A_356 : i32 to index
        %parallel_loop3A_363 = arith.constant 0 : index
        %parallel_loop3A_364 = tpu.vector_load %arg17[%parallel_loop3A_362, %parallel_loop3A_363] {strides = array<i32>} : memref<56x224xf32, #tpu.memory_space<vmem>>, vector<16xf32>,
        tpu.vector_store %arg17[%parallel_loop3A_362, %parallel_loop3A_363], %parallel_loop3A_361 {strides = array<i32>} : memref<56x224xf32, #tpu.memory_space<vmem>>, vector<16xf32>,
        %parallel_loop3A_365 = arith.index_cast %parallel_loop3A_356 : i32 to index
        %parallel_loop3A_366 = arith.constant 16 : index
        %parallel_loop3A_367 = tpu.vector_load %arg15[%parallel_loop3A_365, %parallel_loop3A_366] {strides = array<i32>} : memref<56x224xf32, #tpu.memory_space<vmem>>, vector<16xf32>,
        %parallel_loop3A_368 = arith.fptosi %parallel_loop3A_367 : vector<16xf32> to vector<16xi32>
        %parallel_loop3A_369 = tpu.vector_load_idx %arg12[%parallel_loop3A_368] : memref<256xf32, #tpu.memory_space<vmem>>[vector<16xi32>], vector<16xf32>,
        %parallel_loop3A_370 = arith.index_cast %parallel_loop3A_356 : i32 to index
        %parallel_loop3A_371 = arith.constant 16 : index
        %parallel_loop3A_372 = tpu.vector_load %arg17[%parallel_loop3A_370, %parallel_loop3A_371] {strides = array<i32>} : memref<56x224xf32, #tpu.memory_space<vmem>>, vector<16xf32>,
        tpu.vector_store %arg17[%parallel_loop3A_370, %parallel_loop3A_371], %parallel_loop3A_369 {strides = array<i32>} : memref<56x224xf32, #tpu.memory_space<vmem>>, vector<16xf32>,
        %parallel_loop3A_373 = arith.index_cast %parallel_loop3A_356 : i32 to index
        %parallel_loop3A_374 = arith.constant 32 : index
        %parallel_loop3A_375 = tpu.vector_load %arg15[%parallel_loop3A_373, %parallel_loop3A_374] {strides = array<i32>} : memref<56x224xf32, #tpu.memory_space<vmem>>, vector<16xf32>,
        %parallel_loop3A_376 = arith.fptosi %parallel_loop3A_375 : vector<16xf32> to vector<16xi32>
        %parallel_loop3A_377 = tpu.vector_load_idx %arg12[%parallel_loop3A_376] : memref<256xf32, #tpu.memory_space<vmem>>[vector<16xi32>], vector<16xf32>,
        %parallel_loop3A_378 = arith.index_cast %parallel_loop3A_356 : i32 to index
        %parallel_loop3A_379 = arith.constant 32 : index
        %parallel_loop3A_380 = tpu.vector_load %arg17[%parallel_loop3A_378, %parallel_loop3A_379] {strides = array<i32>} : memref<56x224xf32, #tpu.memory_space<vmem>>, vector<16xf32>,
        tpu.vector_store %arg17[%parallel_loop3A_378, %parallel_loop3A_379], %parallel_loop3A_377 {strides = array<i32>} : memref<56x224xf32, #tpu.memory_space<vmem>>, vector<16xf32>,
        %parallel_loop3A_381 = arith.index_cast %parallel_loop3A_356 : i32 to index
        %parallel_loop3A_382 = arith.constant 48 : index
        %parallel_loop3A_383 = tpu.vector_load %arg15[%parallel_loop3A_381, %parallel_loop3A_382] {strides = array<i32>} : memref<56x224xf32, #tpu.memory_space<vmem>>, vector<16xf32>,
        %parallel_loop3A_384 = arith.fptosi %parallel_loop3A_383 : vector<16xf32> to vector<16xi32>
        %parallel_loop3A_385 = tpu.vector_load_idx %arg12[%parallel_loop3A_384] : memref<256xf32, #tpu.memory_space<vmem>>[vector<16xi32>], vector<16xf32>,
        %parallel_loop3A_386 = arith.index_cast %parallel_loop3A_356 : i32 to index
        %parallel_loop3A_387 = arith.constant 48 : index
        %parallel_loop3A_388 = tpu.vector_load %arg17[%parallel_loop3A_386, %parallel_loop3A_387] {strides = array<i32>} : memref<56x224xf32, #tpu.memory_space<vmem>>, vector<16xf32>,
        tpu.vector_store %arg17[%parallel_loop3A_386, %parallel_loop3A_387], %parallel_loop3A_385 {strides = array<i32>} : memref<56x224xf32, #tpu.memory_space<vmem>>, vector<16xf32>,
        %parallel_loop3A_389 = arith.index_cast %parallel_loop3A_356 : i32 to index
        %parallel_loop3A_390 = arith.constant 64 : index
        %parallel_loop3A_391 = tpu.vector_load %arg15[%parallel_loop3A_389, %parallel_loop3A_390] {strides = array<i32>} : memref<56x224xf32, #tpu.memory_space<vmem>>, vector<16xf32>,
        %parallel_loop3A_392 = arith.fptosi %parallel_loop3A_391 : vector<16xf32> to vector<16xi32>
        %parallel_loop3A_393 = tpu.vector_load_idx %arg12[%parallel_loop3A_392] : memref<256xf32, #tpu.memory_space<vmem>>[vector<16xi32>], vector<16xf32>,
        %parallel_loop3A_394 = arith.index_cast %parallel_loop3A_356 : i32 to index
        %parallel_loop3A_395 = arith.constant 64 : index
        %parallel_loop3A_396 = tpu.vector_load %arg17[%parallel_loop3A_394, %parallel_loop3A_395] {strides = array<i32>} : memref<56x224xf32, #tpu.memory_space<vmem>>, vector<16xf32>,
        tpu.vector_store %arg17[%parallel_loop3A_394, %parallel_loop3A_395], %parallel_loop3A_393 {strides = array<i32>} : memref<56x224xf32, #tpu.memory_space<vmem>>, vector<16xf32>,
        %parallel_loop3A_397 = arith.index_cast %parallel_loop3A_356 : i32 to index
        %parallel_loop3A_398 = arith.constant 80 : index
        %parallel_loop3A_399 = tpu.vector_load %arg15[%parallel_loop3A_397, %parallel_loop3A_398] {strides = array<i32>} : memref<56x224xf32, #tpu.memory_space<vmem>>, vector<16xf32>,
        %parallel_loop3A_400 = arith.fptosi %parallel_loop3A_399 : vector<16xf32> to vector<16xi32>
        %parallel_loop3A_401 = tpu.vector_load_idx %arg12[%parallel_loop3A_400] : memref<256xf32, #tpu.memory_space<vmem>>[vector<16xi32>], vector<16xf32>,
        %parallel_loop3A_402 = arith.index_cast %parallel_loop3A_356 : i32 to index
        %parallel_loop3A_403 = arith.constant 80 : index
        %parallel_loop3A_404 = tpu.vector_load %arg17[%parallel_loop3A_402, %parallel_loop3A_403] {strides = array<i32>} : memref<56x224xf32, #tpu.memory_space<vmem>>, vector<16xf32>,
        tpu.vector_store %arg17[%parallel_loop3A_402, %parallel_loop3A_403], %parallel_loop3A_401 {strides = array<i32>} : memref<56x224xf32, #tpu.memory_space<vmem>>, vector<16xf32>,
        %parallel_loop3A_405 = arith.index_cast %parallel_loop3A_356 : i32 to index
        %parallel_loop3A_406 = arith.constant 96 : index
        %parallel_loop3A_407 = tpu.vector_load %arg15[%parallel_loop3A_405, %parallel_loop3A_406] {strides = array<i32>} : memref<56x224xf32, #tpu.memory_space<vmem>>, vector<16xf32>,
        %parallel_loop3A_408 = arith.fptosi %parallel_loop3A_407 : vector<16xf32> to vector<16xi32>
        %parallel_loop3A_409 = tpu.vector_load_idx %arg12[%parallel_loop3A_408] : memref<256xf32, #tpu.memory_space<vmem>>[vector<16xi32>], vector<16xf32>,
        %parallel_loop3A_410 = arith.index_cast %parallel_loop3A_356 : i32 to index
        %parallel_loop3A_411 = arith.constant 96 : index
        %parallel_loop3A_412 = tpu.vector_load %arg17[%parallel_loop3A_410, %parallel_loop3A_411] {strides = array<i32>} : memref<56x224xf32, #tpu.memory_space<vmem>>, vector<16xf32>,
        tpu.vector_store %arg17[%parallel_loop3A_410, %parallel_loop3A_411], %parallel_loop3A_409 {strides = array<i32>} : memref<56x224xf32, #tpu.memory_space<vmem>>, vector<16xf32>,
        %parallel_loop3A_413 = arith.index_cast %parallel_loop3A_356 : i32 to index
        %parallel_loop3A_414 = arith.constant 112 : index
        %parallel_loop3A_415 = tpu.vector_load %arg15[%parallel_loop3A_413, %parallel_loop3A_414] {strides = array<i32>} : memref<56x224xf32, #tpu.memory_space<vmem>>, vector<16xf32>,
        %parallel_loop3A_416 = arith.fptosi %parallel_loop3A_415 : vector<16xf32> to vector<16xi32>
        %parallel_loop3A_417 = tpu.vector_load_idx %arg12[%parallel_loop3A_416] : memref<256xf32, #tpu.memory_space<vmem>>[vector<16xi32>], vector<16xf32>,
        %parallel_loop3A_418 = arith.index_cast %parallel_loop3A_356 : i32 to index
        %parallel_loop3A_419 = arith.constant 112 : index
        %parallel_loop3A_420 = tpu.vector_load %arg17[%parallel_loop3A_418, %parallel_loop3A_419] {strides = array<i32>} : memref<56x224xf32, #tpu.memory_space<vmem>>, vector<16xf32>,
        tpu.vector_store %arg17[%parallel_loop3A_418, %parallel_loop3A_419], %parallel_loop3A_417 {strides = array<i32>} : memref<56x224xf32, #tpu.memory_space<vmem>>, vector<16xf32>,
        %parallel_loop3A_421 = arith.index_cast %parallel_loop3A_356 : i32 to index
        %parallel_loop3A_422 = arith.constant 128 : index
        %parallel_loop3A_423 = tpu.vector_load %arg15[%parallel_loop3A_421, %parallel_loop3A_422] {strides = array<i32>} : memref<56x224xf32, #tpu.memory_space<vmem>>, vector<16xf32>,
        %parallel_loop3A_424 = arith.fptosi %parallel_loop3A_423 : vector<16xf32> to vector<16xi32>
        %parallel_loop3A_425 = tpu.vector_load_idx %arg12[%parallel_loop3A_424] : memref<256xf32, #tpu.memory_space<vmem>>[vector<16xi32>], vector<16xf32>,
        %parallel_loop3A_426 = arith.index_cast %parallel_loop3A_356 : i32 to index
        %parallel_loop3A_427 = arith.constant 128 : index
        %parallel_loop3A_428 = tpu.vector_load %arg17[%parallel_loop3A_426, %parallel_loop3A_427] {strides = array<i32>} : memref<56x224xf32, #tpu.memory_space<vmem>>, vector<16xf32>,
        tpu.vector_store %arg17[%parallel_loop3A_426, %parallel_loop3A_427], %parallel_loop3A_425 {strides = array<i32>} : memref<56x224xf32, #tpu.memory_space<vmem>>, vector<16xf32>,
        %parallel_loop3A_429 = arith.index_cast %parallel_loop3A_356 : i32 to index
        %parallel_loop3A_430 = arith.constant 144 : index
        %parallel_loop3A_431 = tpu.vector_load %arg15[%parallel_loop3A_429, %parallel_loop3A_430] {strides = array<i32>} : memref<56x224xf32, #tpu.memory_space<vmem>>, vector<16xf32>,
        %parallel_loop3A_432 = arith.fptosi %parallel_loop3A_431 : vector<16xf32> to vector<16xi32>
        %parallel_loop3A_433 = tpu.vector_load_idx %arg12[%parallel_loop3A_432] : memref<256xf32, #tpu.memory_space<vmem>>[vector<16xi32>], vector<16xf32>,
        %parallel_loop3A_434 = arith.index_cast %parallel_loop3A_356 : i32 to index
        %parallel_loop3A_435 = arith.constant 144 : index
        %parallel_loop3A_436 = tpu.vector_load %arg17[%parallel_loop3A_434, %parallel_loop3A_435] {strides = array<i32>} : memref<56x224xf32, #tpu.memory_space<vmem>>, vector<16xf32>,
        tpu.vector_store %arg17[%parallel_loop3A_434, %parallel_loop3A_435], %parallel_loop3A_433 {strides = array<i32>} : memref<56x224xf32, #tpu.memory_space<vmem>>, vector<16xf32>,
        %parallel_loop3A_437 = arith.index_cast %parallel_loop3A_356 : i32 to index
        %parallel_loop3A_438 = arith.constant 160 : index
        %parallel_loop3A_439 = tpu.vector_load %arg15[%parallel_loop3A_437, %parallel_loop3A_438] {strides = array<i32>} : memref<56x224xf32, #tpu.memory_space<vmem>>, vector<16xf32>,
        %parallel_loop3A_440 = arith.fptosi %parallel_loop3A_439 : vector<16xf32> to vector<16xi32>
        %parallel_loop3A_441 = tpu.vector_load_idx %arg12[%parallel_loop3A_440] : memref<256xf32, #tpu.memory_space<vmem>>[vector<16xi32>], vector<16xf32>,
        %parallel_loop3A_442 = arith.index_cast %parallel_loop3A_356 : i32 to index
        %parallel_loop3A_443 = arith.constant 160 : index
        %parallel_loop3A_444 = tpu.vector_load %arg17[%parallel_loop3A_442, %parallel_loop3A_443] {strides = array<i32>} : memref<56x224xf32, #tpu.memory_space<vmem>>, vector<16xf32>,
        tpu.vector_store %arg17[%parallel_loop3A_442, %parallel_loop3A_443], %parallel_loop3A_441 {strides = array<i32>} : memref<56x224xf32, #tpu.memory_space<vmem>>, vector<16xf32>,
        %parallel_loop3A_445 = arith.index_cast %parallel_loop3A_356 : i32 to index
        %parallel_loop3A_446 = arith.constant 176 : index
        %parallel_loop3A_447 = tpu.vector_load %arg15[%parallel_loop3A_445, %parallel_loop3A_446] {strides = array<i32>} : memref<56x224xf32, #tpu.memory_space<vmem>>, vector<16xf32>,
        %parallel_loop3A_448 = arith.fptosi %parallel_loop3A_447 : vector<16xf32> to vector<16xi32>
        %parallel_loop3A_449 = tpu.vector_load_idx %arg12[%parallel_loop3A_448] : memref<256xf32, #tpu.memory_space<vmem>>[vector<16xi32>], vector<16xf32>,
        %parallel_loop3A_450 = arith.index_cast %parallel_loop3A_356 : i32 to index
        %parallel_loop3A_451 = arith.constant 176 : index
        %parallel_loop3A_452 = tpu.vector_load %arg17[%parallel_loop3A_450, %parallel_loop3A_451] {strides = array<i32>} : memref<56x224xf32, #tpu.memory_space<vmem>>, vector<16xf32>,
        tpu.vector_store %arg17[%parallel_loop3A_450, %parallel_loop3A_451], %parallel_loop3A_449 {strides = array<i32>} : memref<56x224xf32, #tpu.memory_space<vmem>>, vector<16xf32>,
        %parallel_loop3A_453 = arith.index_cast %parallel_loop3A_356 : i32 to index
        %parallel_loop3A_454 = arith.constant 192 : index
        %parallel_loop3A_455 = tpu.vector_load %arg15[%parallel_loop3A_453, %parallel_loop3A_454] {strides = array<i32>} : memref<56x224xf32, #tpu.memory_space<vmem>>, vector<16xf32>,
        %parallel_loop3A_456 = arith.fptosi %parallel_loop3A_455 : vector<16xf32> to vector<16xi32>
        %parallel_loop3A_457 = tpu.vector_load_idx %arg12[%parallel_loop3A_456] : memref<256xf32, #tpu.memory_space<vmem>>[vector<16xi32>], vector<16xf32>,
        %parallel_loop3A_458 = arith.index_cast %parallel_loop3A_356 : i32 to index
        %parallel_loop3A_459 = arith.constant 192 : index
        %parallel_loop3A_460 = tpu.vector_load %arg17[%parallel_loop3A_458, %parallel_loop3A_459] {strides = array<i32>} : memref<56x224xf32, #tpu.memory_space<vmem>>, vector<16xf32>,
        tpu.vector_store %arg17[%parallel_loop3A_458, %parallel_loop3A_459], %parallel_loop3A_457 {strides = array<i32>} : memref<56x224xf32, #tpu.memory_space<vmem>>, vector<16xf32>,
        %parallel_loop3A_461 = arith.index_cast %parallel_loop3A_356 : i32 to index
        %parallel_loop3A_462 = arith.constant 208 : index
        %parallel_loop3A_463 = tpu.vector_load %arg15[%parallel_loop3A_461, %parallel_loop3A_462] {strides = array<i32>} : memref<56x224xf32, #tpu.memory_space<vmem>>, vector<16xf32>,
        %parallel_loop3A_464 = arith.fptosi %parallel_loop3A_463 : vector<16xf32> to vector<16xi32>
        %parallel_loop3A_465 = tpu.vector_load_idx %arg12[%parallel_loop3A_464] : memref<256xf32, #tpu.memory_space<vmem>>[vector<16xi32>], vector<16xf32>,
        %parallel_loop3A_466 = arith.index_cast %parallel_loop3A_356 : i32 to index
        %parallel_loop3A_467 = arith.constant 208 : index
        %parallel_loop3A_468 = tpu.vector_load %arg17[%parallel_loop3A_466, %parallel_loop3A_467] {strides = array<i32>} : memref<56x224xf32, #tpu.memory_space<vmem>>, vector<16xf32>,
        tpu.vector_store %arg17[%parallel_loop3A_466, %parallel_loop3A_467], %parallel_loop3A_465 {strides = array<i32>} : memref<56x224xf32, #tpu.memory_space<vmem>>, vector<16xf32>,
      } {sc.loop_unroll_factor = 2 : i64, sc.parallel_access}
      %mul3A_308 = arith.constant 56 : i32
      %mul3A_309 = arith.muli %add3A_289, %mul3A_308 : i32
      %add3A_310 = arith.addi %mul3A_2, %mul3A_309 : i32
      %dma_start3A_311 = arith.constant 0 : i32
      %dma_start3A_312 = tpu.memref_slice %arg7[%add3A_310, %dma_start3A_311] : memref<86016x224xf32, #tpu.memory_space<hbm>> -> memref<56x224xf32, #tpu.memory_space<hbm>>
      %dma_start3A_313 = arith.constant 0 : i32
      %dma_start3A_314 = tpu.memref_slice %arg7[%add3A_310, %dma_start3A_313] : memref<86016x224xf32, #tpu.memory_space<hbm>> -> memref<56x224xf32, #tpu.memory_space<hbm>>
      tpu.enqueue_dma source(%arg17 : memref<56x224xf32, #tpu.memory_space<vmem>>) target(%dma_start3A_314 : memref<56x224xf32, #tpu.memory_space<hbm>>) target_semaphore(%arg23 : memref<!tpu.dma_semaphore, #tpu.memory_space<semaphore_mem>>)
      %lt3A_315 = arith.constant 11 : i32
      %lt3A_316 = arith.cmpi slt, %scan3A_226, %lt3A_315 : i32
      %convert_element_type3A_317 = arith.extui %lt3A_316 : i1 to i32
      %cond3A_318 = arith.constant 0 : i32
      %cond3A_319 = arith.cmpi ne, %convert_element_type3A_317, %cond3A_318 : i32
      scf.if %cond3A_319 {
        %add3A_356 = arith.constant 4 : i32
        %add3A_357 = arith.addi %add3A_289, %add3A_356 : i32
        %mul3A_358 = arith.constant 56 : i32
        %mul3A_359 = arith.muli %add3A_357, %mul3A_358 : i32
        %add3A_360 = arith.addi %mul3A_2, %mul3A_359 : i32
        %dma_start3A_361 = arith.constant 0 : i32
        %dma_start3A_362 = tpu.memref_slice %arg2[%add3A_360, %dma_start3A_361] : memref<86016x224xf32, #tpu.memory_space<hbm>> -> memref<56x224xf32, #tpu.memory_space<hbm>>
        %dma_start3A_363 = arith.constant 0 : i32
        %dma_start3A_364 = tpu.memref_slice %arg2[%add3A_360, %dma_start3A_363] : memref<86016x224xf32, #tpu.memory_space<hbm>> -> memref<56x224xf32, #tpu.memory_space<hbm>>
        tpu.enqueue_dma source(%dma_start3A_364 : memref<56x224xf32, #tpu.memory_space<hbm>>) target(%arg15 : memref<56x224xf32, #tpu.memory_space<vmem>>) target_semaphore(%arg21 : memref<!tpu.dma_semaphore, #tpu.memory_space<semaphore_mem>>)
      } else {
      }
      %mul3A_320 = arith.constant 4 : i32
      %mul3A_321 = arith.muli %scan3A_226, %mul3A_320 : i32
      %add3A_322 = arith.constant 3 : i32
      %add3A_323 = arith.addi %mul3A_321, %add3A_322 : i32
      %mul3A_324 = arith.constant 56 : i32
      %mul3A_325 = arith.muli %add3A_323, %mul3A_324 : i32
      %add3A_326 = arith.addi %mul3A_2, %mul3A_325 : i32
      %dma_wait3A_327 = arith.constant 0 : i32
      %dma_wait3A_328 = tpu.memref_slice %arg2[%add3A_326, %dma_wait3A_327] : memref<86016x224xf32, #tpu.memory_space<hbm>> -> memref<56x224xf32, #tpu.memory_space<hbm>>
      %dma_wait3A_329 = arith.constant 0 : i32
      %dma_wait3A_330 = tpu.memref_slice %arg2[%add3A_326, %dma_wait3A_329] : memref<86016x224xf32, #tpu.memory_space<hbm>> -> memref<56x224xf32, #tpu.memory_space<hbm>>
      tpu.wait_dma2 semaphore(%arg22 : memref<!tpu.dma_semaphore, #tpu.memory_space<semaphore_mem>>) src(%dma_wait3A_330 : memref<56x224xf32, #tpu.memory_space<hbm>>) dst(%arg16 : memref<56x224xf32, #tpu.memory_space<vmem>>)
      %sub3A_331 = arith.constant 2 : i32
      %sub3A_332 = arith.subi %add3A_323, %sub3A_331 : i32
      %mul3A_333 = arith.constant 56 : i32
      %mul3A_334 = arith.muli %sub3A_332, %mul3A_333 : i32
      %add3A_335 = arith.addi %mul3A_2, %mul3A_334 : i32
      %dma_wait3A_336 = arith.constant 0 : i32
      %dma_wait3A_337 = tpu.memref_slice %arg7[%add3A_335, %dma_wait3A_336] : memref<86016x224xf32, #tpu.memory_space<hbm>> -> memref<56x224xf32, #tpu.memory_space<hbm>>
      %dma_wait3A_338 = arith.constant 0 : i32
      %dma_wait3A_339 = tpu.memref_slice %arg7[%add3A_335, %dma_wait3A_338] : memref<86016x224xf32, #tpu.memory_space<hbm>> -> memref<56x224xf32, #tpu.memory_space<hbm>>
      tpu.wait_dma2 semaphore(%arg24 : memref<!tpu.dma_semaphore, #tpu.memory_space<semaphore_mem>>) src(%arg18 : memref<56x224xf32, #tpu.memory_space<vmem>>) dst(%dma_wait3A_339 : memref<56x224xf32, #tpu.memory_space<hbm>>)
      %parallel_loop3A_340 = arith.constant 0 : i32
      %parallel_loop3A_341 = arith.constant 56 : i32
      %parallel_loop3A_342 = arith.constant 1 : i32
      scf.for %parallel_loop3A_356 = %parallel_loop3A_340 to %parallel_loop3A_341 step %parallel_loop3A_342  : i32 {
        %parallel_loop3A_357 = arith.index_cast %parallel_loop3A_356 : i32 to index
        %parallel_loop3A_358 = arith.constant 0 : index
        %parallel_loop3A_359 = tpu.vector_load %arg16[%parallel_loop3A_357, %parallel_loop3A_358] {strides = array<i32>} : memref<56x224xf32, #tpu.memory_space<vmem>>, vector<16xf32>,
        %parallel_loop3A_360 = arith.fptosi %parallel_loop3A_359 : vector<16xf32> to vector<16xi32>
        %parallel_loop3A_361 = tpu.vector_load_idx %arg12[%parallel_loop3A_360] : memref<256xf32, #tpu.memory_space<vmem>>[vector<16xi32>], vector<16xf32>,
        %parallel_loop3A_362 = arith.index_cast %parallel_loop3A_356 : i32 to index
        %parallel_loop3A_363 = arith.constant 0 : index
        %parallel_loop3A_364 = tpu.vector_load %arg18[%parallel_loop3A_362, %parallel_loop3A_363] {strides = array<i32>} : memref<56x224xf32, #tpu.memory_space<vmem>>, vector<16xf32>,
        tpu.vector_store %arg18[%parallel_loop3A_362, %parallel_loop3A_363], %parallel_loop3A_361 {strides = array<i32>} : memref<56x224xf32, #tpu.memory_space<vmem>>, vector<16xf32>,
        %parallel_loop3A_365 = arith.index_cast %parallel_loop3A_356 : i32 to index
        %parallel_loop3A_366 = arith.constant 16 : index
        %parallel_loop3A_367 = tpu.vector_load %arg16[%parallel_loop3A_365, %parallel_loop3A_366] {strides = array<i32>} : memref<56x224xf32, #tpu.memory_space<vmem>>, vector<16xf32>,
        %parallel_loop3A_368 = arith.fptosi %parallel_loop3A_367 : vector<16xf32> to vector<16xi32>
        %parallel_loop3A_369 = tpu.vector_load_idx %arg12[%parallel_loop3A_368] : memref<256xf32, #tpu.memory_space<vmem>>[vector<16xi32>], vector<16xf32>,
        %parallel_loop3A_370 = arith.index_cast %parallel_loop3A_356 : i32 to index
        %parallel_loop3A_371 = arith.constant 16 : index
        %parallel_loop3A_372 = tpu.vector_load %arg18[%parallel_loop3A_370, %parallel_loop3A_371] {strides = array<i32>} : memref<56x224xf32, #tpu.memory_space<vmem>>, vector<16xf32>,
        tpu.vector_store %arg18[%parallel_loop3A_370, %parallel_loop3A_371], %parallel_loop3A_369 {strides = array<i32>} : memref<56x224xf32, #tpu.memory_space<vmem>>, vector<16xf32>,
        %parallel_loop3A_373 = arith.index_cast %parallel_loop3A_356 : i32 to index
        %parallel_loop3A_374 = arith.constant 32 : index
        %parallel_loop3A_375 = tpu.vector_load %arg16[%parallel_loop3A_373, %parallel_loop3A_374] {strides = array<i32>} : memref<56x224xf32, #tpu.memory_space<vmem>>, vector<16xf32>,
        %parallel_loop3A_376 = arith.fptosi %parallel_loop3A_375 : vector<16xf32> to vector<16xi32>
        %parallel_loop3A_377 = tpu.vector_load_idx %arg12[%parallel_loop3A_376] : memref<256xf32, #tpu.memory_space<vmem>>[vector<16xi32>], vector<16xf32>,
        %parallel_loop3A_378 = arith.index_cast %parallel_loop3A_356 : i32 to index
        %parallel_loop3A_379 = arith.constant 32 : index
        %parallel_loop3A_380 = tpu.vector_load %arg18[%parallel_loop3A_378, %parallel_loop3A_379] {strides = array<i32>} : memref<56x224xf32, #tpu.memory_space<vmem>>, vector<16xf32>,
        tpu.vector_store %arg18[%parallel_loop3A_378, %parallel_loop3A_379], %parallel_loop3A_377 {strides = array<i32>} : memref<56x224xf32, #tpu.memory_space<vmem>>, vector<16xf32>,
        %parallel_loop3A_381 = arith.index_cast %parallel_loop3A_356 : i32 to index
        %parallel_loop3A_382 = arith.constant 48 : index
        %parallel_loop3A_383 = tpu.vector_load %arg16[%parallel_loop3A_381, %parallel_loop3A_382] {strides = array<i32>} : memref<56x224xf32, #tpu.memory_space<vmem>>, vector<16xf32>,
        %parallel_loop3A_384 = arith.fptosi %parallel_loop3A_383 : vector<16xf32> to vector<16xi32>
        %parallel_loop3A_385 = tpu.vector_load_idx %arg12[%parallel_loop3A_384] : memref<256xf32, #tpu.memory_space<vmem>>[vector<16xi32>], vector<16xf32>,
        %parallel_loop3A_386 = arith.index_cast %parallel_loop3A_356 : i32 to index
        %parallel_loop3A_387 = arith.constant 48 : index
        %parallel_loop3A_388 = tpu.vector_load %arg18[%parallel_loop3A_386, %parallel_loop3A_387] {strides = array<i32>} : memref<56x224xf32, #tpu.memory_space<vmem>>, vector<16xf32>,
        tpu.vector_store %arg18[%parallel_loop3A_386, %parallel_loop3A_387], %parallel_loop3A_385 {strides = array<i32>} : memref<56x224xf32, #tpu.memory_space<vmem>>, vector<16xf32>,
        %parallel_loop3A_389 = arith.index_cast %parallel_loop3A_356 : i32 to index
        %parallel_loop3A_390 = arith.constant 64 : index
        %parallel_loop3A_391 = tpu.vector_load %arg16[%parallel_loop3A_389, %parallel_loop3A_390] {strides = array<i32>} : memref<56x224xf32, #tpu.memory_space<vmem>>, vector<16xf32>,
        %parallel_loop3A_392 = arith.fptosi %parallel_loop3A_391 : vector<16xf32> to vector<16xi32>
        %parallel_loop3A_393 = tpu.vector_load_idx %arg12[%parallel_loop3A_392] : memref<256xf32, #tpu.memory_space<vmem>>[vector<16xi32>], vector<16xf32>,
        %parallel_loop3A_394 = arith.index_cast %parallel_loop3A_356 : i32 to index
        %parallel_loop3A_395 = arith.constant 64 : index
        %parallel_loop3A_396 = tpu.vector_load %arg18[%parallel_loop3A_394, %parallel_loop3A_395] {strides = array<i32>} : memref<56x224xf32, #tpu.memory_space<vmem>>, vector<16xf32>,
        tpu.vector_store %arg18[%parallel_loop3A_394, %parallel_loop3A_395], %parallel_loop3A_393 {strides = array<i32>} : memref<56x224xf32, #tpu.memory_space<vmem>>, vector<16xf32>,
        %parallel_loop3A_397 = arith.index_cast %parallel_loop3A_356 : i32 to index
        %parallel_loop3A_398 = arith.constant 80 : index
        %parallel_loop3A_399 = tpu.vector_load %arg16[%parallel_loop3A_397, %parallel_loop3A_398] {strides = array<i32>} : memref<56x224xf32, #tpu.memory_space<vmem>>, vector<16xf32>,
        %parallel_loop3A_400 = arith.fptosi %parallel_loop3A_399 : vector<16xf32> to vector<16xi32>
        %parallel_loop3A_401 = tpu.vector_load_idx %arg12[%parallel_loop3A_400] : memref<256xf32, #tpu.memory_space<vmem>>[vector<16xi32>], vector<16xf32>,
        %parallel_loop3A_402 = arith.index_cast %parallel_loop3A_356 : i32 to index
        %parallel_loop3A_403 = arith.constant 80 : index
        %parallel_loop3A_404 = tpu.vector_load %arg18[%parallel_loop3A_402, %parallel_loop3A_403] {strides = array<i32>} : memref<56x224xf32, #tpu.memory_space<vmem>>, vector<16xf32>,
        tpu.vector_store %arg18[%parallel_loop3A_402, %parallel_loop3A_403], %parallel_loop3A_401 {strides = array<i32>} : memref<56x224xf32, #tpu.memory_space<vmem>>, vector<16xf32>,
        %parallel_loop3A_405 = arith.index_cast %parallel_loop3A_356 : i32 to index
        %parallel_loop3A_406 = arith.constant 96 : index
        %parallel_loop3A_407 = tpu.vector_load %arg16[%parallel_loop3A_405, %parallel_loop3A_406] {strides = array<i32>} : memref<56x224xf32, #tpu.memory_space<vmem>>, vector<16xf32>,
        %parallel_loop3A_408 = arith.fptosi %parallel_loop3A_407 : vector<16xf32> to vector<16xi32>
        %parallel_loop3A_409 = tpu.vector_load_idx %arg12[%parallel_loop3A_408] : memref<256xf32, #tpu.memory_space<vmem>>[vector<16xi32>], vector<16xf32>,
        %parallel_loop3A_410 = arith.index_cast %parallel_loop3A_356 : i32 to index
        %parallel_loop3A_411 = arith.constant 96 : index
        %parallel_loop3A_412 = tpu.vector_load %arg18[%parallel_loop3A_410, %parallel_loop3A_411] {strides = array<i32>} : memref<56x224xf32, #tpu.memory_space<vmem>>, vector<16xf32>,
        tpu.vector_store %arg18[%parallel_loop3A_410, %parallel_loop3A_411], %parallel_loop3A_409 {strides = array<i32>} : memref<56x224xf32, #tpu.memory_space<vmem>>, vector<16xf32>,
        %parallel_loop3A_413 = arith.index_cast %parallel_loop3A_356 : i32 to index
        %parallel_loop3A_414 = arith.constant 112 : index
        %parallel_loop3A_415 = tpu.vector_load %arg16[%parallel_loop3A_413, %parallel_loop3A_414] {strides = array<i32>} : memref<56x224xf32, #tpu.memory_space<vmem>>, vector<16xf32>,
        %parallel_loop3A_416 = arith.fptosi %parallel_loop3A_415 : vector<16xf32> to vector<16xi32>
        %parallel_loop3A_417 = tpu.vector_load_idx %arg12[%parallel_loop3A_416] : memref<256xf32, #tpu.memory_space<vmem>>[vector<16xi32>], vector<16xf32>,
        %parallel_loop3A_418 = arith.index_cast %parallel_loop3A_356 : i32 to index
        %parallel_loop3A_419 = arith.constant 112 : index
        %parallel_loop3A_420 = tpu.vector_load %arg18[%parallel_loop3A_418, %parallel_loop3A_419] {strides = array<i32>} : memref<56x224xf32, #tpu.memory_space<vmem>>, vector<16xf32>,
        tpu.vector_store %arg18[%parallel_loop3A_418, %parallel_loop3A_419], %parallel_loop3A_417 {strides = array<i32>} : memref<56x224xf32, #tpu.memory_space<vmem>>, vector<16xf32>,
        %parallel_loop3A_421 = arith.index_cast %parallel_loop3A_356 : i32 to index
        %parallel_loop3A_422 = arith.constant 128 : index
        %parallel_loop3A_423 = tpu.vector_load %arg16[%parallel_loop3A_421, %parallel_loop3A_422] {strides = array<i32>} : memref<56x224xf32, #tpu.memory_space<vmem>>, vector<16xf32>,
        %parallel_loop3A_424 = arith.fptosi %parallel_loop3A_423 : vector<16xf32> to vector<16xi32>
        %parallel_loop3A_425 = tpu.vector_load_idx %arg12[%parallel_loop3A_424] : memref<256xf32, #tpu.memory_space<vmem>>[vector<16xi32>], vector<16xf32>,
        %parallel_loop3A_426 = arith.index_cast %parallel_loop3A_356 : i32 to index
        %parallel_loop3A_427 = arith.constant 128 : index
        %parallel_loop3A_428 = tpu.vector_load %arg18[%parallel_loop3A_426, %parallel_loop3A_427] {strides = array<i32>} : memref<56x224xf32, #tpu.memory_space<vmem>>, vector<16xf32>,
        tpu.vector_store %arg18[%parallel_loop3A_426, %parallel_loop3A_427], %parallel_loop3A_425 {strides = array<i32>} : memref<56x224xf32, #tpu.memory_space<vmem>>, vector<16xf32>,
        %parallel_loop3A_429 = arith.index_cast %parallel_loop3A_356 : i32 to index
        %parallel_loop3A_430 = arith.constant 144 : index
        %parallel_loop3A_431 = tpu.vector_load %arg16[%parallel_loop3A_429, %parallel_loop3A_430] {strides = array<i32>} : memref<56x224xf32, #tpu.memory_space<vmem>>, vector<16xf32>,
        %parallel_loop3A_432 = arith.fptosi %parallel_loop3A_431 : vector<16xf32> to vector<16xi32>
        %parallel_loop3A_433 = tpu.vector_load_idx %arg12[%parallel_loop3A_432] : memref<256xf32, #tpu.memory_space<vmem>>[vector<16xi32>], vector<16xf32>,
        %parallel_loop3A_434 = arith.index_cast %parallel_loop3A_356 : i32 to index
        %parallel_loop3A_435 = arith.constant 144 : index
        %parallel_loop3A_436 = tpu.vector_load %arg18[%parallel_loop3A_434, %parallel_loop3A_435] {strides = array<i32>} : memref<56x224xf32, #tpu.memory_space<vmem>>, vector<16xf32>,
        tpu.vector_store %arg18[%parallel_loop3A_434, %parallel_loop3A_435], %parallel_loop3A_433 {strides = array<i32>} : memref<56x224xf32, #tpu.memory_space<vmem>>, vector<16xf32>,
        %parallel_loop3A_437 = arith.index_cast %parallel_loop3A_356 : i32 to index
        %parallel_loop3A_438 = arith.constant 160 : index
        %parallel_loop3A_439 = tpu.vector_load %arg16[%parallel_loop3A_437, %parallel_loop3A_438] {strides = array<i32>} : memref<56x224xf32, #tpu.memory_space<vmem>>, vector<16xf32>,
        %parallel_loop3A_440 = arith.fptosi %parallel_loop3A_439 : vector<16xf32> to vector<16xi32>
        %parallel_loop3A_441 = tpu.vector_load_idx %arg12[%parallel_loop3A_440] : memref<256xf32, #tpu.memory_space<vmem>>[vector<16xi32>], vector<16xf32>,
        %parallel_loop3A_442 = arith.index_cast %parallel_loop3A_356 : i32 to index
        %parallel_loop3A_443 = arith.constant 160 : index
        %parallel_loop3A_444 = tpu.vector_load %arg18[%parallel_loop3A_442, %parallel_loop3A_443] {strides = array<i32>} : memref<56x224xf32, #tpu.memory_space<vmem>>, vector<16xf32>,
        tpu.vector_store %arg18[%parallel_loop3A_442, %parallel_loop3A_443], %parallel_loop3A_441 {strides = array<i32>} : memref<56x224xf32, #tpu.memory_space<vmem>>, vector<16xf32>,
        %parallel_loop3A_445 = arith.index_cast %parallel_loop3A_356 : i32 to index
        %parallel_loop3A_446 = arith.constant 176 : index
        %parallel_loop3A_447 = tpu.vector_load %arg16[%parallel_loop3A_445, %parallel_loop3A_446] {strides = array<i32>} : memref<56x224xf32, #tpu.memory_space<vmem>>, vector<16xf32>,
        %parallel_loop3A_448 = arith.fptosi %parallel_loop3A_447 : vector<16xf32> to vector<16xi32>
        %parallel_loop3A_449 = tpu.vector_load_idx %arg12[%parallel_loop3A_448] : memref<256xf32, #tpu.memory_space<vmem>>[vector<16xi32>], vector<16xf32>,
        %parallel_loop3A_450 = arith.index_cast %parallel_loop3A_356 : i32 to index
        %parallel_loop3A_451 = arith.constant 176 : index
        %parallel_loop3A_452 = tpu.vector_load %arg18[%parallel_loop3A_450, %parallel_loop3A_451] {strides = array<i32>} : memref<56x224xf32, #tpu.memory_space<vmem>>, vector<16xf32>,
        tpu.vector_store %arg18[%parallel_loop3A_450, %parallel_loop3A_451], %parallel_loop3A_449 {strides = array<i32>} : memref<56x224xf32, #tpu.memory_space<vmem>>, vector<16xf32>,
        %parallel_loop3A_453 = arith.index_cast %parallel_loop3A_356 : i32 to index
        %parallel_loop3A_454 = arith.constant 192 : index
        %parallel_loop3A_455 = tpu.vector_load %arg16[%parallel_loop3A_453, %parallel_loop3A_454] {strides = array<i32>} : memref<56x224xf32, #tpu.memory_space<vmem>>, vector<16xf32>,
        %parallel_loop3A_456 = arith.fptosi %parallel_loop3A_455 : vector<16xf32> to vector<16xi32>
        %parallel_loop3A_457 = tpu.vector_load_idx %arg12[%parallel_loop3A_456] : memref<256xf32, #tpu.memory_space<vmem>>[vector<16xi32>], vector<16xf32>,
        %parallel_loop3A_458 = arith.index_cast %parallel_loop3A_356 : i32 to index
        %parallel_loop3A_459 = arith.constant 192 : index
        %parallel_loop3A_460 = tpu.vector_load %arg18[%parallel_loop3A_458, %parallel_loop3A_459] {strides = array<i32>} : memref<56x224xf32, #tpu.memory_space<vmem>>, vector<16xf32>,
        tpu.vector_store %arg18[%parallel_loop3A_458, %parallel_loop3A_459], %parallel_loop3A_457 {strides = array<i32>} : memref<56x224xf32, #tpu.memory_space<vmem>>, vector<16xf32>,
        %parallel_loop3A_461 = arith.index_cast %parallel_loop3A_356 : i32 to index
        %parallel_loop3A_462 = arith.constant 208 : index
        %parallel_loop3A_463 = tpu.vector_load %arg16[%parallel_loop3A_461, %parallel_loop3A_462] {strides = array<i32>} : memref<56x224xf32, #tpu.memory_space<vmem>>, vector<16xf32>,
        %parallel_loop3A_464 = arith.fptosi %parallel_loop3A_463 : vector<16xf32> to vector<16xi32>
        %parallel_loop3A_465 = tpu.vector_load_idx %arg12[%parallel_loop3A_464] : memref<256xf32, #tpu.memory_space<vmem>>[vector<16xi32>], vector<16xf32>,
        %parallel_loop3A_466 = arith.index_cast %parallel_loop3A_356 : i32 to index
        %parallel_loop3A_467 = arith.constant 208 : index
        %parallel_loop3A_468 = tpu.vector_load %arg18[%parallel_loop3A_466, %parallel_loop3A_467] {strides = array<i32>} : memref<56x224xf32, #tpu.memory_space<vmem>>, vector<16xf32>,
        tpu.vector_store %arg18[%parallel_loop3A_466, %parallel_loop3A_467], %parallel_loop3A_465 {strides = array<i32>} : memref<56x224xf32, #tpu.memory_space<vmem>>, vector<16xf32>,
      } {sc.loop_unroll_factor = 2 : i64, sc.parallel_access}
      %mul3A_343 = arith.constant 56 : i32
      %mul3A_344 = arith.muli %add3A_323, %mul3A_343 : i32
      %add3A_345 = arith.addi %mul3A_2, %mul3A_344 : i32
      %dma_start3A_346 = arith.constant 0 : i32
      %dma_start3A_347 = tpu.memref_slice %arg7[%add3A_345, %dma_start3A_346] : memref<86016x224xf32, #tpu.memory_space<hbm>> -> memref<56x224xf32, #tpu.memory_space<hbm>>
      %dma_start3A_348 = arith.constant 0 : i32
      %dma_start3A_349 = tpu.memref_slice %arg7[%add3A_345, %dma_start3A_348] : memref<86016x224xf32, #tpu.memory_space<hbm>> -> memref<56x224xf32, #tpu.memory_space<hbm>>
      tpu.enqueue_dma source(%arg18 : memref<56x224xf32, #tpu.memory_space<vmem>>) target(%dma_start3A_349 : memref<56x224xf32, #tpu.memory_space<hbm>>) target_semaphore(%arg24 : memref<!tpu.dma_semaphore, #tpu.memory_space<semaphore_mem>>)
      %lt3A_350 = arith.constant 11 : i32
      %lt3A_351 = arith.cmpi slt, %scan3A_226, %lt3A_350 : i32
      %convert_element_type3A_352 = arith.extui %lt3A_351 : i1 to i32
      %cond3A_353 = arith.constant 0 : i32
      %cond3A_354 = arith.cmpi ne, %convert_element_type3A_352, %cond3A_353 : i32
      scf.if %cond3A_354 {
        %add3A_356 = arith.constant 4 : i32
        %add3A_357 = arith.addi %add3A_323, %add3A_356 : i32
        %mul3A_358 = arith.constant 56 : i32
        %mul3A_359 = arith.muli %add3A_357, %mul3A_358 : i32
        %add3A_360 = arith.addi %mul3A_2, %mul3A_359 : i32
        %dma_start3A_361 = arith.constant 0 : i32
        %dma_start3A_362 = tpu.memref_slice %arg2[%add3A_360, %dma_start3A_361] : memref<86016x224xf32, #tpu.memory_space<hbm>> -> memref<56x224xf32, #tpu.memory_space<hbm>>
        %dma_start3A_363 = arith.constant 0 : i32
        %dma_start3A_364 = tpu.memref_slice %arg2[%add3A_360, %dma_start3A_363] : memref<86016x224xf32, #tpu.memory_space<hbm>> -> memref<56x224xf32, #tpu.memory_space<hbm>>
        tpu.enqueue_dma source(%dma_start3A_364 : memref<56x224xf32, #tpu.memory_space<hbm>>) target(%arg16 : memref<56x224xf32, #tpu.memory_space<vmem>>) target_semaphore(%arg22 : memref<!tpu.dma_semaphore, #tpu.memory_space<semaphore_mem>>)
      } else {
      }
      %scan3A_355 = arith.constant 0 : i32
      scf.yield %scan3A_355 : i32
    }
    %scan3A_214 = arith.constant 12 : i32
    %add3A_215 = arith.constant 2576 : i32
    %add3A_216 = arith.addi %mul3A_2, %add3A_215 : i32
    %dma_wait3A = arith.constant 0 : i32
    %dma_wait3A_217 = tpu.memref_slice %arg7[%add3A_216, %dma_wait3A] : memref<86016x224xf32, #tpu.memory_space<hbm>> -> memref<56x224xf32, #tpu.memory_space<hbm>>
    %dma_wait3A_218 = arith.constant 0 : i32
    %dma_wait3A_219 = tpu.memref_slice %arg7[%add3A_216, %dma_wait3A_218] : memref<86016x224xf32, #tpu.memory_space<hbm>> -> memref<56x224xf32, #tpu.memory_space<hbm>>
    tpu.wait_dma2 semaphore(%arg23 : memref<!tpu.dma_semaphore, #tpu.memory_space<semaphore_mem>>) src(%arg17 : memref<56x224xf32, #tpu.memory_space<vmem>>) dst(%dma_wait3A_219 : memref<56x224xf32, #tpu.memory_space<hbm>>)
    %add3A_220 = arith.constant 2632 : i32
    %add3A_221 = arith.addi %mul3A_2, %add3A_220 : i32
    %dma_wait3A_222 = arith.constant 0 : i32
    %dma_wait3A_223 = tpu.memref_slice %arg7[%add3A_221, %dma_wait3A_222] : memref<86016x224xf32, #tpu.memory_space<hbm>> -> memref<56x224xf32, #tpu.memory_space<hbm>>
    %dma_wait3A_224 = arith.constant 0 : i32
    %dma_wait3A_225 = tpu.memref_slice %arg7[%add3A_221, %dma_wait3A_224] : memref<86016x224xf32, #tpu.memory_space<hbm>> -> memref<56x224xf32, #tpu.memory_space<hbm>>
    tpu.wait_dma2 semaphore(%arg24 : memref<!tpu.dma_semaphore, #tpu.memory_space<semaphore_mem>>) src(%arg18 : memref<56x224xf32, #tpu.memory_space<vmem>>) dst(%dma_wait3A_225 : memref<56x224xf32, #tpu.memory_space<hbm>>)
    return
  }
}

</mosaic_0001>

<sc_bundles>
// kernel: kernel.3.cloned.1.call-start
scs
__scs_entry_jumppad:
0x0: {  	(pc) =	sbr.rel $0x88, $3  }
0x1: {  	(tag) =	ssettag $0x0;
	lr =	simm.s32 $0x1  }
0x2: {  	[smem:$0x3F9E] =	sst lr;
	_ =	strace $0xD0000000  }
0x3: {  	_ = 	snop  }
0x4: {  	_ = 	snop  }
0x5: {  	_ = 	snop  }
0x6: {  	_ = 	snop  }
0x7: {  	_ = 	snop  }
__scs_overlays_trampoline_lowered:
0x8: {  	[smem:$0x3FAD] =	sst s0  }
0x9: {  	[smem:$0x3FAE] =	sst s1  }
0xa: {  	[smem:$0x3FAF] =	sst s2  }
0xb: {  	[smem:$0x3FB0] =	sst s3  }
0xc: {  	[smem:$0x3FB1] =	sst s4  }
0xd: {  	[smem:$0x3FB2] =	sst s5  }
0xe: {  	[smem:$0x3FB3] =	sst s6  }
0xf: {  	[smem:$0x3FB4] =	sst s7  }
0x10: {  	[smem:$0x3FB5] =	sst s8  }
0x11: {  	[smem:$0x3FB6] =	sst s9;
	s0 =	simm.s32 @!p0 $0x0  }
0x12: {  	s1 =	sld [smem:$0x3F9C];
	s0 =	simm.s32 @p0 $0x1  }
0x13: {  	[smem:$0x3FB7] =	sst s0;
	s0 =	simm.s32 @!p1 $0x0  }
0x14: {  	s2 =	sld [smem:$0x3F9B];
	s0 =	simm.s32 @p1 $0x1  }
0x15: {  	[smem:$0x3FB8] =	sst s0;
	s0 =	simm.s32 @!p2 $0x0  }
0x16: {  	s3 =	sld [smem:$0x3FDB];
	s0 =	simm.s32 @p2 $0x1  }
0x17: {  	s4 =	simm.s32 $0x1BF5;
	[smem:$0x3FBA] =	sst s0  }
0x18: {  	s0 =	sld [smem:$0x3F9D];
	_ =	swait.ge [sflag:s4], $0x0  }
0x19: {  	s7 =	sld [smem:$0x3F9E]  }
0x1a: {  	s8 =	sadd.s32 $0xFFFFE003, lr  }
0x1b: {  	s9 =	sadd.s32 $0xFFFFFEF7, lr;
	s5 =	simm.s32 $0xFFFFFFFF;
	p2 =	slt.u32 s8, $0xFFFFF086  }
0x1c: {  	p1 =	slt.u32 s9, $0xF7A;
	s5 =	simm.s32 @!p2 $0x0  }
0x1d: {  	s5 =	simm.s32 @p1 $0x1;
	p0 =	seq.s32 s7, s2  }
0x1e: {  	s7 =	smul.u32 @!p0 $0xF7A, s2;
	p2 =	seq.s32 @!p0 s5, $0x0  }
0x1f: {  	s9 =	smul.u32 $0xF7A, s1;
	s8 =	simm.s32 @!p0 $0x1BF5;
	p2 =	por !p2, p0  }
0x20: {  	[sflag:s8] =	ssyncset.s32 @!p0 $0xFFFFF086;
	s6 =	sadd.s32 @!p0 s3, s7;
	s7 =	simm.s32 @!p0 $0x108  }
0x21: {  	s3 =	sadd.s32 s3, s9;
	s6 =	sadd.s32 @!p0 $0x88, s6;
	s7 =	simm.s32 @p2 $0x1082  }
0x22: {  	[simem:s7], [sflag:s8] =	dma.local @!p0 [hbm:s6], $0xF7A  }
0x23: {  	s9 =	sor.u32 $0xD0000000, s2;
	s6 =	simm.s32 $0x108;
	_ =	swait.ge @!p0 [sflag:s8], $0x0  }
0x24: {  	s3 =	sadd.s32 $0x88, s3;
	s6 =	simm.s32 @!p1 $0x1082;
	[sflag:s4] =	ssyncset.s32 $0xFFFFF086  }
0x25: {  	[simem:s6], [sflag:s4] =	dma.local [hbm:s3], $0xF7A  }
0x26: {  	[smem:$0x3F9E] =	sst s1;
	(tag) =	ssettag s2;
	_ =	strace s9  }
0x27: {  	s1 =	sld [smem:$0x3FAE]  }
0x28: {  	s2 =	sld [smem:$0x3FAF]  }
0x29: {  	s4 =	sld [smem:$0x3FB1]  }
0x2a: {  	p0 =	seq.s32 s5, $0x0;
	s5 =	sld [smem:$0x3FB2]  }
0x2b: {  	s6 =	sld [smem:$0x3FB3]  }
0x2c: {  	s7 =	sld [smem:$0x3FB4]  }
0x2d: {  	s3 =	simm.s32 $0x108;
	s8 =	sld [smem:$0x3FB5]  }
0x2e: {  	s3 =	simm.s32 @!p0 $0x1082;
	s9 =	sld [smem:$0x3FB6]  }
0x2f: {  	lr =	sadd.s32 s0, s3;
	s0 =	sld [smem:$0x3FAD]  }
0x30: {  	s3 =	sld [smem:$0x3FB0]  }
0x31: {  	[smem:$0x3FB9] =	sst s10  }
0x32: {  	s10 =	sld [smem:$0x3FB7];
	_ =	sdelay $0x3  }
0x33: {  	p0 =	seq.s32 s10, $0x1;
	s10 =	sld [smem:$0x3FB9];
	_ =	sdelay $0x3  }
0x34: {  	[smem:$0x3FB9] =	sst s10  }
0x35: {  	s10 =	sld [smem:$0x3FB8];
	_ =	sdelay $0x3  }
0x36: {  	p1 =	seq.s32 s10, $0x1;
	s10 =	sld [smem:$0x3FB9];
	_ =	sdelay $0x3  }
0x37: {  	[smem:$0x3FB9] =	sst s10  }
0x38: {  	s10 =	sld [smem:$0x3FBA]  }
0x39: {  	_ = 	snop;
	(pc) =	sbr.ind lr, $3  }
0x3a: {  	_ = 	snop  }
0x3b: {  	_ = 	snop  }
0x3c: {  	p2 =	seq.s32 s10, $0x1;
	s10 =	sld [smem:$0x3FB9]  }
0x3d: {  	_ =	shalt  }
0x3e: {  	_ =	shalt  }
0x3f: {  	_ =	shalt  }
0x40: {  	_ =	shalt  }
0x41: {  	_ =	shalt  }
0x42: {  	_ =	shalt  }
0x43: {  	_ =	shalt  }
0x44: {  	_ =	shalt  }
0x45: {  	_ =	shalt  }
0x46: {  	_ =	shalt  }
0x47: {  	_ =	shalt  }
0x48: {  	_ =	shalt  }
0x49: {  	_ =	shalt  }
0x4a: {  	_ =	shalt  }
0x4b: {  	_ =	shalt  }
0x4c: {  	_ =	shalt  }
0x4d: {  	_ =	shalt  }
0x4e: {  	_ =	shalt  }
0x4f: {  	_ =	shalt  }
0x50: {  	_ =	shalt  }
0x51: {  	_ =	shalt  }
0x52: {  	_ =	shalt  }
0x53: {  	_ =	shalt  }
0x54: {  	_ =	shalt  }
0x55: {  	_ =	shalt  }
0x56: {  	_ =	shalt  }
0x57: {  	_ =	shalt  }
0x58: {  	_ =	shalt  }
0x59: {  	_ =	shalt  }
0x5a: {  	_ =	shalt  }
0x5b: {  	_ =	shalt  }
0x5c: {  	_ =	shalt  }
0x5d: {  	_ =	shalt  }
0x5e: {  	_ =	shalt  }
0x5f: {  	_ =	shalt  }
0x60: {  	_ =	shalt  }
0x61: {  	_ =	shalt  }
0x62: {  	_ =	shalt  }
0x63: {  	_ =	shalt  }
0x64: {  	_ =	shalt  }
0x65: {  	_ =	shalt  }
0x66: {  	_ =	shalt  }
0x67: {  	_ =	shalt  }
0x68: {  	_ =	shalt  }
0x69: {  	_ =	shalt  }
0x6a: {  	_ =	shalt  }
0x6b: {  	_ =	shalt  }
0x6c: {  	_ =	shalt  }
0x6d: {  	_ =	shalt  }
0x6e: {  	_ =	shalt  }
0x6f: {  	_ =	shalt  }
0x70: {  	_ =	shalt  }
0x71: {  	_ =	shalt  }
0x72: {  	_ =	shalt  }
0x73: {  	_ =	shalt  }
0x74: {  	_ =	shalt  }
0x75: {  	_ =	shalt  }
0x76: {  	_ =	shalt  }
0x77: {  	_ =	shalt  }
0x78: {  	_ =	shalt  }
0x79: {  	_ =	shalt  }
0x7a: {  	_ =	shalt  }
0x7b: {  	_ =	shalt  }
0x7c: {  	_ =	shalt  }
0x7d: {  	_ =	shalt  }
0x7e: {  	_ =	shalt  }
0x7f: {  	_ =	shalt  }
0x80: {  	_ =	shalt  }
0x81: {  	_ =	shalt  }
0x82: {  	_ =	shalt  }
0x83: {  	_ =	shalt  }
0x84: {  	_ =	shalt  }
0x85: {  	_ =	shalt  }
0x86: {  	_ =	shalt  }
0x87: {  	_ =	shalt  }
.Lfunc_end0:
.L_simem_size_0:
called_computation_lowered:
.L_overlay_start_0:
0x88: {  	s2 =	sld [smem:$0x3FD9]  }
0x89: {  	s3 =	sld [smem:$0x3FFE];
	_ =	sdelay $0x1  }
0x8a: {  	s1 =	srdreg.scid  }
0x8b: {  	s0 =	sand.u32 $0x1, s1  }
0x8c: {  	s17 =	sshll.u32 s0, $0xA;
	s2 =	sadd.s32 s3, s2  }
0x8d: {  	s2 =	sadd.s32 s2, s17  }
0x8e: {  	[smem:$0x3FC5] =	sst s2  }
0x8f: {  	_ = 	snop  }
0x90: {  	s2 =	sld [smem:$0x3FC9]  }
0x91: {  	s18 =	sld [smem:$0x3FD0];
	(tm) =	ssettm $0x1  }
0x92: {  	s4 =	sld [smem:$0x3FFB];
	_ =	sdelay $0x3  }
0x93: {  	_ =	strace s4  }
0x94: {  	s4 =	sld [smem:$0x3FFC];
	_ =	sdelay $0x3  }
0x95: {  	_ =	strace s4  }
0x96: {  	s4 =	sld [smem:$0x3FFD];
	_ =	sdelay $0x3  }
0x97: {  	_ =	strace s4  }
0x98: {  	_ =	strace $0x8FFFFFFF  }
0x99: {  	s19 =	sld [smem:$0x3FDB];
	_ =	sdelay $0x1  }
0x9a: {  	s5 =	simm.s32 $_scs_section_size  }
0x9b: {  	s6 =	simm.s32 $_size__tile_overlayer_lowered;
	s7 =	simm.s32 $_tile_overlayer_lowered  }
0x9c: {  	s22 =	simm.s32 $0x1BFF;
	s21 =	sshll.u32 s7, $0x1;
	s4 =	sadd.s32 s5, s19  }
0x9d: {  	s8 =	simm.s32 $0x0;
	s20 =	sshll.u32 s6, $0x1;
	s6 =	sadd.s32 s21, s4  }
0x9e: {  	[timem:s8], [sflag:s22] =	dma.local [hbm:s6], s20  }
0x9f: {  	_ =	swait.ge [sflag:s22], s20  }
0xa0: {  	s5 =	ssub.s32 $0x0, s20;
	[sflag:s22] =	ssyncset.done $0x0  }
0xa1: {  	[sflag:s22] =	ssyncadd.s32 s5;
	_ =	sdelay $0x1  }
0xa2: {  	s23 =	simm.s32 $0x1B8B  }
0xa3: {  	_ =	swait.ge [sflag:s23], $0x1  }
0xa4: {  	[sflag:s23] =	ssyncset.done $0x0  }
0xa5: {  	s25 =	simm.s32 $0x1B8E;
	s24 =	sld [smem:$0x3FFE];
	[sflag:s23] =	ssyncadd.s32 $0xFFFFFFFF  }
0xa6: {  	s26 =	simm.s32 $execute0_lowered;
	[smem:$0x3FD2] =	sst s25  }
0xa7: {  	s6 =	sshll.u32 s26, $0x1;
	_ =	strace $0x80000046;
	[dreg:$0x1] =	wrdreg $0xFFFFFFFF  }
0xa8: {  	s28 =	simm.s32 $_size_execute0_lowered;
	s4 =	sadd.s32 s4, s6;
	[dreg:$0x0] =	wrdreg $0x0  }
0xa9: {  	s6 =	sshll.u32 s28, $0x1;
	[dreg:$0x2] =	wrdreg s4  }
0xaa: {  	[dreg:$0x3] =	wrdreg s6  }
0xab: {  	[dreg:$0x4] =	wrdreg $0xC0  }
0xac: {  	_ =	task [dreg:s8], $0x5FFFF  }
0xad: {  	[dreg:$0x1] =	wrdreg $0xFFFFFFFF  }
0xae: {  	[dreg:$0x0] =	wrdreg $0x60  }
0xaf: {  	[dreg:$0x2] =	wrdreg s2  }
0xb0: {  	[dreg:$0x3] =	wrdreg s24  }
0xb1: {  	[dreg:$0x4] =	wrdreg s18  }
0xb2: {  	[dreg:$0x5] =	wrdreg $0x9  }
0xb3: {  	_ =	task.clear_ibuf [dreg:s8], $0x6FFFF;
	_ =	strace $0x90000046  }
0xb4: {  	s29 =	simm.s32 $0x9;
	_ =	strace $0x80000048  }
0xb5: {  	_ =	swait.ge [sflag:s29], $0x1  }
0xb6: {  	[sflag:s29] =	ssyncadd.s32 $0xFFFFFFFF  }
0xb7: {  	_ =	strace $0x90000048  }
0xb8: {  	_ =	sfence  }
0xb9: {  	s30 =	sld [smem:$0x0];
	_ =	sdelay $0x2  }
0xba: {  	s31 =	sshll.u32 s1, $0xD;
	s1 =	sshrl.u32 s1, $0x2  }
0xbb: {  	s3 =	sand.u32 $0x4000, s31;
	s1 =	sadd.s32 s1, s30  }
0xbc: {  	s0 =	sor.u32 s3, s0;
	s1 =	sshll.u32 s1, $0x11  }
0xbd: {  	s0 =	sor.u32 s1, s0  }
0xbe: {  	s0 =	sadd.s32 $0x8F2B, s0  }
0xbf: {  	[sflag:s0] =	ssyncadd.remote.s32 $0x1  }
0xc0: {  	_ =	sfence.sel $0xFFFF  }
0xc1: {  	[dreg:$0x0] =	wrdreg $0xFFFFFFFF;
	(pc) =	sbr.abs _section_cstart, $3  }
0xc2: {  	[dreg:$0x1] =	wrdreg $0xFFFFFFFF  }
0xc3: {  	_ =	task.clear_ibuf [dreg:s8], $0x2FFFF;
	_ =	strace $0x9FFFFFFF  }
0xc4: {  	(tm) =	ssettm $0x7FFFFFFF  }
0xc5: {  	_ =	shalt  }
tec
execute0_lowered:
.L_overlay_start_1:
0x0: {  	(tag) =	ssettag $0x1  }
0x1: {  	s1 =	rddreg [dreg:$0x0]  }
0x2: {  	s0 =	rddreg [dreg:$0x1]  }
0x3: {  	s3 =	rddreg [dreg:$0x2];
	s4 =	simm.s32 $0x0;
	s2 =	srdreg.scid  }
0x4: {  	s5 =	stileid.u32;
	s28 =	simm.s32 $0x5;
	s29 =	simm.s32 $0x4  }
0x5: {  	s30 =	simm.s32 $0x6;
	[smem:$0x7FF] =	sst s4;
	s2 =	sand.u32 $0x1, s2  }
0x6: {  	s5 =	sshll.u32 s5, $0x1;
	s6 =	sadd.s32 $0x800, s0;
	s7 =	sadd.s32 $0x600, s0  }
0x7: {  	s9 =	sadd.s32 $0xC00, s0;
	s0 =	sadd.s32 $0xA00, s0;
	s5 =	sor.u32 s2, s5  }
0x8: {  	_ =	strace $0x80000047;
	[dreg:$0x4] =	wrdreg s6;
	s22 =	smul.u32 $0x15000, s5  }
0x9: {  	s2 =	ssub.s32 $0x2, s2;
	[dreg:$0x5] =	wrdreg s7;
	s8 =	smul.u32 $0xA8000, s5  }
0xa: {  	[dreg:$0x6] =	wrdreg s9;
	s23 =	sshrl.u32 s2, $0x1;
	s9 =	smul.u32 $0xA80, s5  }
0xb: {  	[dreg:$0x7] =	wrdreg s0;
	s24 =	ssub.s32 s2, s23;
	s23 =	simm.s32 $0x2  }
0xc: {  	s25 =	sadd.s32 s1, s22;
	s26 =	sshrl.u32 s8, $0x3;
	s14 =	sadd.s32 $0xE0, s9  }
0xd: {  	v0 =	vlaneseq.u32;
	s15 =	sor.u32 $0x38, s9;
	s16 =	sadd.s32 $0x118, s9;
	s17 =	sor.u32 $0x70, s9  }
0xe: {  	v0 =	vmul.u32 $0x10, v0;
	s18 =	sadd.s32 $0x150, s9;
	s19 =	sadd.s32 $0xA8, s9;
	s31 =	sadd.s32 $0x188, s9  }
0xf: {  	s0 =	smax.u32 s24, $0x1;
	s24 =	simm.s32 $0x11B00;
	[dreg:$0x8] =	wrdreg s25  }
.Ltmp0:
0x10: {  	v1 =	vor.u32 $0x1, v0;
	v2 =	vor.u32 $0x2, v0;
	v3 =	vor.u32 $0x3, v0;
	s6 =	sadd.s32 $0x700, s25;
	[dreg:$0xc] =	wrdreg s31;
	(pc) =	sbr.rel .LBB2_1-.Ltmp0, $4  }
0x11: {  	v4 =	vor.u32 $0x4, v0;
	v5 =	vor.u32 $0x5, v0;
	v6 =	vor.u32 $0x6, v0;
	s5 =	sadd.s32 $0xE00, s25;
	s2 =	sadd.s32 s1, s26;
	[dreg:$0xd] =	wrdreg s0  }
0x12: {  	v7 =	vor.u32 $0x7, v0;
	v8 =	vor.u32 $0x8, v0;
	v9 =	vor.u32 $0x9, v0;
	s26 =	simm.s32 $0x200;
	s0 =	simm.s32 $0x1;
	[dreg:$0x9] =	wrdreg s6  }
0x13: {  	v10 =	vor.u32 $0xA, v0;
	v11 =	vor.u32 $0xB, v0;
	v12 =	vor.u32 $0xC, v0;
	s25 =	simm.s32 $0x3;
	[dreg:$0xa] =	wrdreg s5;
	s2 =	sadd.s32 $0x1500, s2  }
0x14: {  	v13 =	vor.u32 $0xD, v0;
	v14 =	vor.u32 $0xE, v0;
	v15 =	vor.u32 $0xF, v0;
	s6 =	simm.s32 $0x0;
	[dreg:$0xb] =	wrdreg s2;
	s2 =	simm.s32 $0xE300  }
.LBB2_12:
0x15: {  	_ =	swait.ge [sflag:s28], $0x3800  }
0x16: {  	[sflag:s28] =	ssyncset.done $0x0  }
0x17: {  	[sflag:s28] =	ssyncadd.s32 $0xFFFFC800  }
0x18: {  	_ =	swait.ge [sflag:s30], $0x3800  }
0x19: {  	s6 =	rddreg [dreg:$0xe]  }
0x1a: {  	s5 =	rddreg [dreg:$0xd];
	s6 =	sadd.s32 $0x1, s6  }
0x1b: {  	p0 =	sne.s32 s6, s5  }
.Ltmp1:
0x1c: {  	_ = 	snop;
	(pc) =	sbr.rel @!p0 .LBB2_13-.Ltmp1, $3  }
0x1d: {  	_ =	sdelay $0x1  }
0x1e: {  	[sflag:s30] =	ssyncset.done $0x0  }
0x1f: {  	[sflag:s30] =	ssyncadd.s32 $0xFFFFC800  }
.LBB2_1:
0x20: {  	[dreg:$0xe] =	wrdreg s6  }
0x21: {  	s5 =	rddreg [dreg:$0x4];
	s20 =	simm.s32 $0x7  }
0x22: {  	[tilespmem:s4], [sflag:$0x7] =	stream.linear.gather [hbm4b:s5+s4], $0x80, $0x38;
	[tilespmem:$0x15300] =	vst v63  }
0x23: {  	_ =	swait.ge [sflag:s20], $0x80  }
0x24: {  	[sflag:s20] =	ssyncset.done $0x0  }
0x25: {  	s7 =	simm.s32 $0x80;
	s21 =	rddreg [dreg:$0x5];
	[sflag:s20] =	ssyncadd.s32 $0xFFFFFF80  }
0x26: {  	[tilespmem:s7], [sflag:$0x7] =	stream.linear.gather [hbm4b:s21+s4], $0x80, $0x38;
	[tilespmem:$0x15300] =	vst v63  }
0x27: {  	_ =	swait.ge [sflag:s20], $0x80  }
0x28: {  	[sflag:s20] =	ssyncset.done $0x0  }
0x29: {  	s31 =	simm.s32 $0x100;
	s22 =	rddreg [dreg:$0x6];
	[sflag:s20] =	ssyncadd.s32 $0xFFFFFF80  }
0x2a: {  	[tilespmem:s31], [sflag:$0x7] =	stream.linear.gather [hbm4b:s22+s4], $0x80, $0x38;
	[tilespmem:$0x15300] =	vst v63  }
0x2b: {  	_ =	swait.ge [sflag:s20], $0x80  }
0x2c: {  	[sflag:s20] =	ssyncset.done $0x0  }
0x2d: {  	s8 =	simm.s32 $0x180;
	s7 =	rddreg [dreg:$0x7];
	[sflag:s20] =	ssyncadd.s32 $0xFFFFFF80  }
0x2e: {  	[tilespmem:s8], [sflag:$0x7] =	stream.linear.gather [hbm4b:s7+s4], $0x80, $0x38;
	[tilespmem:$0x15300] =	vst v63  }
0x2f: {  	_ =	swait.ge [sflag:s20], $0x80  }
0x30: {  	[sflag:s20] =	ssyncset.done $0x0  }
0x31: {  	[sflag:s20] =	ssyncadd.s32 $0xFFFFFF80  }
0x32: {  	v16 =	vld [tilespmem:$0x0];
	_ =	sdelay $0x4  }
0x33: {  	v18 =	vmul.f32 $0.0e+00, v16;
	v19 =	vmul.f32 $6.250000000e-02, v16  }
0x34: {  	v17 =	vld [tilespmem:$0x80];
	v20 =	vmul.f32 $1.250000000e-01, v16;
	v21 =	vmul.f32 $1.875000000e-01, v16  }
0x35: {  	v22 =	vmul.f32 $2.500000000e-01, v16;
	v23 =	vmul.f32 $3.125000000e-01, v16  }
0x36: {  	v24 =	vmul.f32 $3.750000000e-01, v16;
	v25 =	vmul.f32 $4.375000000e-01, v16  }
0x37: {  	v26 =	vmul.f32 $5.000000000e-01, v16;
	v27 =	vmul.f32 $5.625000000e-01, v16  }
0x38: {  	v28 =	vmul.f32 $6.250000000e-01, v16;
	v30 =	vmul.f32 $6.875000000e-01, v16  }
0x39: {  	v32 =	vmul.f32 $7.500000000e-01, v16;
	v18 =	vadd.f32 v17, v18;
	v19 =	vadd.f32 v17, v19  }
0x3a: {  	v33 =	vmul.f32 $8.125000000e-01, v16;
	v20 =	vadd.f32 v17, v20;
	v21 =	vadd.f32 v17, v21  }
0x3b: {  	v34 =	vmul.f32 $8.750000000e-01, v16;
	v22 =	vadd.f32 v17, v22;
	v23 =	vadd.f32 v17, v23  }
0x3c: {  	v16 =	vmul.f32 $9.375000000e-01, v16;
	v24 =	vadd.f32 v17, v24;
	v25 =	vadd.f32 v17, v25  }
0x3d: {  	v26 =	vadd.f32 v17, v26;
	v27 =	vadd.f32 v17, v27;
	v18 =	vtrunc.f32 v18  }
0x3e: {  	v28 =	vadd.f32 v17, v28;
	v19 =	vtrunc.f32 v19;
	v20 =	vtrunc.f32 v20  }
0x3f: {  	v30 =	vadd.f32 v17, v30;
	v21 =	vtrunc.f32 v21;
	v63 =	vtrunc.f32 v22  }
0x40: {  	v32 =	vadd.f32 v17, v32;
	v35 =	vtrunc.f32 v23;
	v36 =	vtrunc.f32 v24  }
0x41: {  	v33 =	vadd.f32 v17, v33;
	v37 =	vtrunc.f32 v25;
	v38 =	vtrunc.f32 v26  }
0x42: {  	v34 =	vadd.f32 v17, v34;
	v39 =	vtrunc.f32 v27;
	v44 =	vtrunc.f32 v28  }
0x43: {  	v16 =	vadd.f32 v17, v16;
	v47 =	vtrunc.f32 v30;
	v49 =	vtrunc.f32 v32  }
0x44: {  	v55 =	vtrunc.f32 v33;
	v57 =	vtrunc.f32 v34  }
0x45: {  	v16 =	vtrunc.f32 v16;
	v18 =	vcvt.f32.s32 v18  }
0x46: {  	v19 =	vcvt.f32.s32 v19;
	v20 =	vcvt.f32.s32 v20  }
0x47: {  	v17 =	vcvt.f32.s32 v21;
	v21 =	vcvt.f32.s32 v63  }
0x48: {  	v22 =	vcvt.f32.s32 v35;
	v23 =	vcvt.f32.s32 v36  }
0x49: {  	v29 =	vld [tilespmem:$0x100];
	v24 =	vcvt.f32.s32 v37;
	v25 =	vcvt.f32.s32 v38  }
0x4a: {  	v31 =	vld [tilespmem:$0x180];
	v26 =	vcvt.f32.s32 v39;
	v46 =	vcvt.f32.s32 v44  }
0x4b: {  	v48 =	vcvt.f32.s32 v47;
	v50 =	vcvt.f32.s32 v49  }
0x4c: {  	v58 =	vcvt.f32.s32 v57;
	v18 =	vcvt.s32.f32 v18  }
0x4d: {  	v16 =	vcvt.f32.s32 v16;
	v19 =	vcvt.s32.f32 v19  }
0x4e: {  	v20 =	vcvt.s32.f32 v20;
	v17 =	vcvt.s32.f32 v17;
	v18 =	vmax.f32 v29, v18  }
0x4f: {  	v21 =	vcvt.s32.f32 v21;
	v19 =	vmax.f32 v29, v19;
	v18 =	vmin.f32 v31, v18  }
0x50: {  	v22 =	vcvt.s32.f32 v22;
	v20 =	vmax.f32 v29, v20;
	v19 =	vmin.f32 v31, v19;
	[tilespmem:v0+s26+$0x0] =	vst.idx.msk $0xffff, v18  }
0x51: {  	v23 =	vcvt.s32.f32 v23;
	v17 =	vmax.f32 v29, v17;
	v20 =	vmin.f32 v31, v20;
	[tilespmem:v1+s26+$0x0] =	vst.idx.msk $0xffff, v19  }
0x52: {  	v41 =	vcvt.s32.f32 v24;
	v21 =	vmax.f32 v29, v21;
	v17 =	vmin.f32 v31, v17;
	[tilespmem:v2+s26+$0x0] =	vst.idx.msk $0xffff, v20  }
0x53: {  	v42 =	vcvt.s32.f32 v25;
	v22 =	vmax.f32 v29, v22;
	v21 =	vmin.f32 v31, v21;
	[tilespmem:v3+s26+$0x0] =	vst.idx.msk $0xffff, v17  }
0x54: {  	v43 =	vcvt.s32.f32 v26;
	v40 =	vmax.f32 v29, v23;
	v22 =	vmin.f32 v31, v22;
	[tilespmem:v4+s26+$0x0] =	vst.idx.msk $0xffff, v21  }
0x55: {  	v51 =	vcvt.s32.f32 v46;
	v45 =	vmax.f32 v29, v41;
	v18 =	vmin.f32 v31, v40;
	[tilespmem:v5+s26+$0x0] =	vst.idx.msk $0xffff, v22  }
0x56: {  	v52 =	vcvt.s32.f32 v48;
	v20 =	vmin.f32 v31, v45;
	v17 =	vmax.f32 v29, v42;
	[tilespmem:v6+s26+$0x0] =	vst.idx.msk $0xffff, v18  }
0x57: {  	v19 =	vmax.f32 v29, v43;
	v17 =	vmin.f32 v31, v17;
	v21 =	vcvt.f32.s32 v55;
	[tilespmem:v7+s26+$0x0] =	vst.idx.msk $0xffff, v20  }
0x58: {  	v54 =	vcvt.s32.f32 v50;
	v56 =	vmax.f32 v29, v51;
	v53 =	vmin.f32 v31, v19;
	[tilespmem:v8+s26+$0x0] =	vst.idx.msk $0xffff, v17  }
0x59: {  	v59 =	vmax.f32 v29, v52;
	v21 =	vcvt.s32.f32 v21;
	v17 =	vmin.f32 v31, v56;
	[tilespmem:v9+s26+$0x0] =	vst.idx.msk $0xffff, v53  }
0x5a: {  	v61 =	vcvt.s32.f32 v58;
	v60 =	vmax.f32 v29, v54;
	[tilespmem:v10+s26+$0x0] =	vst.idx.msk $0xffff, v17;
	v17 =	vmin.f32 v31, v59  }
0x5b: {  	v16 =	vcvt.s32.f32 v16;
	v62 =	vmax.f32 v29, v21;
	[tilespmem:v11+s26+$0x0] =	vst.idx.msk $0xffff, v17;
	v17 =	vmin.f32 v31, v60  }
0x5c: {  	v63 =	vmax.f32 v29, v61;
	[tilespmem:v12+s26+$0x0] =	vst.idx.msk $0xffff, v17;
	v17 =	vmin.f32 v31, v62  }
0x5d: {  	v16 =	vmax.f32 v29, v16;
	[tilespmem:v13+s26+$0x0] =	vst.idx.msk $0xffff, v17;
	v17 =	vmin.f32 v31, v63  }
0x5e: {  	v16 =	vmin.f32 v31, v16;
	[tilespmem:v14+s26+$0x0] =	vst.idx.msk $0xffff, v17  }
0x5f: {  	s11 =	simm.s32 $0x300;
	s10 =	rddreg [dreg:$0x8];
	[tilespmem:v15+s26+$0x0] =	vst.idx.msk $0xffff, v16  }
0x60: {  	[tilespmem:s11], [sflag:$0x1] =	stream.linear.gather [hbm4b:s10+s4], $0x3800, $0x38;
	[tilespmem:$0x15300] =	vst v63  }
0x61: {  	s13 =	simm.s32 $0x3B00;
	s12 =	rddreg [dreg:$0x9]  }
0x62: {  	[tilespmem:s13], [sflag:$0x2] =	stream.linear.gather [hbm4b:s12+s4], $0x3800, $0x38;
	[tilespmem:$0x15300] =	vst v63  }
0x63: {  	s21 =	simm.s32 $0x7300;
	s20 =	rddreg [dreg:$0xa]  }
0x64: {  	[tilespmem:s21], [sflag:$0x3] =	stream.linear.gather [hbm4b:s20+s4], $0x3800, $0x38;
	[tilespmem:$0x15300] =	vst v63  }
0x65: {  	s6 =	simm.s32 $0x0;
	s31 =	simm.s32 $0xAB00;
	s22 =	rddreg [dreg:$0xb]  }
0x66: {  	[tilespmem:s31], [sflag:$0x4] =	stream.linear.gather [hbm4b:s22+s4], $0x3800, $0x38;
	[tilespmem:$0x15300] =	vst v63  }
.LBB2_2:
0x67: {  	_ =	swait.ge [sflag:s0], $0x3800  }
0x68: {  	p1 =	seq.s32 s6, $0x0;
	[sflag:s0] =	ssyncset.done $0x0  }
0x69: {  	s5 =	simm.s32 @!p1 $0x5;
	[sflag:s0] =	ssyncadd.s32 $0xFFFFC800  }
0x6a: {  	s7 =	simm.s32 $0x0;
	_ =	swait.ge @!p1 [sflag:s5], $0x3800  }
0x6b: {  	s8 =	sand.u32 $0x3800, s7;
	s7 =	sand.u32 $0x300, s7;
	[sflag:s5] =	ssyncset.done @!p1 $0x0  }
0x6c: {  	s8 =	sor.u32 s7, s8;
	[sflag:s5] =	ssyncadd.s32 @!p1 $0xFFFFC800  }
0x6d: {  	v16 =	vld [tilespmem:s8+$0x380]  }
0x6e: {  	v17 =	vld [tilespmem:s8+$0x300]  }
0x6f: {  	v18 =	vld [tilespmem:s8+$0x390]  }
0x70: {  	v19 =	vld [tilespmem:s8+$0x310]  }
0x71: {  	v20 =	vld [tilespmem:s8+$0x3A0]  }
0x72: {  	v21 =	vld [tilespmem:s8+$0x320]  }
0x73: {  	v22 =	vld [tilespmem:s8+$0x330];
	v16 =	vtrunc.f32 v16  }
0x74: {  	v23 =	vld [tilespmem:s8+$0x340];
	v16 =	vcvt.f32.s32 v16  }
0x75: {  	v24 =	vld [tilespmem:s8+$0x350]  }
0x76: {  	v25 =	vld [tilespmem:s8+$0x360]  }
0x77: {  	v26 =	vld [tilespmem:s8+$0x370];
	v17 =	vtrunc.f32 v17  }
0x78: {  	v27 =	vld [tilespmem:s8+$0x710];
	v17 =	vcvt.f32.s32 v17  }
0x79: {  	v28 =	vld [tilespmem:s8+$0x720];
	v18 =	vtrunc.f32 v18  }
0x7a: {  	s12 =	simm.s32 $0x100;
	s13 =	simm.s32 $0x200;
	v18 =	vcvt.f32.s32 v18;
	v16 =	vld.idx.msk [tilespmem:v16+s26+$0x0], $0xffff  }
0x7b: {  	s7 =	sand.u32 $0x3800, s13;
	s5 =	sand.u32 $0x300, s12;
	v33 =	vld [tilespmem:s8+$0x790]  }
0x7c: {  	s11 =	sor.u32 s5, s7;
	v38 =	vld [tilespmem:s8+$0x7A0]  }
0x7d: {  	v29 =	vld [tilespmem:s11+$0x300];
	v19 =	vtrunc.f32 v19  }
0x7e: {  	v19 =	vcvt.f32.s32 v19;
	v17 =	vld.idx.msk [tilespmem:v17+s26+$0x0], $0xffff  }
0x7f: {  	[tilespmem:s8+$0xE380] =	vst v16;
	v16 =	vtrunc.f32 v20;
	v20 =	vld [tilespmem:s8+$0x3B0]  }
0x80: {  	v18 =	vld.idx.msk [tilespmem:v18+s26+$0x0], $0xffff;
	v16 =	vcvt.f32.s32 v16  }
0x81: {  	v30 =	vld [tilespmem:s11+$0x310]  }
0x82: {  	v31 =	vld [tilespmem:s11+$0x320]  }
0x83: {  	v32 =	vld [tilespmem:s11+$0x330];
	[tilespmem:s8+$0xE300] =	vst v17;
	v17 =	vtrunc.f32 v21  }
0x84: {  	v19 =	vld.idx.msk [tilespmem:v19+s26+$0x0], $0xffff;
	v17 =	vcvt.f32.s32 v17  }
0x85: {  	[tilespmem:s8+$0xE390] =	vst v18;
	v18 =	vtrunc.f32 v20;
	v20 =	vld [tilespmem:s8+$0x3C0]  }
0x86: {  	v16 =	vld.idx.msk [tilespmem:v16+s26+$0x0], $0xffff;
	v18 =	vcvt.f32.s32 v18  }
0x87: {  	v34 =	vld [tilespmem:s11+$0x340]  }
0x88: {  	v35 =	vld [tilespmem:s11+$0x350]  }
0x89: {  	v47 =	vld [tilespmem:s11+$0x3A0];
	[tilespmem:s8+$0xE310] =	vst v19  }
0x8a: {  	v22 =	vtrunc.f32 v22;
	v17 =	vld.idx.msk [tilespmem:v17+s26+$0x0], $0xffff  }
0x8b: {  	v19 =	vcvt.f32.s32 v22;
	[tilespmem:s8+$0xE3A0] =	vst v16;
	v16 =	vtrunc.f32 v20;
	v20 =	vld [tilespmem:s8+$0x3D0]  }
0x8c: {  	v18 =	vld.idx.msk [tilespmem:v18+s26+$0x0], $0xffff;
	v16 =	vcvt.f32.s32 v16  }
0x8d: {  	v49 =	vld [tilespmem:s11+$0x3B0]  }
0x8e: {  	v52 =	vld [tilespmem:s11+$0x3D0]  }
0x8f: {  	v53 =	vld [tilespmem:s11+$0x3E0]  }
0x90: {  	v22 =	vld [tilespmem:s8+$0x3E0];
	[tilespmem:s8+$0xE320] =	vst v17;
	v17 =	vtrunc.f32 v23  }
0x91: {  	v19 =	vld.idx.msk [tilespmem:v19+s26+$0x0], $0xffff;
	v17 =	vcvt.f32.s32 v17;
	[tilespmem:s8+$0xE3B0] =	vst v18;
	v18 =	vtrunc.f32 v20  }
0x92: {  	v16 =	vld.idx.msk [tilespmem:v16+s26+$0x0], $0xffff;
	v20 =	vcvt.f32.s32 v18  }
0x93: {  	s20 =	simm.s32 $0x200;
	s21 =	simm.s32 $0x400;
	v55 =	vld [tilespmem:s11+$0x3F0]  }
0x94: {  	s7 =	sand.u32 $0x3800, s21;
	s5 =	sand.u32 $0x300, s20;
	v61 =	vld [tilespmem:s11+$0x790]  }
0x95: {  	s12 =	sor.u32 s5, s7;
	v42 =	vld [tilespmem:s11+$0x7A0]  }
0x96: {  	v56 =	vld [tilespmem:s12+$0x300];
	v23 =	vtrunc.f32 v24;
	[tilespmem:s8+$0xE330] =	vst v19  }
0x97: {  	v19 =	vcvt.f32.s32 v23;
	v23 =	vld.idx.msk [tilespmem:v17+s26+$0x0], $0xffff;
	[tilespmem:s8+$0xE3C0] =	vst v16;
	v16 =	vtrunc.f32 v22  }
0x98: {  	v20 =	vld.idx.msk [tilespmem:v20+s26+$0x0], $0xffff;
	v22 =	vcvt.f32.s32 v16  }
0x99: {  	v24 =	vld [tilespmem:s8+$0x3F0]  }
0x9a: {  	v57 =	vld [tilespmem:s12+$0x310]  }
0x9b: {  	v58 =	vld [tilespmem:s12+$0x320]  }
0x9c: {  	v59 =	vld [tilespmem:s12+$0x330];
	[tilespmem:s8+$0xE340] =	vst v23  }
0x9d: {  	v23 =	vld [tilespmem:s11+$0x380];
	[tilespmem:s8+$0xE3D0] =	vst v20  }
0x9e: {  	v20 =	vld.idx.msk [tilespmem:v22+s26+$0x0], $0xffff;
	v22 =	vtrunc.f32 v24  }
0x9f: {  	v24 =	vld [tilespmem:s8+$0x780];
	v22 =	vcvt.f32.s32 v22  }
0xa0: {  	v62 =	vld [tilespmem:s12+$0x340]  }
0xa1: {  	v40 =	vld [tilespmem:s12+$0x350]  }
0xa2: {  	v63 =	vld [tilespmem:s12+$0x3A0];
	v29 =	vtrunc.f32 v29  }
0xa3: {  	s22 =	simm.s32 $0x300;
	s31 =	simm.s32 $0x600;
	v44 =	vld [tilespmem:s12+$0x7A0];
	v29 =	vcvt.f32.s32 v29;
	v23 =	vtrunc.f32 v23  }
0xa4: {  	s7 =	sand.u32 $0x3800, s31;
	s5 =	sand.u32 $0x300, s22;
	[tilespmem:s8+$0xE3E0] =	vst v20;
	v20 =	vcvt.f32.s32 v23;
	v23 =	vtrunc.f32 v24;
	v24 =	vld [tilespmem:s11+$0x390]  }
0xa5: {  	s13 =	sor.u32 s5, s7;
	v22 =	vld.idx.msk [tilespmem:v22+s26+$0x0], $0xffff  }
0xa6: {  	v43 =	vld [tilespmem:s13+$0x360];
	v23 =	vcvt.f32.s32 v23  }
0xa7: {  	v36 =	vtrunc.f32 v25;
	v25 =	vld [tilespmem:s11+$0x360]  }
0xa8: {  	v19 =	vld.idx.msk [tilespmem:v19+s26+$0x0], $0xffff  }
0xa9: {  	v36 =	vcvt.f32.s32 v36;
	v29 =	vld.idx.msk [tilespmem:v29+s26+$0x0], $0xffff;
	v24 =	vtrunc.f32 v24  }
0xaa: {  	v20 =	vld.idx.msk [tilespmem:v20+s26+$0x0], $0xffff;
	[tilespmem:s8+$0xE3F0] =	vst v22;
	v22 =	vcvt.f32.s32 v24  }
0xab: {  	v21 =	vld [tilespmem:s8+$0x700];
	v24 =	vtrunc.f32 v33  }
0xac: {  	v23 =	vld.idx.msk [tilespmem:v23+s26+$0x0], $0xffff;
	v37 =	vcvt.f32.s32 v24;
	v24 =	vtrunc.f32 v30  }
0xad: {  	v18 =	vld [tilespmem:s8+$0x730];
	[tilespmem:s8+$0xE350] =	vst v19;
	v19 =	vcvt.f32.s32 v24  }
0xae: {  	[tilespmem:s11+$0xE300] =	vst v29;
	v29 =	vld [tilespmem:s8+$0x7B0]  }
0xaf: {  	v26 =	vtrunc.f32 v26;
	[tilespmem:s11+$0xE380] =	vst v20;
	v20 =	vld.idx.msk [tilespmem:v36+s26+$0x0], $0xffff  }
0xb0: {  	v26 =	vcvt.f32.s32 v26;
	v30 =	vld.idx.msk [tilespmem:v22+s26+$0x0], $0xffff;
	v22 =	vtrunc.f32 v47  }
0xb1: {  	v17 =	vld [tilespmem:s8+$0x740];
	[tilespmem:s8+$0xE780] =	vst v23;
	v23 =	vcvt.f32.s32 v22  }
0xb2: {  	v54 =	vtrunc.f32 v18;
	v18 =	vld [tilespmem:s11+$0x740]  }
0xb3: {  	v22 =	vtrunc.f32 v38;
	v19 =	vld.idx.msk [tilespmem:v19+s26+$0x0], $0xffff  }
0xb4: {  	v48 =	vld.idx.msk [tilespmem:v37+s26+$0x0], $0xffff;
	v50 =	vcvt.f32.s32 v22;
	v22 =	vtrunc.f32 v31  }
0xb5: {  	v16 =	vld [tilespmem:s8+$0x750];
	v31 =	vcvt.f32.s32 v22;
	[tilespmem:s8+$0xE360] =	vst v20  }
0xb6: {  	v20 =	vtrunc.f32 v21;
	v21 =	vld.idx.msk [tilespmem:v26+s26+$0x0], $0xffff;
	[tilespmem:s11+$0xE390] =	vst v30  }
0xb7: {  	v26 =	vld.idx.msk [tilespmem:v23+s26+$0x0], $0xffff  }
0xb8: {  	v20 =	vcvt.f32.s32 v20;
	v23 =	vtrunc.f32 v49;
	[tilespmem:s11+$0xE310] =	vst v19;
	v19 =	vld [tilespmem:s8+$0x7C0]  }
0xb9: {  	[tilespmem:s8+$0xE790] =	vst v48;
	v30 =	vcvt.f32.s32 v23;
	v23 =	vtrunc.f32 v29;
	v29 =	vld [tilespmem:s11+$0x3C0]  }
0xba: {  	v33 =	vld.idx.msk [tilespmem:v50+s26+$0x0], $0xffff  }
0xbb: {  	v51 =	vcvt.f32.s32 v23;
	v23 =	vtrunc.f32 v32;
	v31 =	vld.idx.msk [tilespmem:v31+s26+$0x0], $0xffff  }
0xbc: {  	v24 =	vld [tilespmem:s11+$0x370];
	v32 =	vcvt.f32.s32 v23  }
0xbd: {  	v22 =	vld [tilespmem:s11+$0x700];
	[tilespmem:s8+$0xE370] =	vst v21;
	v21 =	vtrunc.f32 v27  }
0xbe: {  	v20 =	vld.idx.msk [tilespmem:v20+s26+$0x0], $0xffff;
	v21 =	vcvt.f32.s32 v21;
	[tilespmem:s11+$0xE3A0] =	vst v26;
	v27 =	vtrunc.f32 v29  }
0xbf: {  	[tilespmem:s8+$0xE7A0] =	vst v33;
	v26 =	vld.idx.msk [tilespmem:v30+s26+$0x0], $0xffff;
	v29 =	vcvt.f32.s32 v27  }
0xc0: {  	v19 =	vtrunc.f32 v19;
	[tilespmem:s11+$0xE320] =	vst v31;
	v31 =	vld [tilespmem:s8+$0x7D0]  }
0xc1: {  	v19 =	vcvt.f32.s32 v19;
	v27 =	vtrunc.f32 v34;
	v30 =	vld.idx.msk [tilespmem:v51+s26+$0x0], $0xffff  }
0xc2: {  	v34 =	vcvt.f32.s32 v27;
	v32 =	vld.idx.msk [tilespmem:v32+s26+$0x0], $0xffff  }
0xc3: {  	v48 =	vld [tilespmem:s12+$0x3B0];
	[tilespmem:s8+$0xE700] =	vst v20;
	v20 =	vtrunc.f32 v28  }
0xc4: {  	v20 =	vcvt.f32.s32 v20;
	[tilespmem:s11+$0xE3B0] =	vst v26;
	v26 =	vld.idx.msk [tilespmem:v21+s26+$0x0], $0xffff  }
0xc5: {  	v21 =	vtrunc.f32 v52;
	v28 =	vld.idx.msk [tilespmem:v29+s26+$0x0], $0xffff  }
0xc6: {  	v50 =	vld [tilespmem:s11+$0x7B0];
	v29 =	vcvt.f32.s32 v21;
	[tilespmem:s8+$0xE7B0] =	vst v30;
	v30 =	vtrunc.f32 v31  }
0xc7: {  	v31 =	vtrunc.f32 v35;
	v19 =	vld.idx.msk [tilespmem:v19+s26+$0x0], $0xffff;
	[tilespmem:s11+$0xE330] =	vst v32;
	v30 =	vcvt.f32.s32 v30  }
0xc8: {  	v31 =	vcvt.f32.s32 v31;
	v32 =	vld.idx.msk [tilespmem:v34+s26+$0x0], $0xffff  }
0xc9: {  	v23 =	vld [tilespmem:s11+$0x710];
	[tilespmem:s8+$0xE710] =	vst v26  }
0xca: {  	v26 =	vcvt.f32.s32 v54;
	[tilespmem:s11+$0xE3C0] =	vst v28;
	v28 =	vld.idx.msk [tilespmem:v20+s26+$0x0], $0xffff  }
0xcb: {  	v27 =	vld [tilespmem:s11+$0x720];
	v20 =	vtrunc.f32 v53  }
0xcc: {  	v29 =	vld.idx.msk [tilespmem:v29+s26+$0x0], $0xffff;
	v33 =	vcvt.f32.s32 v20;
	[tilespmem:s8+$0xE7C0] =	vst v19  }
0xcd: {  	v19 =	vld.idx.msk [tilespmem:v30+s26+$0x0], $0xffff;
	[tilespmem:s11+$0xE340] =	vst v32  }
0xce: {  	v25 =	vtrunc.f32 v25;
	v30 =	vld.idx.msk [tilespmem:v31+s26+$0x0], $0xffff  }
0xcf: {  	v25 =	vcvt.f32.s32 v25;
	v31 =	vld [tilespmem:s11+$0x780];
	[tilespmem:s8+$0xE720] =	vst v28  }
0xd0: {  	v32 =	vld.idx.msk [tilespmem:v26+s26+$0x0], $0xffff  }
0xd1: {  	[tilespmem:s11+$0xE3D0] =	vst v29;
	v29 =	vld [tilespmem:s12+$0x380]  }
0xd2: {  	v26 =	vld.idx.msk [tilespmem:v33+s26+$0x0], $0xffff  }
0xd3: {  	v52 =	vld [tilespmem:s12+$0x3C0];
	v28 =	vtrunc.f32 v55  }
0xd4: {  	v24 =	vtrunc.f32 v24;
	v21 =	vld [tilespmem:s11+$0x730];
	v28 =	vcvt.f32.s32 v28;
	[tilespmem:s11+$0xE350] =	vst v30  }
0xd5: {  	v24 =	vcvt.f32.s32 v24;
	v25 =	vld.idx.msk [tilespmem:v25+s26+$0x0], $0xffff  }
0xd6: {  	v20 =	vld [tilespmem:s11+$0x750];
	v29 =	vtrunc.f32 v29  }
0xd7: {  	[tilespmem:s11+$0xE3E0] =	vst v26;
	v26 =	vcvt.f32.s32 v29;
	v29 =	vtrunc.f32 v31;
	v31 =	vld [tilespmem:s12+$0x390]  }
0xd8: {  	v55 =	vld [tilespmem:s12+$0x3D0]  }
0xd9: {  	v22 =	vtrunc.f32 v22;
	v33 =	vtrunc.f32 v62;
	v62 =	vld [tilespmem:s12+$0x3F0]  }
0xda: {  	v28 =	vld.idx.msk [tilespmem:v28+s26+$0x0], $0xffff;
	v60 =	vcvt.f32.s32 v29;
	v29 =	vtrunc.f32 v56;
	[tilespmem:s11+$0xE360] =	vst v25  }
0xdb: {  	v39 =	vcvt.f32.s32 v29;
	v25 =	vld.idx.msk [tilespmem:v24+s26+$0x0], $0xffff;
	v24 =	vtrunc.f32 v48  }
0xdc: {  	v29 =	vld [tilespmem:s12+$0x360];
	v51 =	vcvt.f32.s32 v24;
	v31 =	vtrunc.f32 v31  }
0xdd: {  	v24 =	vtrunc.f32 v50;
	v26 =	vld.idx.msk [tilespmem:v26+s26+$0x0], $0xffff;
	v31 =	vcvt.f32.s32 v31  }
0xde: {  	v50 =	vld [tilespmem:s12+$0x780];
	v53 =	vcvt.f32.s32 v24;
	v24 =	vtrunc.f32 v59  }
0xdf: {  	v22 =	vcvt.f32.s32 v22;
	[tilespmem:s11+$0xE3F0] =	vst v28;
	v36 =	vcvt.f32.s32 v24;
	v24 =	vld [tilespmem:s12+$0x710]  }
0xe0: {  	v28 =	vtrunc.f32 v61;
	v37 =	vld.idx.msk [tilespmem:v60+s26+$0x0], $0xffff  }
0xe1: {  	v41 =	vcvt.f32.s32 v28;
	v28 =	vtrunc.f32 v57;
	v45 =	vld.idx.msk [tilespmem:v39+s26+$0x0], $0xffff  }
0xe2: {  	v30 =	vcvt.f32.s32 v28;
	v28 =	vld [tilespmem:s12+$0x370];
	[tilespmem:s12+$0xE380] =	vst v26;
	v26 =	vtrunc.f32 v63  }
0xe3: {  	v31 =	vld.idx.msk [tilespmem:v31+s26+$0x0], $0xffff;
	v46 =	vcvt.f32.s32 v26  }
0xe4: {  	[tilespmem:s11+$0xE370] =	vst v25;
	v25 =	vtrunc.f32 v52;
	v52 =	vld [tilespmem:s13+$0x310]  }
0xe5: {  	v22 =	vld.idx.msk [tilespmem:v22+s26+$0x0], $0xffff  }
0xe6: {  	v23 =	vtrunc.f32 v23;
	[tilespmem:s11+$0xE780] =	vst v37;
	v26 =	vtrunc.f32 v42;
	v42 =	vld [tilespmem:s13+$0x350]  }
0xe7: {  	v23 =	vcvt.f32.s32 v23;
	v47 =	vld.idx.msk [tilespmem:v41+s26+$0x0], $0xffff  }
0xe8: {  	v49 =	vcvt.f32.s32 v26;
	v26 =	vtrunc.f32 v58;
	v58 =	vld [tilespmem:s12+$0x3E0];
	[tilespmem:s12+$0xE390] =	vst v31  }
0xe9: {  	v31 =	vld.idx.msk [tilespmem:v46+s26+$0x0], $0xffff  }
0xea: {  	[tilespmem:s12+$0xE300] =	vst v45;
	v45 =	vld [tilespmem:s13+$0x3B0]  }
0xeb: {  	v30 =	vld.idx.msk [tilespmem:v30+s26+$0x0], $0xffff  }
0xec: {  	v35 =	vcvt.f32.s32 v26;
	v26 =	vld [tilespmem:s12+$0x700];
	[tilespmem:s11+$0xE700] =	vst v22;
	v22 =	vtrunc.f32 v27  }
0xed: {  	v27 =	vtrunc.f32 v55;
	v55 =	vtrunc.f32 v50;
	v50 =	vld [tilespmem:s12+$0x7C0]  }
0xee: {  	v23 =	vld.idx.msk [tilespmem:v23+s26+$0x0], $0xffff;
	[tilespmem:s12+$0xE3A0] =	vst v31  }
0xef: {  	v17 =	vtrunc.f32 v17;
	v34 =	vcvt.f32.s32 v25;
	v31 =	vld.idx.msk [tilespmem:v51+s26+$0x0], $0xffff  }
0xf0: {  	v21 =	vtrunc.f32 v21;
	v57 =	vcvt.f32.s32 v27;
	v27 =	vld [tilespmem:s12+$0x730]  }
0xf1: {  	v61 =	vcvt.f32.s32 v21;
	v21 =	vtrunc.f32 v58;
	v58 =	vld [tilespmem:s13+$0x340]  }
0xf2: {  	v17 =	vcvt.f32.s32 v17;
	v46 =	vld [tilespmem:s12+$0x7B0];
	[tilespmem:s12+$0xE310] =	vst v30  }
0xf3: {  	[tilespmem:s11+$0xE790] =	vst v47;
	v35 =	vld.idx.msk [tilespmem:v35+s26+$0x0], $0xffff  }
0xf4: {  	v22 =	vcvt.f32.s32 v22;
	v38 =	vld.idx.msk [tilespmem:v49+s26+$0x0], $0xffff;
	[tilespmem:s12+$0xE3B0] =	vst v31  }
0xf5: {  	v31 =	vld.idx.msk [tilespmem:v34+s26+$0x0], $0xffff  }
0xf6: {  	[tilespmem:s8+$0xE730] =	vst v32;
	v30 =	vld [tilespmem:s11+$0x7C0]  }
0xf7: {  	v49 =	vld [tilespmem:s13+$0x380];
	[tilespmem:s11+$0xE710] =	vst v23  }
0xf8: {  	v23 =	vld.idx.msk [tilespmem:v17+s26+$0x0], $0xffff;
	[tilespmem:s12+$0xE320] =	vst v35  }
0xf9: {  	v33 =	vcvt.f32.s32 v33;
	v36 =	vld.idx.msk [tilespmem:v36+s26+$0x0], $0xffff  }
0xfa: {  	v22 =	vld.idx.msk [tilespmem:v22+s26+$0x0], $0xffff;
	[tilespmem:s12+$0xE3C0] =	vst v31  }
0xfb: {  	v37 =	vcvt.f32.s32 v21;
	v34 =	vld.idx.msk [tilespmem:v57+s26+$0x0], $0xffff  }
0xfc: {  	v25 =	vtrunc.f32 v30;
	v30 =	vld [tilespmem:s11+$0x7D0]  }
0xfd: {  	[tilespmem:s11+$0xE7A0] =	vst v38;
	v51 =	vld [tilespmem:s13+$0x300]  }
0xfe: {  	v54 =	vld.idx.msk [tilespmem:v53+s26+$0x0], $0xffff;
	[tilespmem:s12+$0xE330] =	vst v36  }
0xff: {  	v33 =	vld.idx.msk [tilespmem:v33+s26+$0x0], $0xffff  }
0x100: {  	v56 =	vcvt.f32.s32 v25;
	v25 =	vld [tilespmem:s12+$0x720];
	[tilespmem:s12+$0xE3D0] =	vst v34  }
0x101: {  	v17 =	vld.idx.msk [tilespmem:v37+s26+$0x0], $0xffff  }
0x102: {  	v59 =	vtrunc.f32 v40;
	v53 =	vld [tilespmem:s13+$0x320];
	[tilespmem:s11+$0xE720] =	vst v22  }
0x103: {  	v48 =	vtrunc.f32 v62;
	v22 =	vld.idx.msk [tilespmem:v61+s26+$0x0], $0xffff;
	v36 =	vcvt.f32.s32 v59  }
0x104: {  	v61 =	vld [tilespmem:s13+$0x3A0];
	v30 =	vtrunc.f32 v30;
	[tilespmem:s12+$0xE340] =	vst v33;
	v33 =	vcvt.f32.s32 v48  }
0x105: {  	[tilespmem:s11+$0xE7B0] =	vst v54;
	v60 =	vcvt.f32.s32 v30;
	v30 =	vld [tilespmem:s12+$0x740];
	v34 =	vtrunc.f32 v49  }
0x106: {  	v35 =	vld.idx.msk [tilespmem:v56+s26+$0x0], $0xffff;
	[tilespmem:s12+$0xE3E0] =	vst v17;
	v17 =	vcvt.f32.s32 v34  }
0x107: {  	v56 =	vld [tilespmem:s13+$0x390]  }
0x108: {  	v57 =	vld [tilespmem:s12+$0x790]  }
0x109: {  	v63 =	vld.idx.msk [tilespmem:v36+s26+$0x0], $0xffff  }
0x10a: {  	v36 =	vtrunc.f32 v51;
	v34 =	vcvt.f32.s32 v55;
	v33 =	vld.idx.msk [tilespmem:v33+s26+$0x0], $0xffff  }
0x10b: {  	v29 =	vtrunc.f32 v29;
	v54 =	vld [tilespmem:s13+$0x330];
	v36 =	vcvt.f32.s32 v36  }
0x10c: {  	v29 =	vcvt.f32.s32 v29;
	[tilespmem:s11+$0xE7C0] =	vst v35;
	v35 =	vtrunc.f32 v56;
	v17 =	vld.idx.msk [tilespmem:v17+s26+$0x0], $0xffff  }
0x10d: {  	v38 =	vtrunc.f32 v53;
	v53 =	vld [tilespmem:s13+$0x3D0];
	v59 =	vcvt.f32.s32 v35  }
0x10e: {  	v40 =	vtrunc.f32 v61;
	v61 =	vld [tilespmem:s13+$0x740]  }
0x10f: {  	v21 =	vld.idx.msk [tilespmem:v60+s26+$0x0], $0xffff;
	v60 =	vtrunc.f32 v57;
	[tilespmem:s12+$0xE3F0] =	vst v33  }
0x110: {  	v35 =	vcvt.f32.s32 v60;
	v37 =	vtrunc.f32 v52;
	[tilespmem:s12+$0xE350] =	vst v63;
	v34 =	vld.idx.msk [tilespmem:v34+s26+$0x0], $0xffff  }
0x111: {  	v62 =	vcvt.f32.s32 v37;
	v36 =	vld.idx.msk [tilespmem:v36+s26+$0x0], $0xffff;
	[tilespmem:s13+$0xE380] =	vst v17;
	v17 =	vtrunc.f32 v28  }
0x112: {  	v28 =	vld.idx.msk [tilespmem:v29+s26+$0x0], $0xffff;
	v17 =	vcvt.f32.s32 v17  }
0x113: {  	v33 =	vcvt.f32.s32 v40;
	v29 =	vld.idx.msk [tilespmem:v59+s26+$0x0], $0xffff  }
0x114: {  	v44 =	vtrunc.f32 v44;
	v18 =	vtrunc.f32 v18;
	v31 =	vld [tilespmem:s12+$0x750]  }
0x115: {  	v39 =	vtrunc.f32 v54;
	v54 =	vcvt.f32.s32 v18;
	v18 =	vld [tilespmem:s12+$0x7D0];
	[tilespmem:s12+$0xE780] =	vst v34  }
0x116: {  	[tilespmem:s13+$0xE300] =	vst v36;
	v34 =	vld.idx.msk [tilespmem:v35+s26+$0x0], $0xffff;
	v35 =	vcvt.f32.s32 v44  }
0x117: {  	v26 =	vtrunc.f32 v26;
	v38 =	vcvt.f32.s32 v38;
	v32 =	vld.idx.msk [tilespmem:v62+s26+$0x0], $0xffff;
	[tilespmem:s12+$0xE360] =	vst v28  }
0x118: {  	v47 =	vtrunc.f32 v45;
	v26 =	vcvt.f32.s32 v26;
	[tilespmem:s13+$0xE390] =	vst v29;
	v17 =	vld.idx.msk [tilespmem:v17+s26+$0x0], $0xffff  }
0x119: {  	v29 =	vld.idx.msk [tilespmem:v33+s26+$0x0], $0xffff;
	v33 =	vcvt.f32.s32 v47  }
0x11a: {  	v49 =	vld [tilespmem:s13+$0x3C0]  }
0x11b: {  	v56 =	vld [tilespmem:s13+$0x720];
	v48 =	vtrunc.f32 v46;
	[tilespmem:s12+$0xE790] =	vst v34  }
0x11c: {  	v20 =	vtrunc.f32 v20;
	[tilespmem:s13+$0xE310] =	vst v32;
	v34 =	vld.idx.msk [tilespmem:v35+s26+$0x0], $0xffff;
	v35 =	vcvt.f32.s32 v48  }
0x11d: {  	v25 =	vtrunc.f32 v25;
	v30 =	vtrunc.f32 v30;
	v38 =	vld.idx.msk [tilespmem:v38+s26+$0x0], $0xffff;
	[tilespmem:s12+$0xE370] =	vst v17  }
0x11e: {  	v39 =	vcvt.f32.s32 v39;
	[tilespmem:s13+$0xE3A0] =	vst v29;
	v17 =	vtrunc.f32 v24;
	v24 =	vld.idx.msk [tilespmem:v26+s26+$0x0], $0xffff  }
0x11f: {  	v29 =	vtrunc.f32 v49;
	v26 =	vcvt.f32.s32 v17;
	v17 =	vld.idx.msk [tilespmem:v33+s26+$0x0], $0xffff  }
0x120: {  	v51 =	vld [tilespmem:s13+$0x710];
	v18 =	vtrunc.f32 v18;
	v29 =	vcvt.f32.s32 v29  }
0x121: {  	v57 =	vld [tilespmem:s13+$0x730];
	v55 =	vtrunc.f32 v58;
	v32 =	vtrunc.f32 v50;
	[tilespmem:s12+$0xE7A0] =	vst v34  }
0x122: {  	v58 =	vcvt.f32.s32 v18;
	v32 =	vcvt.f32.s32 v32;
	[tilespmem:s13+$0xE320] =	vst v38;
	v52 =	vld.idx.msk [tilespmem:v35+s26+$0x0], $0xffff  }
0x123: {  	v18 =	vcvt.f32.s32 v30;
	v30 =	vld [tilespmem:s13+$0x3E0];
	v36 =	vcvt.f32.s32 v55;
	[tilespmem:s12+$0xE700] =	vst v24  }
0x124: {  	v38 =	vld.idx.msk [tilespmem:v39+s26+$0x0], $0xffff;
	[tilespmem:s13+$0xE3B0] =	vst v17;
	v17 =	vcvt.f32.s32 v20;
	v20 =	vcvt.f32.s32 v25  }
0x125: {  	[tilespmem:s8+$0xE7D0] =	vst v19;
	v25 =	vtrunc.f32 v27;
	v27 =	vtrunc.f32 v53;
	v24 =	vld.idx.msk [tilespmem:v26+s26+$0x0], $0xffff  }
0x126: {  	[tilespmem:s11+$0xE730] =	vst v22;
	v26 =	vld.idx.msk [tilespmem:v29+s26+$0x0], $0xffff;
	v27 =	vcvt.f32.s32 v27  }
0x127: {  	v16 =	vtrunc.f32 v16;
	v63 =	vld [tilespmem:s13+$0x370];
	[tilespmem:s12+$0xE7B0] =	vst v52  }
0x128: {  	v16 =	vcvt.f32.s32 v16;
	v19 =	vtrunc.f32 v31;
	[tilespmem:s11+$0xE7D0] =	vst v21;
	v29 =	vld.idx.msk [tilespmem:v32+s26+$0x0], $0xffff  }
0x129: {  	v28 =	vld [tilespmem:s13+$0x700];
	[tilespmem:s13+$0xE330] =	vst v38;
	v59 =	vcvt.f32.s32 v25;
	v25 =	vtrunc.f32 v42  }
0x12a: {  	v19 =	vcvt.f32.s32 v19;
	v31 =	vld.idx.msk [tilespmem:v36+s26+$0x0], $0xffff;
	v60 =	vcvt.f32.s32 v25;
	[tilespmem:s12+$0xE710] =	vst v24  }
0x12b: {  	v21 =	vtrunc.f32 v51;
	v22 =	vtrunc.f32 v30;
	[tilespmem:s13+$0xE3C0] =	vst v26;
	v62 =	vld.idx.msk [tilespmem:v20+s26+$0x0], $0xffff  }
0x12c: {  	v30 =	vtrunc.f32 v61;
	v25 =	vtrunc.f32 v63;
	v63 =	vld.idx.msk [tilespmem:v27+s26+$0x0], $0xffff  }
0x12d: {  	v33 =	vcvt.f32.s32 v22;
	v24 =	vtrunc.f32 v43;
	[tilespmem:s12+$0xE7C0] =	vst v29;
	v29 =	vld [tilespmem:s13+$0x750]  }
0x12e: {  	v26 =	vcvt.f32.s32 v24;
	v24 =	vcvt.f32.s32 v25;
	v27 =	vld.idx.msk [tilespmem:v58+s26+$0x0], $0xffff  }
0x12f: {  	[tilespmem:s13+$0xE340] =	vst v31;
	v32 =	vld [tilespmem:s13+$0x3F0];
	v20 =	vtrunc.f32 v28;
	v28 =	vtrunc.f32 v57  }
0x130: {  	s7 =	smul.u32 $0xE0, s6;
	[tilespmem:s8+$0xE740] =	vst v23;
	v25 =	vcvt.f32.s32 v20;
	v20 =	vtrunc.f32 v56;
	v31 =	vld.idx.msk [tilespmem:v60+s26+$0x0], $0xffff  }
0x131: {  	s10 =	simm.s32 $0x6;
	v23 =	vcvt.f32.s32 v20;
	v20 =	vcvt.f32.s32 v28;
	v28 =	vld.idx.msk [tilespmem:v54+s26+$0x0], $0xffff;
	[tilespmem:s12+$0xE720] =	vst v62  }
0x132: {  	s22 =	simm.s32 $0x400;
	s5 =	simm.s32 $0x800;
	s21 =	sadd.s32 s9, s7;
	v21 =	vcvt.f32.s32 v21;
	v22 =	vcvt.f32.s32 v30;
	[tilespmem:s13+$0xE3D0] =	vst v63;
	v30 =	vld.idx.msk [tilespmem:v59+s26+$0x0], $0xffff  }
.LBB2_3:
0x133: {  	s31 =	sand.u32 $0x3800, s5;
	s20 =	sand.u32 $0x300, s22;
	v29 =	vtrunc.f32 v29;
	[tilespmem:s12+$0xE7D0] =	vst v27;
	v27 =	vld.idx.msk [tilespmem:v16+s26+$0x0], $0xffff;
	v16 =	vmov v17;
	v17 =	vmov v19  }
0x134: {  	s10 =	sadd.s32 $0x2, s10;
	s20 =	sor.u32 s20, s31;
	v19 =	vcvt.f32.s32 v29;
	v29 =	vld.idx.msk [tilespmem:v33+s26+$0x0], $0xffff;
	v32 =	vtrunc.f32 v32  }
0x135: {  	p0 =	slt.u32 s10, $0x36;
	v33 =	vld [tilespmem:s20+$0x380];
	v32 =	vcvt.f32.s32 v32  }
0x136: {  	[tilespmem:s13+$0xE350] =	vst v31;
	v31 =	vld [tilespmem:s13+$0x780]  }
0x137: {  	v34 =	vld [tilespmem:s20+$0x300];
	[tilespmem:s11+$0xE740] =	vst v28  }
0x138: {  	v28 =	vld [tilespmem:s20+$0x310];
	[tilespmem:s12+$0xE730] =	vst v30  }
0x139: {  	v30 =	vld [tilespmem:s20+$0x320];
	[tilespmem:s8+$0xE750] =	vst v27;
	s8 =	smov.u32 s11;
	s11 =	smov.u32 s12;
	s12 =	smov.u32 s13  }
0x13a: {  	s13 =	smov.u32 s20;
	v27 =	vld [tilespmem:s20+$0x330];
	v33 =	vtrunc.f32 v33;
	[tilespmem:s12+$0xE3E0] =	vst v29  }
0x13b: {  	v29 =	vcvt.f32.s32 v33;
	v32 =	vld.idx.msk [tilespmem:v32+s26+$0x0], $0xffff;
	v31 =	vtrunc.f32 v31  }
0x13c: {  	v33 =	vtrunc.f32 v34;
	v34 =	vld [tilespmem:s13+$0x390];
	v31 =	vcvt.f32.s32 v31  }
0x13d: {  	v33 =	vcvt.f32.s32 v33;
	v28 =	vtrunc.f32 v28;
	v35 =	vld [tilespmem:s12+$0x790]  }
0x13e: {  	v28 =	vcvt.f32.s32 v28;
	v30 =	vtrunc.f32 v30;
	v36 =	vld [tilespmem:s13+$0x340]  }
0x13f: {  	v30 =	vcvt.f32.s32 v30;
	v27 =	vtrunc.f32 v27;
	v37 =	vld [tilespmem:s13+$0x350]  }
0x140: {  	v27 =	vcvt.f32.s32 v27;
	v38 =	vld [tilespmem:s13+$0x360]  }
0x141: {  	v29 =	vld.idx.msk [tilespmem:v29+s26+$0x0], $0xffff;
	v34 =	vtrunc.f32 v34;
	[tilespmem:s12+$0xE3F0] =	vst v32  }
0x142: {  	v32 =	vcvt.f32.s32 v34;
	v31 =	vld.idx.msk [tilespmem:v31+s26+$0x0], $0xffff;
	v34 =	vtrunc.f32 v35  }
0x143: {  	v35 =	vtrunc.f32 v36;
	v36 =	vld [tilespmem:s13+$0x3A0];
	v34 =	vcvt.f32.s32 v34  }
0x144: {  	v35 =	vcvt.f32.s32 v35;
	v37 =	vtrunc.f32 v37;
	v39 =	vld [tilespmem:s12+$0x7A0]  }
0x145: {  	v33 =	vld.idx.msk [tilespmem:v33+s26+$0x0], $0xffff;
	v37 =	vcvt.f32.s32 v37;
	v38 =	vtrunc.f32 v38  }
0x146: {  	v38 =	vcvt.f32.s32 v38;
	v40 =	vld [tilespmem:s13+$0x370]  }
0x147: {  	[tilespmem:s13+$0xE380] =	vst v29;
	v29 =	vld.idx.msk [tilespmem:v26+s26+$0x0], $0xffff  }
0x148: {  	v32 =	vld.idx.msk [tilespmem:v32+s26+$0x0], $0xffff;
	v36 =	vtrunc.f32 v36;
	[tilespmem:s12+$0xE780] =	vst v31;
	v26 =	vmov v38  }
0x149: {  	v31 =	vcvt.f32.s32 v36;
	v34 =	vld.idx.msk [tilespmem:v34+s26+$0x0], $0xffff;
	v36 =	vtrunc.f32 v39  }
0x14a: {  	v38 =	vld [tilespmem:s13+$0x3B0];
	v36 =	vcvt.f32.s32 v36  }
0x14b: {  	[tilespmem:s13+$0xE300] =	vst v33;
	v33 =	vtrunc.f32 v40;
	v39 =	vld [tilespmem:s12+$0x7B0]  }
0x14c: {  	v28 =	vld.idx.msk [tilespmem:v28+s26+$0x0], $0xffff;
	v33 =	vcvt.f32.s32 v33  }
0x14d: {  	v40 =	vld [tilespmem:s13+$0x700];
	[tilespmem:s12+$0xE360] =	vst v29  }
0x14e: {  	[tilespmem:s13+$0xE390] =	vst v32;
	v29 =	vld.idx.msk [tilespmem:v24+s26+$0x0], $0xffff;
	v24 =	vmov v33  }
0x14f: {  	v31 =	vld.idx.msk [tilespmem:v31+s26+$0x0], $0xffff;
	v32 =	vtrunc.f32 v38;
	[tilespmem:s12+$0xE790] =	vst v34  }
0x150: {  	v32 =	vcvt.f32.s32 v32;
	v33 =	vld.idx.msk [tilespmem:v36+s26+$0x0], $0xffff;
	v34 =	vtrunc.f32 v39  }
0x151: {  	v36 =	vld [tilespmem:s13+$0x3C0];
	v34 =	vcvt.f32.s32 v34  }
0x152: {  	[tilespmem:s13+$0xE310] =	vst v28;
	v28 =	vtrunc.f32 v40;
	v38 =	vld [tilespmem:s12+$0x7C0]  }
0x153: {  	v30 =	vld.idx.msk [tilespmem:v30+s26+$0x0], $0xffff;
	v28 =	vcvt.f32.s32 v28  }
0x154: {  	v39 =	vld [tilespmem:s13+$0x710];
	[tilespmem:s12+$0xE370] =	vst v29  }
0x155: {  	[tilespmem:s13+$0xE3A0] =	vst v31;
	v29 =	vld.idx.msk [tilespmem:v25+s26+$0x0], $0xffff;
	v25 =	vmov v28  }
0x156: {  	v28 =	vld.idx.msk [tilespmem:v32+s26+$0x0], $0xffff;
	v31 =	vtrunc.f32 v36;
	[tilespmem:s12+$0xE7A0] =	vst v33  }
0x157: {  	v31 =	vcvt.f32.s32 v31;
	v32 =	vld.idx.msk [tilespmem:v34+s26+$0x0], $0xffff;
	v33 =	vtrunc.f32 v38  }
0x158: {  	v34 =	vld [tilespmem:s13+$0x3D0];
	v33 =	vcvt.f32.s32 v33  }
0x159: {  	[tilespmem:s13+$0xE320] =	vst v30;
	v30 =	vtrunc.f32 v39;
	v36 =	vld [tilespmem:s12+$0x7D0]  }
0x15a: {  	v27 =	vld.idx.msk [tilespmem:v27+s26+$0x0], $0xffff;
	v30 =	vcvt.f32.s32 v30  }
0x15b: {  	v38 =	vld [tilespmem:s13+$0x720];
	[tilespmem:s12+$0xE700] =	vst v29  }
0x15c: {  	[tilespmem:s13+$0xE3B0] =	vst v28;
	v28 =	vld.idx.msk [tilespmem:v21+s26+$0x0], $0xffff;
	v21 =	vmov v30  }
0x15d: {  	v29 =	vld.idx.msk [tilespmem:v31+s26+$0x0], $0xffff;
	v30 =	vtrunc.f32 v34;
	[tilespmem:s12+$0xE7B0] =	vst v32  }
0x15e: {  	v30 =	vcvt.f32.s32 v30;
	v31 =	vld.idx.msk [tilespmem:v33+s26+$0x0], $0xffff;
	v32 =	vtrunc.f32 v36  }
0x15f: {  	v33 =	vld [tilespmem:s13+$0x730];
	v32 =	vcvt.f32.s32 v32  }
0x160: {  	[tilespmem:s13+$0xE330] =	vst v27;
	v27 =	vtrunc.f32 v38;
	v34 =	vld [tilespmem:s13+$0x3E0]  }
0x161: {  	v35 =	vld.idx.msk [tilespmem:v35+s26+$0x0], $0xffff;
	v27 =	vcvt.f32.s32 v27  }
0x162: {  	v36 =	vld [tilespmem:s13+$0x740];
	[tilespmem:s12+$0xE710] =	vst v28  }
0x163: {  	[tilespmem:s13+$0xE3C0] =	vst v29;
	v28 =	vld.idx.msk [tilespmem:v23+s26+$0x0], $0xffff;
	v23 =	vmov v27  }
0x164: {  	v27 =	vtrunc.f32 v33;
	v30 =	vld.idx.msk [tilespmem:v30+s26+$0x0], $0xffff;
	[tilespmem:s12+$0xE7C0] =	vst v31  }
0x165: {  	v38 =	vcvt.f32.s32 v27;
	v31 =	vtrunc.f32 v34;
	v27 =	vld.idx.msk [tilespmem:v32+s26+$0x0], $0xffff  }
.Ltmp2:
0x166: {  	v29 =	vld [tilespmem:s13+$0x750];
	v33 =	vcvt.f32.s32 v31;
	(pc) =	sbr.rel @p0 .LBB2_3-.Ltmp2, $4  }
0x167: {  	[tilespmem:s13+$0xE340] =	vst v35;
	v34 =	vtrunc.f32 v36;
	v32 =	vld [tilespmem:s13+$0x3F0]  }
0x168: {  	v31 =	vld.idx.msk [tilespmem:v37+s26+$0x0], $0xffff;
	v34 =	vcvt.f32.s32 v34  }
0x169: {  	[tilespmem:s12+$0xE720] =	vst v28;
	v28 =	vld.idx.msk [tilespmem:v18+s26+$0x0], $0xffff;
	v18 =	vmov v22  }
0x16a: {  	s22 =	sadd.s32 $0x100, s22;
	s5 =	sadd.s32 $0x200, s5;
	[tilespmem:s13+$0xE3D0] =	vst v30;
	v30 =	vld.idx.msk [tilespmem:v20+s26+$0x0], $0xffff;
	v20 =	vmov v38;
	v22 =	vmov v34  }
0x16b: {  	_ =	sdelay $0x3  }
0x16c: {  	v33 =	vld.idx.msk [tilespmem:v33+s26+$0x0], $0xffff;
	v32 =	vtrunc.f32 v32  }
0x16d: {  	v34 =	vld [tilespmem:s13+$0x780];
	v32 =	vcvt.f32.s32 v32;
	_ =	sdelay $0x1  }
0x16e: {  	[tilespmem:s13+$0xE350] =	vst v31  }
0x16f: {  	v26 =	vld.idx.msk [tilespmem:v26+s26+$0x0], $0xffff;
	_ =	sdelay $0x1  }
0x170: {  	v43 =	vld [tilespmem:s13+$0x790];
	[tilespmem:s13+$0xE3E0] =	vst v33;
	v42 =	vtrunc.f32 v34  }
0x171: {  	v31 =	vld.idx.msk [tilespmem:v32+s26+$0x0], $0xffff;
	v32 =	vcvt.f32.s32 v42;
	_ =	sdelay $0x1  }
0x172: {  	[tilespmem:s13+$0xE360] =	vst v26  }
0x173: {  	v24 =	vld.idx.msk [tilespmem:v24+s26+$0x0], $0xffff;
	_ =	sdelay $0x1  }
0x174: {  	v26 =	vtrunc.f32 v43;
	[tilespmem:s13+$0xE3F0] =	vst v31  }
0x175: {  	v26 =	vcvt.f32.s32 v26;
	v31 =	vld.idx.msk [tilespmem:v32+s26+$0x0], $0xffff  }
0x176: {  	v44 =	vld [tilespmem:s13+$0x7A0]  }
0x177: {  	[tilespmem:s13+$0xE370] =	vst v24  }
0x178: {  	v24 =	vld.idx.msk [tilespmem:v25+s26+$0x0], $0xffff;
	_ =	sdelay $0x1  }
0x179: {  	[tilespmem:s13+$0xE780] =	vst v31  }
0x17a: {  	v25 =	vld.idx.msk [tilespmem:v26+s26+$0x0], $0xffff;
	v26 =	vtrunc.f32 v44  }
0x17b: {  	v31 =	vld [tilespmem:s13+$0x7B0];
	v26 =	vcvt.f32.s32 v26  }
0x17c: {  	[tilespmem:s13+$0xE700] =	vst v24  }
0x17d: {  	v21 =	vld.idx.msk [tilespmem:v21+s26+$0x0], $0xffff;
	_ =	sdelay $0x2  }
0x17e: {  	v24 =	vtrunc.f32 v31;
	[tilespmem:s13+$0xE790] =	vst v25  }
0x17f: {  	v24 =	vcvt.f32.s32 v24;
	v25 =	vld.idx.msk [tilespmem:v26+s26+$0x0], $0xffff  }
0x180: {  	[tilespmem:s13+$0xE710] =	vst v21;
	v26 =	vld [tilespmem:s13+$0x7C0]  }
0x181: {  	v21 =	vld.idx.msk [tilespmem:v23+s26+$0x0], $0xffff;
	_ =	sdelay $0x2  }
0x182: {  	[tilespmem:s13+$0xE7A0] =	vst v25  }
0x183: {  	v23 =	vld.idx.msk [tilespmem:v24+s26+$0x0], $0xffff;
	v24 =	vtrunc.f32 v26  }
0x184: {  	v25 =	vld [tilespmem:s13+$0x7D0];
	[tilespmem:s13+$0xE720] =	vst v21;
	v24 =	vcvt.f32.s32 v24  }
0x185: {  	v20 =	vld.idx.msk [tilespmem:v20+s26+$0x0], $0xffff;
	_ =	sdelay $0x2  }
0x186: {  	[tilespmem:s12+$0xE730] =	vst v30  }
0x187: {  	v18 =	vld.idx.msk [tilespmem:v18+s26+$0x0], $0xffff;
	v21 =	vtrunc.f32 v25;
	[tilespmem:s13+$0xE7B0] =	vst v23  }
0x188: {  	v21 =	vcvt.f32.s32 v21;
	[tilespmem:s13+$0xE730] =	vst v20;
	v23 =	vld.idx.msk [tilespmem:v24+s26+$0x0], $0xffff;
	v24 =	vtrunc.f32 v29  }
0x189: {  	v22 =	vld.idx.msk [tilespmem:v22+s26+$0x0], $0xffff;
	v20 =	vcvt.f32.s32 v24;
	_ =	sdelay $0x1  }
0x18a: {  	v16 =	vld.idx.msk [tilespmem:v16+s26+$0x0], $0xffff;
	[tilespmem:s11+$0xE740] =	vst v28  }
0x18b: {  	v17 =	vld.idx.msk [tilespmem:v17+s26+$0x0], $0xffff;
	[tilespmem:s12+$0xE740] =	vst v18  }
0x18c: {  	v18 =	vld.idx.msk [tilespmem:v19+s26+$0x0], $0xffff;
	[tilespmem:s13+$0xE7C0] =	vst v23  }
0x18d: {  	[tilespmem:s13+$0xE740] =	vst v22;
	v21 =	vld.idx.msk [tilespmem:v21+s26+$0x0], $0xffff  }
0x18e: {  	[tilespmem:s12+$0xE7D0] =	vst v27;
	v19 =	vld.idx.msk [tilespmem:v20+s26+$0x0], $0xffff  }
0x18f: {  	[tilespmem:s8+$0xE750] =	vst v16  }
0x190: {  	[tilespmem:s11+$0xE750] =	vst v17  }
0x191: {  	[tilespmem:s12+$0xE750] =	vst v18  }
0x192: {  	s5 =	sshll.u32 s21, $0x5;
	[tilespmem:s13+$0xE7D0] =	vst v21  }
0x193: {  	p0 =	seq.s32 s6, $0xB;
	s5 =	sadd.s32 s3, s5;
	[tilespmem:s13+$0xE750] =	vst v19  }
0x194: {  	[hbm4b:s5+s4] =	stream.linear.scatter [tilespmem:s2], [sflag:$0x5], $0x3800, $0x38;
	[tilespmem:$0x15300] =	vst v63  }
0x195: {  	s5 =	sadd.s32 @!p0 s7, s14  }
0x196: {  	s5 =	sshll.u32 @!p0 s5, $0x5  }
0x197: {  	s10 =	simm.s32 @!p0 $0x300;
	s8 =	simm.s32 @!p0 $0x0;
	s5 =	sadd.s32 @!p0 s1, s5  }
0x198: {  	[tilespmem:s10], [sflag:$0x1] =	stream.linear.gather @!p0 [hbm4b:s5+s8], $0x3800, $0x38;
	[tilespmem:$0x15300] =	vst v63  }
0x199: {  	_ =	swait.ge [sflag:s23], $0x3800  }
0x19a: {  	[sflag:s23] =	ssyncset.done $0x0  }
0x19b: {  	s5 =	simm.s32 @!p1 $0x6;
	[sflag:s23] =	ssyncadd.s32 $0xFFFFC800  }
0x19c: {  	s10 =	simm.s32 $0x0;
	_ =	swait.ge @!p1 [sflag:s5], $0x3800  }
0x19d: {  	s11 =	sand.u32 $0x3800, s10;
	s8 =	sand.u32 $0x300, s10;
	[sflag:s5] =	ssyncset.done @!p1 $0x0  }
0x19e: {  	s8 =	sor.u32 s8, s11;
	[sflag:s5] =	ssyncadd.s32 @!p1 $0xFFFFC800  }
0x19f: {  	v16 =	vld [tilespmem:s8+$0x3B80]  }
0x1a0: {  	v17 =	vld [tilespmem:s8+$0x3B00]  }
0x1a1: {  	v18 =	vld [tilespmem:s8+$0x3B90]  }
0x1a2: {  	v19 =	vld [tilespmem:s8+$0x3B10]  }
0x1a3: {  	v20 =	vld [tilespmem:s8+$0x3BA0]  }
0x1a4: {  	v21 =	vld [tilespmem:s8+$0x3B20]  }
0x1a5: {  	v22 =	vld [tilespmem:s8+$0x3B30];
	v16 =	vtrunc.f32 v16  }
0x1a6: {  	v23 =	vld [tilespmem:s8+$0x3B40];
	v16 =	vcvt.f32.s32 v16  }
0x1a7: {  	v24 =	vld [tilespmem:s8+$0x3B50]  }
0x1a8: {  	v25 =	vld [tilespmem:s8+$0x3B60]  }
0x1a9: {  	v26 =	vld [tilespmem:s8+$0x3B70];
	v17 =	vtrunc.f32 v17  }
0x1aa: {  	v27 =	vld [tilespmem:s8+$0x3F10];
	v17 =	vcvt.f32.s32 v17  }
0x1ab: {  	v28 =	vld [tilespmem:s8+$0x3F20];
	v18 =	vtrunc.f32 v18  }
0x1ac: {  	s12 =	simm.s32 $0x100;
	s13 =	simm.s32 $0x200;
	v18 =	vcvt.f32.s32 v18;
	v16 =	vld.idx.msk [tilespmem:v16+s26+$0x0], $0xffff  }
0x1ad: {  	s10 =	sand.u32 $0x3800, s13;
	s5 =	sand.u32 $0x300, s12;
	v46 =	vld [tilespmem:s8+$0x3F90]  }
0x1ae: {  	s11 =	sor.u32 s5, s10;
	v38 =	vld [tilespmem:s8+$0x3FA0]  }
0x1af: {  	v29 =	vld [tilespmem:s11+$0x3B00];
	v19 =	vtrunc.f32 v19  }
0x1b0: {  	v19 =	vcvt.f32.s32 v19;
	v17 =	vld.idx.msk [tilespmem:v17+s26+$0x0], $0xffff  }
0x1b1: {  	[tilespmem:s8+$0x11B80] =	vst v16;
	v16 =	vtrunc.f32 v20;
	v20 =	vld [tilespmem:s8+$0x3BB0]  }
0x1b2: {  	v18 =	vld.idx.msk [tilespmem:v18+s26+$0x0], $0xffff;
	v16 =	vcvt.f32.s32 v16  }
0x1b3: {  	v30 =	vld [tilespmem:s11+$0x3B10]  }
0x1b4: {  	v31 =	vld [tilespmem:s11+$0x3B20]  }
0x1b5: {  	v45 =	vld [tilespmem:s11+$0x3B30];
	[tilespmem:s8+$0x11B00] =	vst v17;
	v17 =	vtrunc.f32 v21  }
0x1b6: {  	v19 =	vld.idx.msk [tilespmem:v19+s26+$0x0], $0xffff;
	v17 =	vcvt.f32.s32 v17  }
0x1b7: {  	[tilespmem:s8+$0x11B90] =	vst v18;
	v18 =	vtrunc.f32 v20;
	v20 =	vld [tilespmem:s8+$0x3BC0]  }
0x1b8: {  	v16 =	vld.idx.msk [tilespmem:v16+s26+$0x0], $0xffff;
	v18 =	vcvt.f32.s32 v18  }
0x1b9: {  	v47 =	vld [tilespmem:s11+$0x3B40]  }
0x1ba: {  	v35 =	vld [tilespmem:s11+$0x3B50]  }
0x1bb: {  	v48 =	vld [tilespmem:s11+$0x3BA0];
	[tilespmem:s8+$0x11B10] =	vst v19  }
0x1bc: {  	v22 =	vtrunc.f32 v22;
	v17 =	vld.idx.msk [tilespmem:v17+s26+$0x0], $0xffff  }
0x1bd: {  	v19 =	vcvt.f32.s32 v22;
	[tilespmem:s8+$0x11BA0] =	vst v16;
	v16 =	vtrunc.f32 v20;
	v20 =	vld [tilespmem:s8+$0x3BD0]  }
0x1be: {  	v18 =	vld.idx.msk [tilespmem:v18+s26+$0x0], $0xffff;
	v16 =	vcvt.f32.s32 v16  }
0x1bf: {  	v50 =	vld [tilespmem:s11+$0x3BB0]  }
0x1c0: {  	v53 =	vld [tilespmem:s11+$0x3BD0]  }
0x1c1: {  	v54 =	vld [tilespmem:s11+$0x3BE0]  }
0x1c2: {  	v22 =	vld [tilespmem:s8+$0x3BE0];
	[tilespmem:s8+$0x11B20] =	vst v17;
	v17 =	vtrunc.f32 v23  }
0x1c3: {  	v19 =	vld.idx.msk [tilespmem:v19+s26+$0x0], $0xffff;
	v17 =	vcvt.f32.s32 v17;
	[tilespmem:s8+$0x11BB0] =	vst v18;
	v18 =	vtrunc.f32 v20  }
0x1c4: {  	v16 =	vld.idx.msk [tilespmem:v16+s26+$0x0], $0xffff;
	v20 =	vcvt.f32.s32 v18  }
0x1c5: {  	s20 =	simm.s32 $0x200;
	s21 =	simm.s32 $0x400;
	v56 =	vld [tilespmem:s11+$0x3BF0]  }
0x1c6: {  	s10 =	sand.u32 $0x3800, s21;
	s5 =	sand.u32 $0x300, s20;
	v62 =	vld [tilespmem:s11+$0x3F90]  }
0x1c7: {  	s12 =	sor.u32 s5, s10;
	v42 =	vld [tilespmem:s11+$0x3FA0]  }
0x1c8: {  	v57 =	vld [tilespmem:s12+$0x3B00];
	v23 =	vtrunc.f32 v24;
	[tilespmem:s8+$0x11B30] =	vst v19  }
0x1c9: {  	v19 =	vcvt.f32.s32 v23;
	v23 =	vld.idx.msk [tilespmem:v17+s26+$0x0], $0xffff;
	[tilespmem:s8+$0x11BC0] =	vst v16;
	v16 =	vtrunc.f32 v22  }
0x1ca: {  	v20 =	vld.idx.msk [tilespmem:v20+s26+$0x0], $0xffff;
	v22 =	vcvt.f32.s32 v16  }
0x1cb: {  	v24 =	vld [tilespmem:s8+$0x3BF0]  }
0x1cc: {  	v58 =	vld [tilespmem:s12+$0x3B10]  }
0x1cd: {  	v59 =	vld [tilespmem:s12+$0x3B20]  }
0x1ce: {  	v60 =	vld [tilespmem:s12+$0x3B30];
	[tilespmem:s8+$0x11B40] =	vst v23  }
0x1cf: {  	v23 =	vld [tilespmem:s11+$0x3B80];
	[tilespmem:s8+$0x11BD0] =	vst v20  }
0x1d0: {  	v20 =	vld.idx.msk [tilespmem:v22+s26+$0x0], $0xffff;
	v22 =	vtrunc.f32 v24  }
0x1d1: {  	v24 =	vld [tilespmem:s8+$0x3F80];
	v22 =	vcvt.f32.s32 v22  }
0x1d2: {  	s22 =	simm.s32 $0x300;
	s31 =	simm.s32 $0x600;
	v63 =	vld [tilespmem:s12+$0x3B40];
	v29 =	vtrunc.f32 v29  }
0x1d3: {  	s10 =	sand.u32 $0x3800, s31;
	s5 =	sand.u32 $0x300, s22;
	v40 =	vld [tilespmem:s12+$0x3B50];
	v29 =	vcvt.f32.s32 v29  }
0x1d4: {  	s13 =	sor.u32 s5, s10;
	v44 =	vld [tilespmem:s12+$0x3FA0]  }
0x1d5: {  	v43 =	vld [tilespmem:s13+$0x3B60];
	v23 =	vtrunc.f32 v23  }
0x1d6: {  	[tilespmem:s8+$0x11BE0] =	vst v20;
	v20 =	vcvt.f32.s32 v23;
	v23 =	vtrunc.f32 v24;
	v24 =	vld [tilespmem:s11+$0x3B90]  }
0x1d7: {  	v22 =	vld.idx.msk [tilespmem:v22+s26+$0x0], $0xffff  }
0x1d8: {  	v36 =	vtrunc.f32 v25;
	v25 =	vld [tilespmem:s11+$0x3B60];
	v23 =	vcvt.f32.s32 v23  }
0x1d9: {  	v29 =	vld.idx.msk [tilespmem:v29+s26+$0x0], $0xffff  }
0x1da: {  	v19 =	vld.idx.msk [tilespmem:v19+s26+$0x0], $0xffff  }
0x1db: {  	v36 =	vcvt.f32.s32 v36;
	v21 =	vld [tilespmem:s8+$0x3F00];
	v24 =	vtrunc.f32 v24  }
0x1dc: {  	v20 =	vld.idx.msk [tilespmem:v20+s26+$0x0], $0xffff;
	[tilespmem:s8+$0x11BF0] =	vst v22;
	v22 =	vcvt.f32.s32 v24  }
0x1dd: {  	v18 =	vld [tilespmem:s8+$0x3F30];
	v24 =	vtrunc.f32 v46  }
0x1de: {  	[tilespmem:s11+$0x11B00] =	vst v29;
	v23 =	vld.idx.msk [tilespmem:v23+s26+$0x0], $0xffff;
	v37 =	vcvt.f32.s32 v24;
	v24 =	vtrunc.f32 v30  }
0x1df: {  	v29 =	vld [tilespmem:s8+$0x3FB0];
	[tilespmem:s8+$0x11B50] =	vst v19;
	v19 =	vcvt.f32.s32 v24  }
0x1e0: {  	v17 =	vld [tilespmem:s8+$0x3F40]  }
0x1e1: {  	v26 =	vtrunc.f32 v26;
	[tilespmem:s11+$0x11B80] =	vst v20;
	v20 =	vld.idx.msk [tilespmem:v36+s26+$0x0], $0xffff  }
0x1e2: {  	v26 =	vcvt.f32.s32 v26;
	v30 =	vld.idx.msk [tilespmem:v22+s26+$0x0], $0xffff;
	v22 =	vtrunc.f32 v48  }
0x1e3: {  	v55 =	vtrunc.f32 v18;
	v18 =	vld [tilespmem:s11+$0x3F40];
	[tilespmem:s8+$0x11F80] =	vst v23;
	v23 =	vcvt.f32.s32 v22  }
0x1e4: {  	v16 =	vld [tilespmem:s8+$0x3F50]  }
0x1e5: {  	v22 =	vtrunc.f32 v38;
	v19 =	vld.idx.msk [tilespmem:v19+s26+$0x0], $0xffff  }
0x1e6: {  	v49 =	vld.idx.msk [tilespmem:v37+s26+$0x0], $0xffff;
	v51 =	vcvt.f32.s32 v22;
	v22 =	vtrunc.f32 v31  }
0x1e7: {  	v24 =	vld [tilespmem:s11+$0x3B70];
	v31 =	vcvt.f32.s32 v22;
	[tilespmem:s8+$0x11B60] =	vst v20  }
0x1e8: {  	v20 =	vtrunc.f32 v21;
	v21 =	vld.idx.msk [tilespmem:v26+s26+$0x0], $0xffff;
	[tilespmem:s11+$0x11B90] =	vst v30  }
0x1e9: {  	v26 =	vld.idx.msk [tilespmem:v23+s26+$0x0], $0xffff  }
0x1ea: {  	v20 =	vcvt.f32.s32 v20;
	v23 =	vtrunc.f32 v50;
	[tilespmem:s11+$0x11B10] =	vst v19;
	v19 =	vld [tilespmem:s8+$0x3FC0]  }
0x1eb: {  	[tilespmem:s8+$0x11F90] =	vst v49;
	v30 =	vcvt.f32.s32 v23;
	v23 =	vtrunc.f32 v29;
	v29 =	vld [tilespmem:s11+$0x3BC0]  }
0x1ec: {  	v33 =	vld.idx.msk [tilespmem:v51+s26+$0x0], $0xffff  }
0x1ed: {  	v52 =	vcvt.f32.s32 v23;
	v23 =	vtrunc.f32 v45;
	v31 =	vld.idx.msk [tilespmem:v31+s26+$0x0], $0xffff  }
0x1ee: {  	v22 =	vld [tilespmem:s11+$0x3F00];
	v32 =	vcvt.f32.s32 v23  }
0x1ef: {  	v49 =	vld [tilespmem:s12+$0x3BB0];
	[tilespmem:s8+$0x11B70] =	vst v21;
	v21 =	vtrunc.f32 v27  }
0x1f0: {  	v20 =	vld.idx.msk [tilespmem:v20+s26+$0x0], $0xffff;
	v21 =	vcvt.f32.s32 v21;
	[tilespmem:s11+$0x11BA0] =	vst v26;
	v27 =	vtrunc.f32 v29  }
0x1f1: {  	[tilespmem:s8+$0x11FA0] =	vst v33;
	v26 =	vld.idx.msk [tilespmem:v30+s26+$0x0], $0xffff;
	v29 =	vcvt.f32.s32 v27  }
0x1f2: {  	v19 =	vtrunc.f32 v19;
	[tilespmem:s11+$0x11B20] =	vst v31;
	v31 =	vld [tilespmem:s8+$0x3FD0]  }
0x1f3: {  	v19 =	vcvt.f32.s32 v19;
	v27 =	vtrunc.f32 v47;
	v30 =	vld.idx.msk [tilespmem:v52+s26+$0x0], $0xffff  }
0x1f4: {  	v34 =	vcvt.f32.s32 v27;
	v32 =	vld.idx.msk [tilespmem:v32+s26+$0x0], $0xffff  }
0x1f5: {  	v51 =	vld [tilespmem:s11+$0x3FB0];
	[tilespmem:s8+$0x11F00] =	vst v20;
	v20 =	vtrunc.f32 v28  }
0x1f6: {  	v20 =	vcvt.f32.s32 v20;
	[tilespmem:s11+$0x11BB0] =	vst v26;
	v26 =	vld.idx.msk [tilespmem:v21+s26+$0x0], $0xffff  }
0x1f7: {  	v21 =	vtrunc.f32 v53;
	v28 =	vld.idx.msk [tilespmem:v29+s26+$0x0], $0xffff  }
0x1f8: {  	v45 =	vld [tilespmem:s12+$0x3BA0];
	v29 =	vcvt.f32.s32 v21;
	[tilespmem:s8+$0x11FB0] =	vst v30;
	v30 =	vtrunc.f32 v31  }
0x1f9: {  	v31 =	vtrunc.f32 v35;
	v19 =	vld.idx.msk [tilespmem:v19+s26+$0x0], $0xffff;
	[tilespmem:s11+$0x11B30] =	vst v32;
	v30 =	vcvt.f32.s32 v30  }
0x1fa: {  	v31 =	vcvt.f32.s32 v31;
	v32 =	vld.idx.msk [tilespmem:v34+s26+$0x0], $0xffff  }
0x1fb: {  	v23 =	vld [tilespmem:s11+$0x3F10];
	[tilespmem:s8+$0x11F10] =	vst v26  }
0x1fc: {  	v26 =	vcvt.f32.s32 v55;
	[tilespmem:s11+$0x11BC0] =	vst v28;
	v28 =	vld.idx.msk [tilespmem:v20+s26+$0x0], $0xffff  }
0x1fd: {  	v27 =	vld [tilespmem:s11+$0x3F20];
	v20 =	vtrunc.f32 v54  }
0x1fe: {  	v29 =	vld.idx.msk [tilespmem:v29+s26+$0x0], $0xffff;
	v33 =	vcvt.f32.s32 v20;
	[tilespmem:s8+$0x11FC0] =	vst v19  }
0x1ff: {  	v19 =	vld.idx.msk [tilespmem:v30+s26+$0x0], $0xffff;
	[tilespmem:s11+$0x11B40] =	vst v32  }
0x200: {  	v25 =	vtrunc.f32 v25;
	v30 =	vld.idx.msk [tilespmem:v31+s26+$0x0], $0xffff  }
0x201: {  	v25 =	vcvt.f32.s32 v25;
	v31 =	vld [tilespmem:s11+$0x3F80];
	[tilespmem:s8+$0x11F20] =	vst v28  }
0x202: {  	v32 =	vld.idx.msk [tilespmem:v26+s26+$0x0], $0xffff  }
0x203: {  	[tilespmem:s11+$0x11BD0] =	vst v29;
	v29 =	vld [tilespmem:s12+$0x3B80]  }
0x204: {  	v28 =	vtrunc.f32 v56;
	v26 =	vld.idx.msk [tilespmem:v33+s26+$0x0], $0xffff  }
0x205: {  	v53 =	vld [tilespmem:s12+$0x3BC0];
	v28 =	vcvt.f32.s32 v28  }
0x206: {  	v24 =	vtrunc.f32 v24;
	v21 =	vld [tilespmem:s11+$0x3F30];
	[tilespmem:s11+$0x11B50] =	vst v30  }
0x207: {  	v24 =	vcvt.f32.s32 v24;
	v25 =	vld.idx.msk [tilespmem:v25+s26+$0x0], $0xffff  }
0x208: {  	v20 =	vld [tilespmem:s11+$0x3F50];
	v29 =	vtrunc.f32 v29  }
0x209: {  	[tilespmem:s11+$0x11BE0] =	vst v26;
	v26 =	vcvt.f32.s32 v29;
	v29 =	vtrunc.f32 v31;
	v31 =	vld [tilespmem:s12+$0x3B90]  }
0x20a: {  	v56 =	vld [tilespmem:s12+$0x3BD0]  }
0x20b: {  	v28 =	vld.idx.msk [tilespmem:v28+s26+$0x0], $0xffff;
	v61 =	vcvt.f32.s32 v29;
	v29 =	vtrunc.f32 v57  }
0x20c: {  	v39 =	vcvt.f32.s32 v29;
	v29 =	vld [tilespmem:s12+$0x3B60];
	[tilespmem:s11+$0x11B60] =	vst v25  }
0x20d: {  	v25 =	vld.idx.msk [tilespmem:v24+s26+$0x0], $0xffff;
	v24 =	vtrunc.f32 v49  }
0x20e: {  	v49 =	vld [tilespmem:s13+$0x3B80];
	v52 =	vcvt.f32.s32 v24;
	v31 =	vtrunc.f32 v31  }
0x20f: {  	v24 =	vtrunc.f32 v51;
	v26 =	vld.idx.msk [tilespmem:v26+s26+$0x0], $0xffff;
	v31 =	vcvt.f32.s32 v31  }
0x210: {  	v51 =	vld [tilespmem:s13+$0x3B00];
	v54 =	vcvt.f32.s32 v24;
	v24 =	vtrunc.f32 v60  }
0x211: {  	v22 =	vtrunc.f32 v22;
	v36 =	vcvt.f32.s32 v24;
	v24 =	vld [tilespmem:s12+$0x3F10]  }
0x212: {  	v22 =	vcvt.f32.s32 v22;
	[tilespmem:s11+$0x11BF0] =	vst v28;
	v28 =	vtrunc.f32 v62;
	v62 =	vld [tilespmem:s12+$0x3BF0]  }
0x213: {  	v37 =	vld.idx.msk [tilespmem:v61+s26+$0x0], $0xffff  }
0x214: {  	v41 =	vcvt.f32.s32 v28;
	v46 =	vld.idx.msk [tilespmem:v39+s26+$0x0], $0xffff;
	[tilespmem:s12+$0x11B80] =	vst v26;
	v26 =	vtrunc.f32 v45  }
0x215: {  	v28 =	vtrunc.f32 v58;
	v31 =	vld.idx.msk [tilespmem:v31+s26+$0x0], $0xffff;
	v47 =	vcvt.f32.s32 v26  }
0x216: {  	v30 =	vcvt.f32.s32 v28;
	v28 =	vld [tilespmem:s12+$0x3B70]  }
0x217: {  	[tilespmem:s11+$0x11B70] =	vst v25;
	v25 =	vtrunc.f32 v53;
	v53 =	vld [tilespmem:s13+$0x3B20]  }
0x218: {  	v22 =	vld.idx.msk [tilespmem:v22+s26+$0x0], $0xffff  }
0x219: {  	v45 =	vld [tilespmem:s13+$0x3BB0]  }
0x21a: {  	v26 =	vtrunc.f32 v42;
	v42 =	vld [tilespmem:s13+$0x3B50];
	[tilespmem:s12+$0x11B90] =	vst v31  }
0x21b: {  	v23 =	vtrunc.f32 v23;
	[tilespmem:s11+$0x11F80] =	vst v37;
	v31 =	vld.idx.msk [tilespmem:v47+s26+$0x0], $0xffff  }
0x21c: {  	v23 =	vcvt.f32.s32 v23;
	v48 =	vld.idx.msk [tilespmem:v41+s26+$0x0], $0xffff  }
0x21d: {  	v50 =	vcvt.f32.s32 v26;
	v26 =	vtrunc.f32 v59;
	v59 =	vld [tilespmem:s12+$0x3BE0]  }
0x21e: {  	[tilespmem:s12+$0x11B00] =	vst v46;
	v46 =	vld [tilespmem:s12+$0x3FB0]  }
0x21f: {  	v30 =	vld.idx.msk [tilespmem:v30+s26+$0x0], $0xffff;
	v35 =	vcvt.f32.s32 v26  }
0x220: {  	v26 =	vld [tilespmem:s12+$0x3F00];
	[tilespmem:s12+$0x11BA0] =	vst v31  }
0x221: {  	v34 =	vcvt.f32.s32 v25;
	v31 =	vld.idx.msk [tilespmem:v52+s26+$0x0], $0xffff  }
0x222: {  	[tilespmem:s11+$0x11F00] =	vst v22;
	v22 =	vtrunc.f32 v27;
	v27 =	vtrunc.f32 v56;
	v56 =	vld [tilespmem:s13+$0x3B90]  }
0x223: {  	v23 =	vld.idx.msk [tilespmem:v23+s26+$0x0], $0xffff  }
0x224: {  	v22 =	vcvt.f32.s32 v22;
	v58 =	vcvt.f32.s32 v27;
	v27 =	vld [tilespmem:s12+$0x3F30];
	[tilespmem:s12+$0x11B10] =	vst v30  }
0x225: {  	v35 =	vld.idx.msk [tilespmem:v35+s26+$0x0], $0xffff  }
0x226: {  	v30 =	vld [tilespmem:s11+$0x3FC0];
	[tilespmem:s12+$0x11BB0] =	vst v31  }
0x227: {  	[tilespmem:s11+$0x11F90] =	vst v48;
	v31 =	vld.idx.msk [tilespmem:v34+s26+$0x0], $0xffff  }
0x228: {  	v38 =	vld.idx.msk [tilespmem:v50+s26+$0x0], $0xffff  }
0x229: {  	v50 =	vld [tilespmem:s12+$0x3F80];
	[tilespmem:s11+$0x11F10] =	vst v23  }
0x22a: {  	v17 =	vtrunc.f32 v17;
	v33 =	vtrunc.f32 v63;
	v23 =	vld.idx.msk [tilespmem:v22+s26+$0x0], $0xffff;
	[tilespmem:s12+$0x11B20] =	vst v35  }
0x22b: {  	v17 =	vcvt.f32.s32 v17;
	v33 =	vcvt.f32.s32 v33;
	v36 =	vld.idx.msk [tilespmem:v36+s26+$0x0], $0xffff  }
0x22c: {  	v22 =	vtrunc.f32 v59;
	v25 =	vtrunc.f32 v30;
	v30 =	vld [tilespmem:s11+$0x3FD0];
	[tilespmem:s12+$0x11BC0] =	vst v31  }
0x22d: {  	v37 =	vcvt.f32.s32 v22;
	v34 =	vld.idx.msk [tilespmem:v58+s26+$0x0], $0xffff  }
0x22e: {  	[tilespmem:s8+$0x11F30] =	vst v32;
	v52 =	vld [tilespmem:s13+$0x3B10]  }
0x22f: {  	v21 =	vtrunc.f32 v21;
	[tilespmem:s11+$0x11FA0] =	vst v38;
	v38 =	vtrunc.f32 v53;
	v53 =	vld [tilespmem:s13+$0x3BD0]  }
0x230: {  	v21 =	vcvt.f32.s32 v21;
	v55 =	vld.idx.msk [tilespmem:v54+s26+$0x0], $0xffff;
	[tilespmem:s12+$0x11B30] =	vst v36  }
0x231: {  	v57 =	vcvt.f32.s32 v25;
	[tilespmem:s11+$0x11F20] =	vst v23;
	v33 =	vld.idx.msk [tilespmem:v33+s26+$0x0], $0xffff  }
0x232: {  	v23 =	vld.idx.msk [tilespmem:v17+s26+$0x0], $0xffff;
	[tilespmem:s12+$0x11BD0] =	vst v34  }
0x233: {  	v17 =	vld.idx.msk [tilespmem:v37+s26+$0x0], $0xffff  }
0x234: {  	v60 =	vtrunc.f32 v40;
	v25 =	vld [tilespmem:s12+$0x3F20]  }
0x235: {  	v48 =	vtrunc.f32 v62;
	v54 =	vld [tilespmem:s13+$0x3B30];
	[tilespmem:s11+$0x11FB0] =	vst v55;
	v36 =	vcvt.f32.s32 v60  }
0x236: {  	v21 =	vld.idx.msk [tilespmem:v21+s26+$0x0], $0xffff;
	v30 =	vtrunc.f32 v30;
	[tilespmem:s12+$0x11B40] =	vst v33;
	v33 =	vcvt.f32.s32 v48  }
0x237: {  	v61 =	vcvt.f32.s32 v30;
	v35 =	vld.idx.msk [tilespmem:v57+s26+$0x0], $0xffff;
	v34 =	vtrunc.f32 v49  }
0x238: {  	v30 =	vld [tilespmem:s12+$0x3F40];
	[tilespmem:s12+$0x11BE0] =	vst v17;
	v17 =	vcvt.f32.s32 v34  }
0x239: {  	v55 =	vtrunc.f32 v50;
	v50 =	vld [tilespmem:s12+$0x3FC0]  }
0x23a: {  	v57 =	vld [tilespmem:s12+$0x3F90]  }
0x23b: {  	v63 =	vld.idx.msk [tilespmem:v36+s26+$0x0], $0xffff  }
0x23c: {  	[tilespmem:s11+$0x11FC0] =	vst v35;
	v36 =	vtrunc.f32 v51;
	v34 =	vcvt.f32.s32 v55;
	v33 =	vld.idx.msk [tilespmem:v33+s26+$0x0], $0xffff  }
0x23d: {  	v29 =	vtrunc.f32 v29;
	v22 =	vld.idx.msk [tilespmem:v61+s26+$0x0], $0xffff;
	v36 =	vcvt.f32.s32 v36  }
0x23e: {  	v29 =	vcvt.f32.s32 v29;
	v35 =	vtrunc.f32 v56;
	v17 =	vld.idx.msk [tilespmem:v17+s26+$0x0], $0xffff  }
0x23f: {  	v18 =	vtrunc.f32 v18;
	v59 =	vcvt.f32.s32 v35;
	v61 =	vld [tilespmem:s13+$0x3BA0]  }
0x240: {  	v39 =	vtrunc.f32 v54;
	v54 =	vcvt.f32.s32 v18;
	v18 =	vld [tilespmem:s12+$0x3FD0]  }
0x241: {  	v31 =	vld [tilespmem:s12+$0x3F50];
	v60 =	vtrunc.f32 v57;
	[tilespmem:s12+$0x11BF0] =	vst v33  }
0x242: {  	v35 =	vcvt.f32.s32 v60;
	v37 =	vtrunc.f32 v52;
	[tilespmem:s12+$0x11B50] =	vst v63;
	v34 =	vld.idx.msk [tilespmem:v34+s26+$0x0], $0xffff  }
0x243: {  	v62 =	vcvt.f32.s32 v37;
	v36 =	vld.idx.msk [tilespmem:v36+s26+$0x0], $0xffff;
	[tilespmem:s13+$0x11B80] =	vst v17;
	v17 =	vtrunc.f32 v28  }
0x244: {  	v40 =	vtrunc.f32 v61;
	v28 =	vld.idx.msk [tilespmem:v29+s26+$0x0], $0xffff;
	v17 =	vcvt.f32.s32 v17  }
0x245: {  	v33 =	vcvt.f32.s32 v40;
	v29 =	vld.idx.msk [tilespmem:v59+s26+$0x0], $0xffff  }
0x246: {  	v58 =	vld [tilespmem:s13+$0x3B40]  }
0x247: {  	v44 =	vtrunc.f32 v44;
	v56 =	vld [tilespmem:s13+$0x3F20];
	[tilespmem:s12+$0x11F80] =	vst v34  }
0x248: {  	[tilespmem:s13+$0x11B00] =	vst v36;
	v34 =	vld.idx.msk [tilespmem:v35+s26+$0x0], $0xffff;
	v35 =	vcvt.f32.s32 v44  }
0x249: {  	v26 =	vtrunc.f32 v26;
	v38 =	vcvt.f32.s32 v38;
	v32 =	vld.idx.msk [tilespmem:v62+s26+$0x0], $0xffff;
	[tilespmem:s12+$0x11B60] =	vst v28  }
0x24a: {  	v47 =	vtrunc.f32 v45;
	v26 =	vcvt.f32.s32 v26;
	[tilespmem:s13+$0x11B90] =	vst v29;
	v17 =	vld.idx.msk [tilespmem:v17+s26+$0x0], $0xffff  }
0x24b: {  	v29 =	vld.idx.msk [tilespmem:v33+s26+$0x0], $0xffff;
	v33 =	vcvt.f32.s32 v47  }
0x24c: {  	v49 =	vld [tilespmem:s13+$0x3BC0]  }
0x24d: {  	v57 =	vld [tilespmem:s13+$0x3F30];
	v48 =	vtrunc.f32 v46;
	[tilespmem:s12+$0x11F90] =	vst v34  }
0x24e: {  	v20 =	vtrunc.f32 v20;
	[tilespmem:s13+$0x11B10] =	vst v32;
	v34 =	vld.idx.msk [tilespmem:v35+s26+$0x0], $0xffff;
	v35 =	vcvt.f32.s32 v48  }
0x24f: {  	v25 =	vtrunc.f32 v25;
	v39 =	vcvt.f32.s32 v39;
	v38 =	vld.idx.msk [tilespmem:v38+s26+$0x0], $0xffff;
	[tilespmem:s12+$0x11B70] =	vst v17  }
0x250: {  	v18 =	vtrunc.f32 v18;
	[tilespmem:s13+$0x11BA0] =	vst v29;
	v17 =	vtrunc.f32 v24;
	v24 =	vld.idx.msk [tilespmem:v26+s26+$0x0], $0xffff  }
0x251: {  	v29 =	vtrunc.f32 v49;
	v26 =	vcvt.f32.s32 v17;
	v17 =	vld.idx.msk [tilespmem:v33+s26+$0x0], $0xffff  }
0x252: {  	v30 =	vtrunc.f32 v30;
	v51 =	vld [tilespmem:s13+$0x3F10];
	v29 =	vcvt.f32.s32 v29  }
0x253: {  	v61 =	vld [tilespmem:s13+$0x3F40];
	v55 =	vtrunc.f32 v58;
	v32 =	vtrunc.f32 v50;
	[tilespmem:s12+$0x11FA0] =	vst v34  }
0x254: {  	v58 =	vcvt.f32.s32 v18;
	v32 =	vcvt.f32.s32 v32;
	[tilespmem:s13+$0x11B20] =	vst v38;
	v52 =	vld.idx.msk [tilespmem:v35+s26+$0x0], $0xffff  }
0x255: {  	v18 =	vcvt.f32.s32 v30;
	v30 =	vld [tilespmem:s13+$0x3BE0];
	v36 =	vcvt.f32.s32 v55;
	[tilespmem:s12+$0x11F00] =	vst v24  }
0x256: {  	v38 =	vld.idx.msk [tilespmem:v39+s26+$0x0], $0xffff;
	[tilespmem:s13+$0x11BB0] =	vst v17;
	v17 =	vcvt.f32.s32 v20;
	v20 =	vcvt.f32.s32 v25  }
0x257: {  	[tilespmem:s8+$0x11FD0] =	vst v19;
	v25 =	vtrunc.f32 v27;
	v27 =	vtrunc.f32 v53;
	v24 =	vld.idx.msk [tilespmem:v26+s26+$0x0], $0xffff  }
0x258: {  	[tilespmem:s11+$0x11F30] =	vst v21;
	v26 =	vld.idx.msk [tilespmem:v29+s26+$0x0], $0xffff;
	v27 =	vcvt.f32.s32 v27  }
0x259: {  	v16 =	vtrunc.f32 v16;
	v63 =	vld [tilespmem:s13+$0x3B70];
	[tilespmem:s12+$0x11FB0] =	vst v52  }
0x25a: {  	v16 =	vcvt.f32.s32 v16;
	v19 =	vtrunc.f32 v31;
	[tilespmem:s11+$0x11FD0] =	vst v22;
	v29 =	vld.idx.msk [tilespmem:v32+s26+$0x0], $0xffff  }
0x25b: {  	v28 =	vld [tilespmem:s13+$0x3F00];
	[tilespmem:s13+$0x11B30] =	vst v38;
	v59 =	vcvt.f32.s32 v25;
	v25 =	vtrunc.f32 v42  }
0x25c: {  	v19 =	vcvt.f32.s32 v19;
	v31 =	vld.idx.msk [tilespmem:v36+s26+$0x0], $0xffff;
	v60 =	vcvt.f32.s32 v25;
	[tilespmem:s12+$0x11F10] =	vst v24  }
0x25d: {  	v22 =	vtrunc.f32 v51;
	v21 =	vtrunc.f32 v30;
	[tilespmem:s13+$0x11BC0] =	vst v26;
	v62 =	vld.idx.msk [tilespmem:v20+s26+$0x0], $0xffff  }
0x25e: {  	v30 =	vtrunc.f32 v61;
	v25 =	vtrunc.f32 v63;
	v63 =	vld.idx.msk [tilespmem:v27+s26+$0x0], $0xffff  }
0x25f: {  	v33 =	vcvt.f32.s32 v21;
	v24 =	vtrunc.f32 v43;
	[tilespmem:s12+$0x11FC0] =	vst v29;
	v29 =	vld [tilespmem:s13+$0x3F50]  }
0x260: {  	v26 =	vcvt.f32.s32 v24;
	v24 =	vcvt.f32.s32 v25;
	v27 =	vld.idx.msk [tilespmem:v58+s26+$0x0], $0xffff  }
0x261: {  	[tilespmem:s13+$0x11B40] =	vst v31;
	v32 =	vld [tilespmem:s13+$0x3BF0];
	v20 =	vtrunc.f32 v28;
	v28 =	vtrunc.f32 v57  }
0x262: {  	[tilespmem:s8+$0x11F40] =	vst v23;
	v25 =	vcvt.f32.s32 v20;
	v20 =	vtrunc.f32 v56;
	v31 =	vld.idx.msk [tilespmem:v60+s26+$0x0], $0xffff  }
0x263: {  	s21 =	sadd.s32 s7, s15;
	v23 =	vcvt.f32.s32 v20;
	v20 =	vcvt.f32.s32 v28;
	v28 =	vld.idx.msk [tilespmem:v54+s26+$0x0], $0xffff;
	[tilespmem:s12+$0x11F20] =	vst v62  }
0x264: {  	s22 =	simm.s32 $0x400;
	s10 =	simm.s32 $0x6;
	s5 =	simm.s32 $0x800;
	v22 =	vcvt.f32.s32 v22;
	v21 =	vcvt.f32.s32 v30;
	[tilespmem:s13+$0x11BD0] =	vst v63;
	v30 =	vld.idx.msk [tilespmem:v59+s26+$0x0], $0xffff  }
.LBB2_5:
0x265: {  	s20 =	sand.u32 $0x3800, s5;
	s31 =	sand.u32 $0x300, s22;
	v29 =	vtrunc.f32 v29;
	[tilespmem:s12+$0x11FD0] =	vst v27;
	v27 =	vld.idx.msk [tilespmem:v16+s26+$0x0], $0xffff;
	v16 =	vmov v17;
	v17 =	vmov v19  }
0x266: {  	s10 =	sadd.s32 $0x2, s10;
	s20 =	sor.u32 s31, s20;
	v19 =	vcvt.f32.s32 v29;
	v29 =	vld.idx.msk [tilespmem:v33+s26+$0x0], $0xffff;
	v32 =	vtrunc.f32 v32  }
0x267: {  	p1 =	slt.u32 s10, $0x36;
	v33 =	vld [tilespmem:s20+$0x3B80];
	v32 =	vcvt.f32.s32 v32  }
0x268: {  	[tilespmem:s13+$0x11B50] =	vst v31;
	v31 =	vld [tilespmem:s13+$0x3F80]  }
0x269: {  	v34 =	vld [tilespmem:s20+$0x3B00];
	[tilespmem:s11+$0x11F40] =	vst v28  }
0x26a: {  	v28 =	vld [tilespmem:s20+$0x3B10];
	[tilespmem:s12+$0x11F30] =	vst v30  }
0x26b: {  	v30 =	vld [tilespmem:s20+$0x3B20];
	[tilespmem:s8+$0x11F50] =	vst v27;
	s8 =	smov.u32 s11;
	s11 =	smov.u32 s12;
	s12 =	smov.u32 s13  }
0x26c: {  	s13 =	smov.u32 s20;
	v27 =	vld [tilespmem:s20+$0x3B30];
	v33 =	vtrunc.f32 v33;
	[tilespmem:s12+$0x11BE0] =	vst v29  }
0x26d: {  	v29 =	vcvt.f32.s32 v33;
	v32 =	vld.idx.msk [tilespmem:v32+s26+$0x0], $0xffff;
	v31 =	vtrunc.f32 v31  }
0x26e: {  	v33 =	vtrunc.f32 v34;
	v34 =	vld [tilespmem:s13+$0x3B90];
	v31 =	vcvt.f32.s32 v31  }
0x26f: {  	v33 =	vcvt.f32.s32 v33;
	v28 =	vtrunc.f32 v28;
	v35 =	vld [tilespmem:s12+$0x3F90]  }
0x270: {  	v28 =	vcvt.f32.s32 v28;
	v30 =	vtrunc.f32 v30;
	v36 =	vld [tilespmem:s13+$0x3B40]  }
0x271: {  	v30 =	vcvt.f32.s32 v30;
	v27 =	vtrunc.f32 v27;
	v37 =	vld [tilespmem:s13+$0x3B50]  }
0x272: {  	v27 =	vcvt.f32.s32 v27;
	v38 =	vld [tilespmem:s13+$0x3B60]  }
0x273: {  	v29 =	vld.idx.msk [tilespmem:v29+s26+$0x0], $0xffff;
	v34 =	vtrunc.f32 v34;
	[tilespmem:s12+$0x11BF0] =	vst v32  }
0x274: {  	v32 =	vcvt.f32.s32 v34;
	v31 =	vld.idx.msk [tilespmem:v31+s26+$0x0], $0xffff;
	v34 =	vtrunc.f32 v35  }
0x275: {  	v35 =	vtrunc.f32 v36;
	v36 =	vld [tilespmem:s13+$0x3BA0];
	v34 =	vcvt.f32.s32 v34  }
0x276: {  	v35 =	vcvt.f32.s32 v35;
	v37 =	vtrunc.f32 v37;
	v39 =	vld [tilespmem:s12+$0x3FA0]  }
0x277: {  	v33 =	vld.idx.msk [tilespmem:v33+s26+$0x0], $0xffff;
	v37 =	vcvt.f32.s32 v37;
	v38 =	vtrunc.f32 v38  }
0x278: {  	v38 =	vcvt.f32.s32 v38;
	v40 =	vld [tilespmem:s13+$0x3B70]  }
0x279: {  	[tilespmem:s13+$0x11B80] =	vst v29;
	v29 =	vld.idx.msk [tilespmem:v26+s26+$0x0], $0xffff  }
0x27a: {  	v32 =	vld.idx.msk [tilespmem:v32+s26+$0x0], $0xffff;
	v36 =	vtrunc.f32 v36;
	[tilespmem:s12+$0x11F80] =	vst v31;
	v26 =	vmov v38  }
0x27b: {  	v31 =	vcvt.f32.s32 v36;
	v34 =	vld.idx.msk [tilespmem:v34+s26+$0x0], $0xffff;
	v36 =	vtrunc.f32 v39  }
0x27c: {  	v38 =	vld [tilespmem:s13+$0x3BB0];
	v36 =	vcvt.f32.s32 v36  }
0x27d: {  	[tilespmem:s13+$0x11B00] =	vst v33;
	v33 =	vtrunc.f32 v40;
	v39 =	vld [tilespmem:s12+$0x3FB0]  }
0x27e: {  	v28 =	vld.idx.msk [tilespmem:v28+s26+$0x0], $0xffff;
	v33 =	vcvt.f32.s32 v33  }
0x27f: {  	v40 =	vld [tilespmem:s13+$0x3F00];
	[tilespmem:s12+$0x11B60] =	vst v29  }
0x280: {  	[tilespmem:s13+$0x11B90] =	vst v32;
	v29 =	vld.idx.msk [tilespmem:v24+s26+$0x0], $0xffff;
	v24 =	vmov v33  }
0x281: {  	v31 =	vld.idx.msk [tilespmem:v31+s26+$0x0], $0xffff;
	v32 =	vtrunc.f32 v38;
	[tilespmem:s12+$0x11F90] =	vst v34  }
0x282: {  	v32 =	vcvt.f32.s32 v32;
	v33 =	vld.idx.msk [tilespmem:v36+s26+$0x0], $0xffff;
	v34 =	vtrunc.f32 v39  }
0x283: {  	v36 =	vld [tilespmem:s13+$0x3BC0];
	v34 =	vcvt.f32.s32 v34  }
0x284: {  	[tilespmem:s13+$0x11B10] =	vst v28;
	v28 =	vtrunc.f32 v40;
	v38 =	vld [tilespmem:s12+$0x3FC0]  }
0x285: {  	v30 =	vld.idx.msk [tilespmem:v30+s26+$0x0], $0xffff;
	v28 =	vcvt.f32.s32 v28  }
0x286: {  	v39 =	vld [tilespmem:s13+$0x3F10];
	[tilespmem:s12+$0x11B70] =	vst v29  }
0x287: {  	[tilespmem:s13+$0x11BA0] =	vst v31;
	v29 =	vld.idx.msk [tilespmem:v25+s26+$0x0], $0xffff;
	v25 =	vmov v28  }
0x288: {  	v28 =	vld.idx.msk [tilespmem:v32+s26+$0x0], $0xffff;
	v31 =	vtrunc.f32 v36;
	[tilespmem:s12+$0x11FA0] =	vst v33  }
0x289: {  	v31 =	vcvt.f32.s32 v31;
	v32 =	vld.idx.msk [tilespmem:v34+s26+$0x0], $0xffff;
	v33 =	vtrunc.f32 v38  }
0x28a: {  	v34 =	vld [tilespmem:s13+$0x3BD0];
	v33 =	vcvt.f32.s32 v33  }
0x28b: {  	[tilespmem:s13+$0x11B20] =	vst v30;
	v30 =	vtrunc.f32 v39;
	v36 =	vld [tilespmem:s12+$0x3FD0]  }
0x28c: {  	v27 =	vld.idx.msk [tilespmem:v27+s26+$0x0], $0xffff;
	v30 =	vcvt.f32.s32 v30  }
0x28d: {  	v38 =	vld [tilespmem:s13+$0x3F20];
	[tilespmem:s12+$0x11F00] =	vst v29  }
0x28e: {  	[tilespmem:s13+$0x11BB0] =	vst v28;
	v28 =	vld.idx.msk [tilespmem:v22+s26+$0x0], $0xffff;
	v22 =	vmov v30  }
0x28f: {  	v29 =	vld.idx.msk [tilespmem:v31+s26+$0x0], $0xffff;
	v30 =	vtrunc.f32 v34;
	[tilespmem:s12+$0x11FB0] =	vst v32  }
0x290: {  	v30 =	vcvt.f32.s32 v30;
	v31 =	vld.idx.msk [tilespmem:v33+s26+$0x0], $0xffff;
	v32 =	vtrunc.f32 v36  }
0x291: {  	v33 =	vld [tilespmem:s13+$0x3F30];
	v32 =	vcvt.f32.s32 v32  }
0x292: {  	[tilespmem:s13+$0x11B30] =	vst v27;
	v27 =	vtrunc.f32 v38;
	v34 =	vld [tilespmem:s13+$0x3BE0]  }
0x293: {  	v35 =	vld.idx.msk [tilespmem:v35+s26+$0x0], $0xffff;
	v27 =	vcvt.f32.s32 v27  }
0x294: {  	v36 =	vld [tilespmem:s13+$0x3F40];
	[tilespmem:s12+$0x11F10] =	vst v28  }
0x295: {  	[tilespmem:s13+$0x11BC0] =	vst v29;
	v28 =	vld.idx.msk [tilespmem:v23+s26+$0x0], $0xffff;
	v23 =	vmov v27  }
0x296: {  	v27 =	vtrunc.f32 v33;
	v30 =	vld.idx.msk [tilespmem:v30+s26+$0x0], $0xffff;
	[tilespmem:s12+$0x11FC0] =	vst v31  }
0x297: {  	v38 =	vcvt.f32.s32 v27;
	v31 =	vtrunc.f32 v34;
	v27 =	vld.idx.msk [tilespmem:v32+s26+$0x0], $0xffff  }
.Ltmp3:
0x298: {  	v29 =	vld [tilespmem:s13+$0x3F50];
	v33 =	vcvt.f32.s32 v31;
	(pc) =	sbr.rel @p1 .LBB2_5-.Ltmp3, $4  }
0x299: {  	[tilespmem:s13+$0x11B40] =	vst v35;
	v34 =	vtrunc.f32 v36;
	v32 =	vld [tilespmem:s13+$0x3BF0]  }
0x29a: {  	v31 =	vld.idx.msk [tilespmem:v37+s26+$0x0], $0xffff;
	v34 =	vcvt.f32.s32 v34  }
0x29b: {  	[tilespmem:s12+$0x11F20] =	vst v28;
	v28 =	vld.idx.msk [tilespmem:v18+s26+$0x0], $0xffff;
	v18 =	vmov v21  }
0x29c: {  	s22 =	sadd.s32 $0x100, s22;
	s5 =	sadd.s32 $0x200, s5;
	[tilespmem:s13+$0x11BD0] =	vst v30;
	v30 =	vld.idx.msk [tilespmem:v20+s26+$0x0], $0xffff;
	v20 =	vmov v38;
	v21 =	vmov v34  }
0x29d: {  	_ =	sdelay $0x3  }
0x29e: {  	v33 =	vld.idx.msk [tilespmem:v33+s26+$0x0], $0xffff;
	v32 =	vtrunc.f32 v32  }
0x29f: {  	v34 =	vld [tilespmem:s13+$0x3F80];
	v32 =	vcvt.f32.s32 v32;
	_ =	sdelay $0x1  }
0x2a0: {  	[tilespmem:s13+$0x11B50] =	vst v31  }
0x2a1: {  	v26 =	vld.idx.msk [tilespmem:v26+s26+$0x0], $0xffff;
	_ =	sdelay $0x1  }
0x2a2: {  	v43 =	vld [tilespmem:s13+$0x3F90];
	[tilespmem:s13+$0x11BE0] =	vst v33;
	v42 =	vtrunc.f32 v34  }
0x2a3: {  	v31 =	vld.idx.msk [tilespmem:v32+s26+$0x0], $0xffff;
	v32 =	vcvt.f32.s32 v42;
	_ =	sdelay $0x1  }
0x2a4: {  	[tilespmem:s13+$0x11B60] =	vst v26  }
0x2a5: {  	v24 =	vld.idx.msk [tilespmem:v24+s26+$0x0], $0xffff;
	_ =	sdelay $0x1  }
0x2a6: {  	v26 =	vtrunc.f32 v43;
	[tilespmem:s13+$0x11BF0] =	vst v31  }
0x2a7: {  	v26 =	vcvt.f32.s32 v26;
	v31 =	vld.idx.msk [tilespmem:v32+s26+$0x0], $0xffff  }
0x2a8: {  	v44 =	vld [tilespmem:s13+$0x3FA0]  }
0x2a9: {  	[tilespmem:s13+$0x11B70] =	vst v24  }
0x2aa: {  	v24 =	vld.idx.msk [tilespmem:v25+s26+$0x0], $0xffff;
	_ =	sdelay $0x1  }
0x2ab: {  	[tilespmem:s13+$0x11F80] =	vst v31  }
0x2ac: {  	v25 =	vld.idx.msk [tilespmem:v26+s26+$0x0], $0xffff;
	v26 =	vtrunc.f32 v44  }
0x2ad: {  	v31 =	vld [tilespmem:s13+$0x3FB0];
	v26 =	vcvt.f32.s32 v26  }
0x2ae: {  	[tilespmem:s13+$0x11F00] =	vst v24  }
0x2af: {  	v22 =	vld.idx.msk [tilespmem:v22+s26+$0x0], $0xffff;
	_ =	sdelay $0x2  }
0x2b0: {  	v24 =	vtrunc.f32 v31;
	[tilespmem:s13+$0x11F90] =	vst v25  }
0x2b1: {  	v24 =	vcvt.f32.s32 v24;
	v25 =	vld.idx.msk [tilespmem:v26+s26+$0x0], $0xffff  }
0x2b2: {  	[tilespmem:s13+$0x11F10] =	vst v22;
	v26 =	vld [tilespmem:s13+$0x3FC0]  }
0x2b3: {  	v22 =	vld.idx.msk [tilespmem:v23+s26+$0x0], $0xffff;
	_ =	sdelay $0x2  }
0x2b4: {  	[tilespmem:s13+$0x11FA0] =	vst v25  }
0x2b5: {  	v23 =	vld.idx.msk [tilespmem:v24+s26+$0x0], $0xffff;
	v24 =	vtrunc.f32 v26  }
0x2b6: {  	v25 =	vld [tilespmem:s13+$0x3FD0];
	[tilespmem:s13+$0x11F20] =	vst v22;
	v24 =	vcvt.f32.s32 v24  }
0x2b7: {  	v20 =	vld.idx.msk [tilespmem:v20+s26+$0x0], $0xffff;
	_ =	sdelay $0x2  }
0x2b8: {  	[tilespmem:s12+$0x11F30] =	vst v30  }
0x2b9: {  	v18 =	vld.idx.msk [tilespmem:v18+s26+$0x0], $0xffff;
	v22 =	vtrunc.f32 v25;
	[tilespmem:s13+$0x11FB0] =	vst v23  }
0x2ba: {  	v22 =	vcvt.f32.s32 v22;
	[tilespmem:s13+$0x11F30] =	vst v20;
	v23 =	vld.idx.msk [tilespmem:v24+s26+$0x0], $0xffff;
	v24 =	vtrunc.f32 v29  }
0x2bb: {  	v21 =	vld.idx.msk [tilespmem:v21+s26+$0x0], $0xffff;
	v20 =	vcvt.f32.s32 v24;
	_ =	sdelay $0x1  }
0x2bc: {  	v16 =	vld.idx.msk [tilespmem:v16+s26+$0x0], $0xffff;
	[tilespmem:s11+$0x11F40] =	vst v28  }
0x2bd: {  	v17 =	vld.idx.msk [tilespmem:v17+s26+$0x0], $0xffff;
	[tilespmem:s12+$0x11F40] =	vst v18  }
0x2be: {  	v18 =	vld.idx.msk [tilespmem:v19+s26+$0x0], $0xffff;
	[tilespmem:s13+$0x11FC0] =	vst v23  }
0x2bf: {  	[tilespmem:s13+$0x11F40] =	vst v21;
	v22 =	vld.idx.msk [tilespmem:v22+s26+$0x0], $0xffff  }
0x2c0: {  	[tilespmem:s12+$0x11FD0] =	vst v27;
	v19 =	vld.idx.msk [tilespmem:v20+s26+$0x0], $0xffff  }
0x2c1: {  	[tilespmem:s8+$0x11F50] =	vst v16  }
0x2c2: {  	[tilespmem:s11+$0x11F50] =	vst v17  }
0x2c3: {  	[tilespmem:s12+$0x11F50] =	vst v18  }
0x2c4: {  	s5 =	sshll.u32 s21, $0x5;
	[tilespmem:s13+$0x11FD0] =	vst v22  }
0x2c5: {  	s5 =	sadd.s32 s3, s5;
	[tilespmem:s13+$0x11F50] =	vst v19  }
0x2c6: {  	[hbm4b:s5+s4] =	stream.linear.scatter [tilespmem:s24], [sflag:$0x6], $0x3800, $0x38;
	[tilespmem:$0x15300] =	vst v63  }
0x2c7: {  	s5 =	sadd.s32 @!p0 s7, s16  }
0x2c8: {  	s5 =	sshll.u32 @!p0 s5, $0x5  }
0x2c9: {  	s10 =	simm.s32 @!p0 $0x3B00;
	s8 =	simm.s32 @!p0 $0x0;
	s5 =	sadd.s32 @!p0 s1, s5  }
0x2ca: {  	[tilespmem:s10], [sflag:$0x2] =	stream.linear.gather @!p0 [hbm4b:s5+s8], $0x3800, $0x38;
	[tilespmem:$0x15300] =	vst v63  }
0x2cb: {  	_ =	swait.ge [sflag:s25], $0x3800  }
0x2cc: {  	[sflag:s25] =	ssyncset.done $0x0  }
0x2cd: {  	[sflag:s25] =	ssyncadd.s32 $0xFFFFC800  }
0x2ce: {  	s10 =	simm.s32 $0x0;
	_ =	swait.ge [sflag:s28], $0x3800  }
0x2cf: {  	s11 =	sand.u32 $0x3800, s10;
	s5 =	sand.u32 $0x300, s10;
	[sflag:s28] =	ssyncset.done $0x0  }
0x2d0: {  	s8 =	sor.u32 s5, s11;
	[sflag:s28] =	ssyncadd.s32 $0xFFFFC800  }
0x2d1: {  	v16 =	vld [tilespmem:s8+$0x7380]  }
0x2d2: {  	v17 =	vld [tilespmem:s8+$0x7300]  }
0x2d3: {  	v18 =	vld [tilespmem:s8+$0x7390]  }
0x2d4: {  	v19 =	vld [tilespmem:s8+$0x7310]  }
0x2d5: {  	v20 =	vld [tilespmem:s8+$0x73A0]  }
0x2d6: {  	v21 =	vld [tilespmem:s8+$0x7320]  }
0x2d7: {  	v22 =	vld [tilespmem:s8+$0x7330];
	v16 =	vtrunc.f32 v16  }
0x2d8: {  	v23 =	vld [tilespmem:s8+$0x7340];
	v16 =	vcvt.f32.s32 v16  }
0x2d9: {  	v24 =	vld [tilespmem:s8+$0x7350]  }
0x2da: {  	v25 =	vld [tilespmem:s8+$0x7360]  }
0x2db: {  	v26 =	vld [tilespmem:s8+$0x7370];
	v17 =	vtrunc.f32 v17  }
0x2dc: {  	s12 =	simm.s32 $0x100;
	s13 =	simm.s32 $0x200;
	v27 =	vld [tilespmem:s8+$0x7710];
	v17 =	vcvt.f32.s32 v17  }
0x2dd: {  	s10 =	sand.u32 $0x3800, s13;
	s5 =	sand.u32 $0x300, s12;
	v28 =	vld [tilespmem:s8+$0x7720];
	v18 =	vtrunc.f32 v18  }
0x2de: {  	s11 =	sor.u32 s5, s10;
	v18 =	vcvt.f32.s32 v18;
	v16 =	vld.idx.msk [tilespmem:v16+s26+$0x0], $0xffff  }
0x2df: {  	v29 =	vld [tilespmem:s11+$0x7300]  }
0x2e0: {  	v30 =	vld [tilespmem:s11+$0x7310]  }
0x2e1: {  	v31 =	vld [tilespmem:s11+$0x7320];
	v19 =	vtrunc.f32 v19  }
0x2e2: {  	v19 =	vcvt.f32.s32 v19;
	v17 =	vld.idx.msk [tilespmem:v17+s26+$0x0], $0xffff  }
0x2e3: {  	[tilespmem:s8+$0xE380] =	vst v16;
	v16 =	vtrunc.f32 v20;
	v20 =	vld [tilespmem:s8+$0x73B0]  }
0x2e4: {  	v18 =	vld.idx.msk [tilespmem:v18+s26+$0x0], $0xffff;
	v16 =	vcvt.f32.s32 v16  }
0x2e5: {  	v45 =	vld [tilespmem:s11+$0x7330]  }
0x2e6: {  	v46 =	vld [tilespmem:s8+$0x7790]  }
0x2e7: {  	v47 =	vld [tilespmem:s11+$0x7340];
	[tilespmem:s8+$0xE300] =	vst v17;
	v17 =	vtrunc.f32 v21  }
0x2e8: {  	v19 =	vld.idx.msk [tilespmem:v19+s26+$0x0], $0xffff;
	v17 =	vcvt.f32.s32 v17  }
0x2e9: {  	[tilespmem:s8+$0xE390] =	vst v18;
	v18 =	vtrunc.f32 v20;
	v20 =	vld [tilespmem:s8+$0x73C0]  }
0x2ea: {  	v16 =	vld.idx.msk [tilespmem:v16+s26+$0x0], $0xffff;
	v18 =	vcvt.f32.s32 v18  }
0x2eb: {  	v35 =	vld [tilespmem:s11+$0x7350]  }
0x2ec: {  	v48 =	vld [tilespmem:s11+$0x73A0]  }
0x2ed: {  	v38 =	vld [tilespmem:s8+$0x77A0];
	[tilespmem:s8+$0xE310] =	vst v19  }
0x2ee: {  	v22 =	vtrunc.f32 v22;
	v17 =	vld.idx.msk [tilespmem:v17+s26+$0x0], $0xffff  }
0x2ef: {  	v19 =	vcvt.f32.s32 v22;
	[tilespmem:s8+$0xE3A0] =	vst v16;
	v16 =	vtrunc.f32 v20;
	v20 =	vld [tilespmem:s8+$0x73D0]  }
0x2f0: {  	v18 =	vld.idx.msk [tilespmem:v18+s26+$0x0], $0xffff;
	v16 =	vcvt.f32.s32 v16  }
0x2f1: {  	v50 =	vld [tilespmem:s11+$0x73B0]  }
0x2f2: {  	v53 =	vld [tilespmem:s11+$0x73D0]  }
0x2f3: {  	v54 =	vld [tilespmem:s11+$0x73E0]  }
0x2f4: {  	v22 =	vld [tilespmem:s8+$0x73E0];
	[tilespmem:s8+$0xE320] =	vst v17;
	v17 =	vtrunc.f32 v23  }
0x2f5: {  	s20 =	simm.s32 $0x200;
	s21 =	simm.s32 $0x400;
	v19 =	vld.idx.msk [tilespmem:v19+s26+$0x0], $0xffff;
	v17 =	vcvt.f32.s32 v17;
	[tilespmem:s8+$0xE3B0] =	vst v18;
	v18 =	vtrunc.f32 v20  }
0x2f6: {  	s10 =	sand.u32 $0x3800, s21;
	s5 =	sand.u32 $0x300, s20;
	v16 =	vld.idx.msk [tilespmem:v16+s26+$0x0], $0xffff;
	v20 =	vcvt.f32.s32 v18  }
0x2f7: {  	s12 =	sor.u32 s5, s10;
	v56 =	vld [tilespmem:s11+$0x73F0]  }
0x2f8: {  	v57 =	vld [tilespmem:s12+$0x7300]  }
0x2f9: {  	v58 =	vld [tilespmem:s12+$0x7310]  }
0x2fa: {  	v59 =	vld [tilespmem:s12+$0x7320];
	v23 =	vtrunc.f32 v24;
	[tilespmem:s8+$0xE330] =	vst v19  }
0x2fb: {  	v19 =	vcvt.f32.s32 v23;
	v23 =	vld.idx.msk [tilespmem:v17+s26+$0x0], $0xffff;
	[tilespmem:s8+$0xE3C0] =	vst v16;
	v16 =	vtrunc.f32 v22  }
0x2fc: {  	v20 =	vld.idx.msk [tilespmem:v20+s26+$0x0], $0xffff;
	v22 =	vcvt.f32.s32 v16  }
0x2fd: {  	v24 =	vld [tilespmem:s8+$0x73F0]  }
0x2fe: {  	v60 =	vld [tilespmem:s12+$0x7330]  }
0x2ff: {  	v62 =	vld [tilespmem:s11+$0x7790]  }
0x300: {  	v63 =	vld [tilespmem:s12+$0x7340];
	[tilespmem:s8+$0xE340] =	vst v23  }
0x301: {  	v23 =	vld [tilespmem:s11+$0x7380];
	[tilespmem:s8+$0xE3D0] =	vst v20  }
0x302: {  	v20 =	vld.idx.msk [tilespmem:v22+s26+$0x0], $0xffff;
	v22 =	vtrunc.f32 v24  }
0x303: {  	s22 =	simm.s32 $0x300;
	s31 =	simm.s32 $0x600;
	v24 =	vld [tilespmem:s8+$0x7780];
	v22 =	vcvt.f32.s32 v22  }
0x304: {  	s10 =	sand.u32 $0x3800, s31;
	s5 =	sand.u32 $0x300, s22;
	v40 =	vld [tilespmem:s12+$0x7350];
	v29 =	vtrunc.f32 v29  }
0x305: {  	s13 =	sor.u32 s5, s10;
	v42 =	vld [tilespmem:s11+$0x77A0];
	v29 =	vcvt.f32.s32 v29  }
0x306: {  	v43 =	vld [tilespmem:s13+$0x7360]  }
0x307: {  	v44 =	vld [tilespmem:s12+$0x77A0];
	v23 =	vtrunc.f32 v23  }
0x308: {  	[tilespmem:s8+$0xE3E0] =	vst v20;
	v20 =	vcvt.f32.s32 v23;
	v23 =	vtrunc.f32 v24;
	v24 =	vld [tilespmem:s11+$0x7390]  }
0x309: {  	v22 =	vld.idx.msk [tilespmem:v22+s26+$0x0], $0xffff  }
0x30a: {  	v36 =	vtrunc.f32 v25;
	v25 =	vld [tilespmem:s11+$0x7360];
	v23 =	vcvt.f32.s32 v23  }
0x30b: {  	v29 =	vld.idx.msk [tilespmem:v29+s26+$0x0], $0xffff  }
0x30c: {  	v19 =	vld.idx.msk [tilespmem:v19+s26+$0x0], $0xffff  }
0x30d: {  	v36 =	vcvt.f32.s32 v36;
	v21 =	vld [tilespmem:s8+$0x7700];
	v24 =	vtrunc.f32 v24  }
0x30e: {  	v20 =	vld.idx.msk [tilespmem:v20+s26+$0x0], $0xffff;
	[tilespmem:s8+$0xE3F0] =	vst v22;
	v22 =	vcvt.f32.s32 v24  }
0x30f: {  	v18 =	vld [tilespmem:s8+$0x7730];
	v24 =	vtrunc.f32 v46  }
0x310: {  	[tilespmem:s11+$0xE300] =	vst v29;
	v23 =	vld.idx.msk [tilespmem:v23+s26+$0x0], $0xffff;
	v37 =	vcvt.f32.s32 v24;
	v24 =	vtrunc.f32 v30  }
0x311: {  	v29 =	vld [tilespmem:s8+$0x77B0];
	[tilespmem:s8+$0xE350] =	vst v19;
	v19 =	vcvt.f32.s32 v24  }
0x312: {  	v17 =	vld [tilespmem:s8+$0x7740]  }
0x313: {  	v26 =	vtrunc.f32 v26;
	[tilespmem:s11+$0xE380] =	vst v20;
	v20 =	vld.idx.msk [tilespmem:v36+s26+$0x0], $0xffff  }
0x314: {  	v26 =	vcvt.f32.s32 v26;
	v30 =	vld.idx.msk [tilespmem:v22+s26+$0x0], $0xffff;
	v22 =	vtrunc.f32 v48  }
0x315: {  	v55 =	vtrunc.f32 v18;
	v18 =	vld [tilespmem:s11+$0x7740];
	[tilespmem:s8+$0xE780] =	vst v23;
	v23 =	vcvt.f32.s32 v22  }
0x316: {  	v16 =	vld [tilespmem:s8+$0x7750]  }
0x317: {  	v22 =	vtrunc.f32 v38;
	v19 =	vld.idx.msk [tilespmem:v19+s26+$0x0], $0xffff  }
0x318: {  	v49 =	vld.idx.msk [tilespmem:v37+s26+$0x0], $0xffff;
	v51 =	vcvt.f32.s32 v22;
	v22 =	vtrunc.f32 v31  }
0x319: {  	v24 =	vld [tilespmem:s11+$0x7370];
	v31 =	vcvt.f32.s32 v22;
	[tilespmem:s8+$0xE360] =	vst v20  }
0x31a: {  	v20 =	vtrunc.f32 v21;
	v21 =	vld.idx.msk [tilespmem:v26+s26+$0x0], $0xffff;
	[tilespmem:s11+$0xE390] =	vst v30  }
0x31b: {  	v26 =	vld.idx.msk [tilespmem:v23+s26+$0x0], $0xffff  }
0x31c: {  	v20 =	vcvt.f32.s32 v20;
	v23 =	vtrunc.f32 v50;
	[tilespmem:s11+$0xE310] =	vst v19;
	v19 =	vld [tilespmem:s8+$0x77C0]  }
0x31d: {  	[tilespmem:s8+$0xE790] =	vst v49;
	v30 =	vcvt.f32.s32 v23;
	v23 =	vtrunc.f32 v29;
	v29 =	vld [tilespmem:s11+$0x73C0]  }
0x31e: {  	v33 =	vld.idx.msk [tilespmem:v51+s26+$0x0], $0xffff  }
0x31f: {  	v52 =	vcvt.f32.s32 v23;
	v23 =	vtrunc.f32 v45;
	v31 =	vld.idx.msk [tilespmem:v31+s26+$0x0], $0xffff  }
0x320: {  	v22 =	vld [tilespmem:s11+$0x7700];
	v32 =	vcvt.f32.s32 v23  }
0x321: {  	v49 =	vld [tilespmem:s12+$0x73B0];
	[tilespmem:s8+$0xE370] =	vst v21;
	v21 =	vtrunc.f32 v27  }
0x322: {  	v20 =	vld.idx.msk [tilespmem:v20+s26+$0x0], $0xffff;
	v21 =	vcvt.f32.s32 v21;
	[tilespmem:s11+$0xE3A0] =	vst v26;
	v27 =	vtrunc.f32 v29  }
0x323: {  	[tilespmem:s8+$0xE7A0] =	vst v33;
	v26 =	vld.idx.msk [tilespmem:v30+s26+$0x0], $0xffff;
	v29 =	vcvt.f32.s32 v27  }
0x324: {  	v19 =	vtrunc.f32 v19;
	[tilespmem:s11+$0xE320] =	vst v31;
	v31 =	vld [tilespmem:s8+$0x77D0]  }
0x325: {  	v19 =	vcvt.f32.s32 v19;
	v27 =	vtrunc.f32 v47;
	v30 =	vld.idx.msk [tilespmem:v52+s26+$0x0], $0xffff  }
0x326: {  	v34 =	vcvt.f32.s32 v27;
	v32 =	vld.idx.msk [tilespmem:v32+s26+$0x0], $0xffff  }
0x327: {  	v51 =	vld [tilespmem:s11+$0x77B0];
	[tilespmem:s8+$0xE700] =	vst v20;
	v20 =	vtrunc.f32 v28  }
0x328: {  	v20 =	vcvt.f32.s32 v20;
	[tilespmem:s11+$0xE3B0] =	vst v26;
	v26 =	vld.idx.msk [tilespmem:v21+s26+$0x0], $0xffff  }
0x329: {  	v21 =	vtrunc.f32 v53;
	v28 =	vld.idx.msk [tilespmem:v29+s26+$0x0], $0xffff  }
0x32a: {  	v45 =	vld [tilespmem:s12+$0x73A0];
	v29 =	vcvt.f32.s32 v21;
	[tilespmem:s8+$0xE7B0] =	vst v30;
	v30 =	vtrunc.f32 v31  }
0x32b: {  	v31 =	vtrunc.f32 v35;
	v19 =	vld.idx.msk [tilespmem:v19+s26+$0x0], $0xffff;
	[tilespmem:s11+$0xE330] =	vst v32;
	v30 =	vcvt.f32.s32 v30  }
0x32c: {  	v31 =	vcvt.f32.s32 v31;
	v32 =	vld.idx.msk [tilespmem:v34+s26+$0x0], $0xffff  }
0x32d: {  	v23 =	vld [tilespmem:s11+$0x7710];
	[tilespmem:s8+$0xE710] =	vst v26  }
0x32e: {  	v26 =	vcvt.f32.s32 v55;
	[tilespmem:s11+$0xE3C0] =	vst v28;
	v28 =	vld.idx.msk [tilespmem:v20+s26+$0x0], $0xffff  }
0x32f: {  	v27 =	vld [tilespmem:s11+$0x7720];
	v20 =	vtrunc.f32 v54  }
0x330: {  	v29 =	vld.idx.msk [tilespmem:v29+s26+$0x0], $0xffff;
	v33 =	vcvt.f32.s32 v20;
	[tilespmem:s8+$0xE7C0] =	vst v19  }
0x331: {  	v19 =	vld.idx.msk [tilespmem:v30+s26+$0x0], $0xffff;
	[tilespmem:s11+$0xE340] =	vst v32  }
0x332: {  	v25 =	vtrunc.f32 v25;
	v30 =	vld.idx.msk [tilespmem:v31+s26+$0x0], $0xffff  }
0x333: {  	v25 =	vcvt.f32.s32 v25;
	v31 =	vld [tilespmem:s11+$0x7780];
	[tilespmem:s8+$0xE720] =	vst v28  }
0x334: {  	v32 =	vld.idx.msk [tilespmem:v26+s26+$0x0], $0xffff  }
0x335: {  	[tilespmem:s11+$0xE3D0] =	vst v29;
	v29 =	vld [tilespmem:s12+$0x7380]  }
0x336: {  	v28 =	vtrunc.f32 v56;
	v26 =	vld.idx.msk [tilespmem:v33+s26+$0x0], $0xffff  }
0x337: {  	v53 =	vld [tilespmem:s12+$0x73C0];
	v28 =	vcvt.f32.s32 v28  }
0x338: {  	v24 =	vtrunc.f32 v24;
	v21 =	vld [tilespmem:s11+$0x7730];
	[tilespmem:s11+$0xE350] =	vst v30  }
0x339: {  	v24 =	vcvt.f32.s32 v24;
	v25 =	vld.idx.msk [tilespmem:v25+s26+$0x0], $0xffff  }
0x33a: {  	v20 =	vld [tilespmem:s11+$0x7750];
	v29 =	vtrunc.f32 v29  }
0x33b: {  	[tilespmem:s11+$0xE3E0] =	vst v26;
	v26 =	vcvt.f32.s32 v29;
	v29 =	vtrunc.f32 v31;
	v31 =	vld [tilespmem:s12+$0x7390]  }
0x33c: {  	v56 =	vld [tilespmem:s12+$0x73D0]  }
0x33d: {  	v28 =	vld.idx.msk [tilespmem:v28+s26+$0x0], $0xffff;
	v61 =	vcvt.f32.s32 v29;
	v29 =	vtrunc.f32 v57  }
0x33e: {  	v39 =	vcvt.f32.s32 v29;
	v29 =	vld [tilespmem:s12+$0x7360];
	[tilespmem:s11+$0xE360] =	vst v25  }
0x33f: {  	v25 =	vld.idx.msk [tilespmem:v24+s26+$0x0], $0xffff;
	v24 =	vtrunc.f32 v49  }
0x340: {  	v49 =	vld [tilespmem:s13+$0x7380];
	v52 =	vcvt.f32.s32 v24;
	v31 =	vtrunc.f32 v31  }
0x341: {  	v24 =	vtrunc.f32 v51;
	v26 =	vld.idx.msk [tilespmem:v26+s26+$0x0], $0xffff;
	v31 =	vcvt.f32.s32 v31  }
0x342: {  	v51 =	vld [tilespmem:s13+$0x7300];
	v54 =	vcvt.f32.s32 v24;
	v24 =	vtrunc.f32 v60  }
0x343: {  	v22 =	vtrunc.f32 v22;
	v36 =	vcvt.f32.s32 v24;
	v24 =	vld [tilespmem:s12+$0x7710]  }
0x344: {  	v22 =	vcvt.f32.s32 v22;
	[tilespmem:s11+$0xE3F0] =	vst v28;
	v28 =	vtrunc.f32 v62;
	v62 =	vld [tilespmem:s12+$0x73F0]  }
0x345: {  	v37 =	vld.idx.msk [tilespmem:v61+s26+$0x0], $0xffff  }
0x346: {  	v41 =	vcvt.f32.s32 v28;
	v46 =	vld.idx.msk [tilespmem:v39+s26+$0x0], $0xffff;
	[tilespmem:s12+$0xE380] =	vst v26;
	v26 =	vtrunc.f32 v45  }
0x347: {  	v28 =	vtrunc.f32 v58;
	v31 =	vld.idx.msk [tilespmem:v31+s26+$0x0], $0xffff;
	v47 =	vcvt.f32.s32 v26  }
0x348: {  	v30 =	vcvt.f32.s32 v28;
	v28 =	vld [tilespmem:s12+$0x7370]  }
0x349: {  	[tilespmem:s11+$0xE370] =	vst v25;
	v25 =	vtrunc.f32 v53;
	v53 =	vld [tilespmem:s13+$0x7320]  }
0x34a: {  	v22 =	vld.idx.msk [tilespmem:v22+s26+$0x0], $0xffff  }
0x34b: {  	v45 =	vld [tilespmem:s13+$0x73B0]  }
0x34c: {  	v26 =	vtrunc.f32 v42;
	v42 =	vld [tilespmem:s13+$0x7350];
	[tilespmem:s12+$0xE390] =	vst v31  }
0x34d: {  	v23 =	vtrunc.f32 v23;
	[tilespmem:s11+$0xE780] =	vst v37;
	v31 =	vld.idx.msk [tilespmem:v47+s26+$0x0], $0xffff  }
0x34e: {  	v23 =	vcvt.f32.s32 v23;
	v48 =	vld.idx.msk [tilespmem:v41+s26+$0x0], $0xffff  }
0x34f: {  	v50 =	vcvt.f32.s32 v26;
	v26 =	vtrunc.f32 v59;
	v59 =	vld [tilespmem:s12+$0x73E0]  }
0x350: {  	[tilespmem:s12+$0xE300] =	vst v46;
	v46 =	vld [tilespmem:s12+$0x77B0]  }
0x351: {  	v30 =	vld.idx.msk [tilespmem:v30+s26+$0x0], $0xffff;
	v35 =	vcvt.f32.s32 v26  }
0x352: {  	v26 =	vld [tilespmem:s12+$0x7700];
	[tilespmem:s12+$0xE3A0] =	vst v31  }
0x353: {  	v34 =	vcvt.f32.s32 v25;
	v31 =	vld.idx.msk [tilespmem:v52+s26+$0x0], $0xffff  }
0x354: {  	[tilespmem:s11+$0xE700] =	vst v22;
	v22 =	vtrunc.f32 v27;
	v27 =	vtrunc.f32 v56;
	v56 =	vld [tilespmem:s13+$0x7390]  }
0x355: {  	v23 =	vld.idx.msk [tilespmem:v23+s26+$0x0], $0xffff  }
0x356: {  	v22 =	vcvt.f32.s32 v22;
	v58 =	vcvt.f32.s32 v27;
	v27 =	vld [tilespmem:s12+$0x7730];
	[tilespmem:s12+$0xE310] =	vst v30  }
0x357: {  	v35 =	vld.idx.msk [tilespmem:v35+s26+$0x0], $0xffff  }
0x358: {  	v30 =	vld [tilespmem:s11+$0x77C0];
	[tilespmem:s12+$0xE3B0] =	vst v31  }
0x359: {  	[tilespmem:s11+$0xE790] =	vst v48;
	v31 =	vld.idx.msk [tilespmem:v34+s26+$0x0], $0xffff  }
0x35a: {  	v38 =	vld.idx.msk [tilespmem:v50+s26+$0x0], $0xffff  }
0x35b: {  	v50 =	vld [tilespmem:s12+$0x7780];
	[tilespmem:s11+$0xE710] =	vst v23  }
0x35c: {  	v17 =	vtrunc.f32 v17;
	v33 =	vtrunc.f32 v63;
	v23 =	vld.idx.msk [tilespmem:v22+s26+$0x0], $0xffff;
	[tilespmem:s12+$0xE320] =	vst v35  }
0x35d: {  	v17 =	vcvt.f32.s32 v17;
	v33 =	vcvt.f32.s32 v33;
	v36 =	vld.idx.msk [tilespmem:v36+s26+$0x0], $0xffff  }
0x35e: {  	v22 =	vtrunc.f32 v59;
	v25 =	vtrunc.f32 v30;
	v30 =	vld [tilespmem:s11+$0x77D0];
	[tilespmem:s12+$0xE3C0] =	vst v31  }
0x35f: {  	v37 =	vcvt.f32.s32 v22;
	v34 =	vld.idx.msk [tilespmem:v58+s26+$0x0], $0xffff  }
0x360: {  	[tilespmem:s8+$0xE730] =	vst v32;
	v52 =	vld [tilespmem:s13+$0x7310]  }
0x361: {  	v21 =	vtrunc.f32 v21;
	[tilespmem:s11+$0xE7A0] =	vst v38;
	v38 =	vtrunc.f32 v53;
	v53 =	vld [tilespmem:s13+$0x73D0]  }
0x362: {  	v21 =	vcvt.f32.s32 v21;
	v55 =	vld.idx.msk [tilespmem:v54+s26+$0x0], $0xffff;
	[tilespmem:s12+$0xE330] =	vst v36  }
0x363: {  	v57 =	vcvt.f32.s32 v25;
	[tilespmem:s11+$0xE720] =	vst v23;
	v33 =	vld.idx.msk [tilespmem:v33+s26+$0x0], $0xffff  }
0x364: {  	v23 =	vld.idx.msk [tilespmem:v17+s26+$0x0], $0xffff;
	[tilespmem:s12+$0xE3D0] =	vst v34  }
0x365: {  	v17 =	vld.idx.msk [tilespmem:v37+s26+$0x0], $0xffff  }
0x366: {  	v60 =	vtrunc.f32 v40;
	v25 =	vld [tilespmem:s12+$0x7720]  }
0x367: {  	v48 =	vtrunc.f32 v62;
	v54 =	vld [tilespmem:s13+$0x7330];
	[tilespmem:s11+$0xE7B0] =	vst v55;
	v36 =	vcvt.f32.s32 v60  }
0x368: {  	v21 =	vld.idx.msk [tilespmem:v21+s26+$0x0], $0xffff;
	v30 =	vtrunc.f32 v30;
	[tilespmem:s12+$0xE340] =	vst v33;
	v33 =	vcvt.f32.s32 v48  }
0x369: {  	v61 =	vcvt.f32.s32 v30;
	v35 =	vld.idx.msk [tilespmem:v57+s26+$0x0], $0xffff;
	v34 =	vtrunc.f32 v49  }
0x36a: {  	v30 =	vld [tilespmem:s12+$0x7740];
	[tilespmem:s12+$0xE3E0] =	vst v17;
	v17 =	vcvt.f32.s32 v34  }
0x36b: {  	v55 =	vtrunc.f32 v50;
	v50 =	vld [tilespmem:s12+$0x77C0]  }
0x36c: {  	v57 =	vld [tilespmem:s12+$0x7790]  }
0x36d: {  	v63 =	vld.idx.msk [tilespmem:v36+s26+$0x0], $0xffff  }
0x36e: {  	[tilespmem:s11+$0xE7C0] =	vst v35;
	v36 =	vtrunc.f32 v51;
	v34 =	vcvt.f32.s32 v55;
	v33 =	vld.idx.msk [tilespmem:v33+s26+$0x0], $0xffff  }
0x36f: {  	v29 =	vtrunc.f32 v29;
	v22 =	vld.idx.msk [tilespmem:v61+s26+$0x0], $0xffff;
	v36 =	vcvt.f32.s32 v36  }
0x370: {  	v29 =	vcvt.f32.s32 v29;
	v35 =	vtrunc.f32 v56;
	v17 =	vld.idx.msk [tilespmem:v17+s26+$0x0], $0xffff  }
0x371: {  	v18 =	vtrunc.f32 v18;
	v59 =	vcvt.f32.s32 v35;
	v61 =	vld [tilespmem:s13+$0x73A0]  }
0x372: {  	v39 =	vtrunc.f32 v54;
	v54 =	vcvt.f32.s32 v18;
	v18 =	vld [tilespmem:s12+$0x77D0]  }
0x373: {  	v31 =	vld [tilespmem:s12+$0x7750];
	v60 =	vtrunc.f32 v57;
	[tilespmem:s12+$0xE3F0] =	vst v33  }
0x374: {  	v35 =	vcvt.f32.s32 v60;
	v37 =	vtrunc.f32 v52;
	[tilespmem:s12+$0xE350] =	vst v63;
	v34 =	vld.idx.msk [tilespmem:v34+s26+$0x0], $0xffff  }
0x375: {  	v62 =	vcvt.f32.s32 v37;
	v36 =	vld.idx.msk [tilespmem:v36+s26+$0x0], $0xffff;
	[tilespmem:s13+$0xE380] =	vst v17;
	v17 =	vtrunc.f32 v28  }
0x376: {  	v40 =	vtrunc.f32 v61;
	v28 =	vld.idx.msk [tilespmem:v29+s26+$0x0], $0xffff;
	v17 =	vcvt.f32.s32 v17  }
0x377: {  	v33 =	vcvt.f32.s32 v40;
	v29 =	vld.idx.msk [tilespmem:v59+s26+$0x0], $0xffff  }
0x378: {  	v58 =	vld [tilespmem:s13+$0x7340]  }
0x379: {  	v44 =	vtrunc.f32 v44;
	v56 =	vld [tilespmem:s13+$0x7720];
	[tilespmem:s12+$0xE780] =	vst v34  }
0x37a: {  	[tilespmem:s13+$0xE300] =	vst v36;
	v34 =	vld.idx.msk [tilespmem:v35+s26+$0x0], $0xffff;
	v35 =	vcvt.f32.s32 v44  }
0x37b: {  	v26 =	vtrunc.f32 v26;
	v38 =	vcvt.f32.s32 v38;
	v32 =	vld.idx.msk [tilespmem:v62+s26+$0x0], $0xffff;
	[tilespmem:s12+$0xE360] =	vst v28  }
0x37c: {  	v47 =	vtrunc.f32 v45;
	v26 =	vcvt.f32.s32 v26;
	[tilespmem:s13+$0xE390] =	vst v29;
	v17 =	vld.idx.msk [tilespmem:v17+s26+$0x0], $0xffff  }
0x37d: {  	v29 =	vld.idx.msk [tilespmem:v33+s26+$0x0], $0xffff;
	v33 =	vcvt.f32.s32 v47  }
0x37e: {  	v49 =	vld [tilespmem:s13+$0x73C0]  }
0x37f: {  	v57 =	vld [tilespmem:s13+$0x7730];
	v48 =	vtrunc.f32 v46;
	[tilespmem:s12+$0xE790] =	vst v34  }
0x380: {  	v20 =	vtrunc.f32 v20;
	[tilespmem:s13+$0xE310] =	vst v32;
	v34 =	vld.idx.msk [tilespmem:v35+s26+$0x0], $0xffff;
	v35 =	vcvt.f32.s32 v48  }
0x381: {  	v25 =	vtrunc.f32 v25;
	v39 =	vcvt.f32.s32 v39;
	v38 =	vld.idx.msk [tilespmem:v38+s26+$0x0], $0xffff;
	[tilespmem:s12+$0xE370] =	vst v17  }
0x382: {  	v18 =	vtrunc.f32 v18;
	[tilespmem:s13+$0xE3A0] =	vst v29;
	v17 =	vtrunc.f32 v24;
	v24 =	vld.idx.msk [tilespmem:v26+s26+$0x0], $0xffff  }
0x383: {  	v29 =	vtrunc.f32 v49;
	v26 =	vcvt.f32.s32 v17;
	v17 =	vld.idx.msk [tilespmem:v33+s26+$0x0], $0xffff  }
0x384: {  	v30 =	vtrunc.f32 v30;
	v51 =	vld [tilespmem:s13+$0x7710];
	v29 =	vcvt.f32.s32 v29  }
0x385: {  	v61 =	vld [tilespmem:s13+$0x7740];
	v55 =	vtrunc.f32 v58;
	v32 =	vtrunc.f32 v50;
	[tilespmem:s12+$0xE7A0] =	vst v34  }
0x386: {  	v58 =	vcvt.f32.s32 v18;
	v32 =	vcvt.f32.s32 v32;
	[tilespmem:s13+$0xE320] =	vst v38;
	v52 =	vld.idx.msk [tilespmem:v35+s26+$0x0], $0xffff  }
0x387: {  	v18 =	vcvt.f32.s32 v30;
	v30 =	vld [tilespmem:s13+$0x73E0];
	v36 =	vcvt.f32.s32 v55;
	[tilespmem:s12+$0xE700] =	vst v24  }
0x388: {  	v38 =	vld.idx.msk [tilespmem:v39+s26+$0x0], $0xffff;
	[tilespmem:s13+$0xE3B0] =	vst v17;
	v17 =	vcvt.f32.s32 v20;
	v20 =	vcvt.f32.s32 v25  }
0x389: {  	[tilespmem:s8+$0xE7D0] =	vst v19;
	v25 =	vtrunc.f32 v27;
	v27 =	vtrunc.f32 v53;
	v24 =	vld.idx.msk [tilespmem:v26+s26+$0x0], $0xffff  }
0x38a: {  	[tilespmem:s11+$0xE730] =	vst v21;
	v26 =	vld.idx.msk [tilespmem:v29+s26+$0x0], $0xffff;
	v27 =	vcvt.f32.s32 v27  }
0x38b: {  	v16 =	vtrunc.f32 v16;
	v63 =	vld [tilespmem:s13+$0x7370];
	[tilespmem:s12+$0xE7B0] =	vst v52  }
0x38c: {  	v16 =	vcvt.f32.s32 v16;
	v19 =	vtrunc.f32 v31;
	[tilespmem:s11+$0xE7D0] =	vst v22;
	v29 =	vld.idx.msk [tilespmem:v32+s26+$0x0], $0xffff  }
0x38d: {  	v28 =	vld [tilespmem:s13+$0x7700];
	[tilespmem:s13+$0xE330] =	vst v38;
	v59 =	vcvt.f32.s32 v25;
	v25 =	vtrunc.f32 v42  }
0x38e: {  	v19 =	vcvt.f32.s32 v19;
	v31 =	vld.idx.msk [tilespmem:v36+s26+$0x0], $0xffff;
	v60 =	vcvt.f32.s32 v25;
	[tilespmem:s12+$0xE710] =	vst v24  }
0x38f: {  	v22 =	vtrunc.f32 v51;
	v21 =	vtrunc.f32 v30;
	[tilespmem:s13+$0xE3C0] =	vst v26;
	v62 =	vld.idx.msk [tilespmem:v20+s26+$0x0], $0xffff  }
0x390: {  	v30 =	vtrunc.f32 v61;
	v25 =	vtrunc.f32 v63;
	v63 =	vld.idx.msk [tilespmem:v27+s26+$0x0], $0xffff  }
0x391: {  	v33 =	vcvt.f32.s32 v21;
	v24 =	vtrunc.f32 v43;
	[tilespmem:s12+$0xE7C0] =	vst v29;
	v29 =	vld [tilespmem:s13+$0x7750]  }
0x392: {  	v26 =	vcvt.f32.s32 v24;
	v24 =	vcvt.f32.s32 v25;
	v27 =	vld.idx.msk [tilespmem:v58+s26+$0x0], $0xffff  }
0x393: {  	[tilespmem:s13+$0xE340] =	vst v31;
	v32 =	vld [tilespmem:s13+$0x73F0];
	v20 =	vtrunc.f32 v28;
	v28 =	vtrunc.f32 v57  }
0x394: {  	[tilespmem:s8+$0xE740] =	vst v23;
	v25 =	vcvt.f32.s32 v20;
	v20 =	vtrunc.f32 v56;
	v31 =	vld.idx.msk [tilespmem:v60+s26+$0x0], $0xffff  }
0x395: {  	v23 =	vcvt.f32.s32 v20;
	v20 =	vcvt.f32.s32 v28;
	v28 =	vld.idx.msk [tilespmem:v54+s26+$0x0], $0xffff;
	[tilespmem:s12+$0xE720] =	vst v62  }
0x396: {  	s21 =	simm.s32 $0x400;
	s10 =	simm.s32 $0x6;
	s5 =	simm.s32 $0x800;
	v22 =	vcvt.f32.s32 v22;
	v21 =	vcvt.f32.s32 v30;
	[tilespmem:s13+$0xE3D0] =	vst v63;
	v30 =	vld.idx.msk [tilespmem:v59+s26+$0x0], $0xffff  }
.LBB2_7:
0x397: {  	s20 =	sand.u32 $0x3800, s5;
	s22 =	sand.u32 $0x300, s21;
	v29 =	vtrunc.f32 v29;
	[tilespmem:s12+$0xE7D0] =	vst v27;
	v27 =	vld.idx.msk [tilespmem:v16+s26+$0x0], $0xffff;
	v16 =	vmov v17;
	v17 =	vmov v19  }
0x398: {  	s10 =	sadd.s32 $0x2, s10;
	s20 =	sor.u32 s22, s20;
	v19 =	vcvt.f32.s32 v29;
	v29 =	vld.idx.msk [tilespmem:v33+s26+$0x0], $0xffff;
	v32 =	vtrunc.f32 v32  }
0x399: {  	p1 =	slt.u32 s10, $0x36;
	v33 =	vld [tilespmem:s20+$0x7380];
	v32 =	vcvt.f32.s32 v32  }
0x39a: {  	[tilespmem:s13+$0xE350] =	vst v31;
	v31 =	vld [tilespmem:s13+$0x7780]  }
0x39b: {  	v34 =	vld [tilespmem:s20+$0x7300];
	[tilespmem:s11+$0xE740] =	vst v28  }
0x39c: {  	v28 =	vld [tilespmem:s20+$0x7310];
	[tilespmem:s12+$0xE730] =	vst v30  }
0x39d: {  	v30 =	vld [tilespmem:s20+$0x7320];
	[tilespmem:s8+$0xE750] =	vst v27;
	s8 =	smov.u32 s11;
	s11 =	smov.u32 s12;
	s12 =	smov.u32 s13  }
0x39e: {  	s13 =	smov.u32 s20;
	v27 =	vld [tilespmem:s20+$0x7330];
	v33 =	vtrunc.f32 v33;
	[tilespmem:s12+$0xE3E0] =	vst v29  }
0x39f: {  	v29 =	vcvt.f32.s32 v33;
	v32 =	vld.idx.msk [tilespmem:v32+s26+$0x0], $0xffff;
	v31 =	vtrunc.f32 v31  }
0x3a0: {  	v33 =	vtrunc.f32 v34;
	v34 =	vld [tilespmem:s13+$0x7390];
	v31 =	vcvt.f32.s32 v31  }
0x3a1: {  	v33 =	vcvt.f32.s32 v33;
	v28 =	vtrunc.f32 v28;
	v35 =	vld [tilespmem:s12+$0x7790]  }
0x3a2: {  	v28 =	vcvt.f32.s32 v28;
	v30 =	vtrunc.f32 v30;
	v36 =	vld [tilespmem:s13+$0x7340]  }
0x3a3: {  	v30 =	vcvt.f32.s32 v30;
	v27 =	vtrunc.f32 v27;
	v37 =	vld [tilespmem:s13+$0x7350]  }
0x3a4: {  	v27 =	vcvt.f32.s32 v27;
	v38 =	vld [tilespmem:s13+$0x7360]  }
0x3a5: {  	v29 =	vld.idx.msk [tilespmem:v29+s26+$0x0], $0xffff;
	v34 =	vtrunc.f32 v34;
	[tilespmem:s12+$0xE3F0] =	vst v32  }
0x3a6: {  	v32 =	vcvt.f32.s32 v34;
	v31 =	vld.idx.msk [tilespmem:v31+s26+$0x0], $0xffff;
	v34 =	vtrunc.f32 v35  }
0x3a7: {  	v35 =	vtrunc.f32 v36;
	v36 =	vld [tilespmem:s13+$0x73A0];
	v34 =	vcvt.f32.s32 v34  }
0x3a8: {  	v35 =	vcvt.f32.s32 v35;
	v37 =	vtrunc.f32 v37;
	v39 =	vld [tilespmem:s12+$0x77A0]  }
0x3a9: {  	v33 =	vld.idx.msk [tilespmem:v33+s26+$0x0], $0xffff;
	v37 =	vcvt.f32.s32 v37;
	v38 =	vtrunc.f32 v38  }
0x3aa: {  	v38 =	vcvt.f32.s32 v38;
	v40 =	vld [tilespmem:s13+$0x7370]  }
0x3ab: {  	[tilespmem:s13+$0xE380] =	vst v29;
	v29 =	vld.idx.msk [tilespmem:v26+s26+$0x0], $0xffff  }
0x3ac: {  	v32 =	vld.idx.msk [tilespmem:v32+s26+$0x0], $0xffff;
	v36 =	vtrunc.f32 v36;
	[tilespmem:s12+$0xE780] =	vst v31;
	v26 =	vmov v38  }
0x3ad: {  	v31 =	vcvt.f32.s32 v36;
	v34 =	vld.idx.msk [tilespmem:v34+s26+$0x0], $0xffff;
	v36 =	vtrunc.f32 v39  }
0x3ae: {  	v38 =	vld [tilespmem:s13+$0x73B0];
	v36 =	vcvt.f32.s32 v36  }
0x3af: {  	[tilespmem:s13+$0xE300] =	vst v33;
	v33 =	vtrunc.f32 v40;
	v39 =	vld [tilespmem:s12+$0x77B0]  }
0x3b0: {  	v28 =	vld.idx.msk [tilespmem:v28+s26+$0x0], $0xffff;
	v33 =	vcvt.f32.s32 v33  }
0x3b1: {  	v40 =	vld [tilespmem:s13+$0x7700];
	[tilespmem:s12+$0xE360] =	vst v29  }
0x3b2: {  	[tilespmem:s13+$0xE390] =	vst v32;
	v29 =	vld.idx.msk [tilespmem:v24+s26+$0x0], $0xffff;
	v24 =	vmov v33  }
0x3b3: {  	v31 =	vld.idx.msk [tilespmem:v31+s26+$0x0], $0xffff;
	v32 =	vtrunc.f32 v38;
	[tilespmem:s12+$0xE790] =	vst v34  }
0x3b4: {  	v32 =	vcvt.f32.s32 v32;
	v33 =	vld.idx.msk [tilespmem:v36+s26+$0x0], $0xffff;
	v34 =	vtrunc.f32 v39  }
0x3b5: {  	v36 =	vld [tilespmem:s13+$0x73C0];
	v34 =	vcvt.f32.s32 v34  }
0x3b6: {  	[tilespmem:s13+$0xE310] =	vst v28;
	v28 =	vtrunc.f32 v40;
	v38 =	vld [tilespmem:s12+$0x77C0]  }
0x3b7: {  	v30 =	vld.idx.msk [tilespmem:v30+s26+$0x0], $0xffff;
	v28 =	vcvt.f32.s32 v28  }
0x3b8: {  	v39 =	vld [tilespmem:s13+$0x7710];
	[tilespmem:s12+$0xE370] =	vst v29  }
0x3b9: {  	[tilespmem:s13+$0xE3A0] =	vst v31;
	v29 =	vld.idx.msk [tilespmem:v25+s26+$0x0], $0xffff;
	v25 =	vmov v28  }
0x3ba: {  	v28 =	vld.idx.msk [tilespmem:v32+s26+$0x0], $0xffff;
	v31 =	vtrunc.f32 v36;
	[tilespmem:s12+$0xE7A0] =	vst v33  }
0x3bb: {  	v31 =	vcvt.f32.s32 v31;
	v32 =	vld.idx.msk [tilespmem:v34+s26+$0x0], $0xffff;
	v33 =	vtrunc.f32 v38  }
0x3bc: {  	v34 =	vld [tilespmem:s13+$0x73D0];
	v33 =	vcvt.f32.s32 v33  }
0x3bd: {  	[tilespmem:s13+$0xE320] =	vst v30;
	v30 =	vtrunc.f32 v39;
	v36 =	vld [tilespmem:s12+$0x77D0]  }
0x3be: {  	v27 =	vld.idx.msk [tilespmem:v27+s26+$0x0], $0xffff;
	v30 =	vcvt.f32.s32 v30  }
0x3bf: {  	v38 =	vld [tilespmem:s13+$0x7720];
	[tilespmem:s12+$0xE700] =	vst v29  }
0x3c0: {  	[tilespmem:s13+$0xE3B0] =	vst v28;
	v28 =	vld.idx.msk [tilespmem:v22+s26+$0x0], $0xffff;
	v22 =	vmov v30  }
0x3c1: {  	v29 =	vld.idx.msk [tilespmem:v31+s26+$0x0], $0xffff;
	v30 =	vtrunc.f32 v34;
	[tilespmem:s12+$0xE7B0] =	vst v32  }
0x3c2: {  	v30 =	vcvt.f32.s32 v30;
	v31 =	vld.idx.msk [tilespmem:v33+s26+$0x0], $0xffff;
	v32 =	vtrunc.f32 v36  }
0x3c3: {  	v33 =	vld [tilespmem:s13+$0x7730];
	v32 =	vcvt.f32.s32 v32  }
0x3c4: {  	[tilespmem:s13+$0xE330] =	vst v27;
	v27 =	vtrunc.f32 v38;
	v34 =	vld [tilespmem:s13+$0x73E0]  }
0x3c5: {  	v35 =	vld.idx.msk [tilespmem:v35+s26+$0x0], $0xffff;
	v27 =	vcvt.f32.s32 v27  }
0x3c6: {  	v36 =	vld [tilespmem:s13+$0x7740];
	[tilespmem:s12+$0xE710] =	vst v28  }
0x3c7: {  	[tilespmem:s13+$0xE3C0] =	vst v29;
	v28 =	vld.idx.msk [tilespmem:v23+s26+$0x0], $0xffff;
	v23 =	vmov v27  }
0x3c8: {  	v27 =	vtrunc.f32 v33;
	v30 =	vld.idx.msk [tilespmem:v30+s26+$0x0], $0xffff;
	[tilespmem:s12+$0xE7C0] =	vst v31  }
0x3c9: {  	v38 =	vcvt.f32.s32 v27;
	v31 =	vtrunc.f32 v34;
	v27 =	vld.idx.msk [tilespmem:v32+s26+$0x0], $0xffff  }
.Ltmp4:
0x3ca: {  	v29 =	vld [tilespmem:s13+$0x7750];
	v33 =	vcvt.f32.s32 v31;
	(pc) =	sbr.rel @p1 .LBB2_7-.Ltmp4, $4  }
0x3cb: {  	[tilespmem:s13+$0xE340] =	vst v35;
	v34 =	vtrunc.f32 v36;
	v32 =	vld [tilespmem:s13+$0x73F0]  }
0x3cc: {  	v31 =	vld.idx.msk [tilespmem:v37+s26+$0x0], $0xffff;
	v34 =	vcvt.f32.s32 v34  }
0x3cd: {  	[tilespmem:s12+$0xE720] =	vst v28;
	v28 =	vld.idx.msk [tilespmem:v18+s26+$0x0], $0xffff;
	v18 =	vmov v21  }
0x3ce: {  	s21 =	sadd.s32 $0x100, s21;
	s5 =	sadd.s32 $0x200, s5;
	[tilespmem:s13+$0xE3D0] =	vst v30;
	v30 =	vld.idx.msk [tilespmem:v20+s26+$0x0], $0xffff;
	v20 =	vmov v38;
	v21 =	vmov v34  }
0x3cf: {  	_ =	sdelay $0x3  }
0x3d0: {  	v33 =	vld.idx.msk [tilespmem:v33+s26+$0x0], $0xffff;
	v32 =	vtrunc.f32 v32  }
0x3d1: {  	v34 =	vld [tilespmem:s13+$0x7780];
	v32 =	vcvt.f32.s32 v32;
	_ =	sdelay $0x1  }
0x3d2: {  	[tilespmem:s13+$0xE350] =	vst v31  }
0x3d3: {  	v26 =	vld.idx.msk [tilespmem:v26+s26+$0x0], $0xffff;
	_ =	sdelay $0x1  }
0x3d4: {  	v43 =	vld [tilespmem:s13+$0x7790];
	[tilespmem:s13+$0xE3E0] =	vst v33;
	v42 =	vtrunc.f32 v34  }
0x3d5: {  	v31 =	vld.idx.msk [tilespmem:v32+s26+$0x0], $0xffff;
	v32 =	vcvt.f32.s32 v42;
	_ =	sdelay $0x1  }
0x3d6: {  	[tilespmem:s13+$0xE360] =	vst v26  }
0x3d7: {  	v24 =	vld.idx.msk [tilespmem:v24+s26+$0x0], $0xffff;
	_ =	sdelay $0x1  }
0x3d8: {  	v26 =	vtrunc.f32 v43;
	[tilespmem:s13+$0xE3F0] =	vst v31  }
0x3d9: {  	v26 =	vcvt.f32.s32 v26;
	v31 =	vld.idx.msk [tilespmem:v32+s26+$0x0], $0xffff  }
0x3da: {  	v44 =	vld [tilespmem:s13+$0x77A0]  }
0x3db: {  	[tilespmem:s13+$0xE370] =	vst v24  }
0x3dc: {  	v24 =	vld.idx.msk [tilespmem:v25+s26+$0x0], $0xffff;
	_ =	sdelay $0x1  }
0x3dd: {  	[tilespmem:s13+$0xE780] =	vst v31  }
0x3de: {  	v25 =	vld.idx.msk [tilespmem:v26+s26+$0x0], $0xffff;
	v26 =	vtrunc.f32 v44  }
0x3df: {  	v31 =	vld [tilespmem:s13+$0x77B0];
	v26 =	vcvt.f32.s32 v26  }
0x3e0: {  	[tilespmem:s13+$0xE700] =	vst v24  }
0x3e1: {  	v22 =	vld.idx.msk [tilespmem:v22+s26+$0x0], $0xffff;
	_ =	sdelay $0x2  }
0x3e2: {  	v24 =	vtrunc.f32 v31;
	[tilespmem:s13+$0xE790] =	vst v25  }
0x3e3: {  	v24 =	vcvt.f32.s32 v24;
	v25 =	vld.idx.msk [tilespmem:v26+s26+$0x0], $0xffff  }
0x3e4: {  	[tilespmem:s13+$0xE710] =	vst v22;
	v26 =	vld [tilespmem:s13+$0x77C0]  }
0x3e5: {  	v22 =	vld.idx.msk [tilespmem:v23+s26+$0x0], $0xffff;
	_ =	sdelay $0x2  }
0x3e6: {  	[tilespmem:s13+$0xE7A0] =	vst v25  }
0x3e7: {  	v23 =	vld.idx.msk [tilespmem:v24+s26+$0x0], $0xffff;
	v24 =	vtrunc.f32 v26  }
0x3e8: {  	v25 =	vld [tilespmem:s13+$0x77D0];
	[tilespmem:s13+$0xE720] =	vst v22;
	v24 =	vcvt.f32.s32 v24  }
0x3e9: {  	v20 =	vld.idx.msk [tilespmem:v20+s26+$0x0], $0xffff;
	_ =	sdelay $0x2  }
0x3ea: {  	[tilespmem:s12+$0xE730] =	vst v30  }
0x3eb: {  	v18 =	vld.idx.msk [tilespmem:v18+s26+$0x0], $0xffff;
	v22 =	vtrunc.f32 v25;
	[tilespmem:s13+$0xE7B0] =	vst v23  }
0x3ec: {  	v22 =	vcvt.f32.s32 v22;
	[tilespmem:s13+$0xE730] =	vst v20;
	v23 =	vld.idx.msk [tilespmem:v24+s26+$0x0], $0xffff;
	v24 =	vtrunc.f32 v29  }
0x3ed: {  	v21 =	vld.idx.msk [tilespmem:v21+s26+$0x0], $0xffff;
	v20 =	vcvt.f32.s32 v24;
	_ =	sdelay $0x1  }
0x3ee: {  	v16 =	vld.idx.msk [tilespmem:v16+s26+$0x0], $0xffff;
	[tilespmem:s11+$0xE740] =	vst v28  }
0x3ef: {  	v17 =	vld.idx.msk [tilespmem:v17+s26+$0x0], $0xffff;
	[tilespmem:s12+$0xE740] =	vst v18  }
0x3f0: {  	v18 =	vld.idx.msk [tilespmem:v19+s26+$0x0], $0xffff;
	[tilespmem:s13+$0xE7C0] =	vst v23  }
0x3f1: {  	[tilespmem:s13+$0xE740] =	vst v21;
	v22 =	vld.idx.msk [tilespmem:v22+s26+$0x0], $0xffff  }
0x3f2: {  	[tilespmem:s12+$0xE7D0] =	vst v27;
	v19 =	vld.idx.msk [tilespmem:v20+s26+$0x0], $0xffff  }
0x3f3: {  	[tilespmem:s8+$0xE750] =	vst v16  }
0x3f4: {  	[tilespmem:s11+$0xE750] =	vst v17  }
0x3f5: {  	s5 =	sadd.s32 s7, s17;
	[tilespmem:s12+$0xE750] =	vst v18  }
0x3f6: {  	s5 =	sshll.u32 s5, $0x5;
	[tilespmem:s13+$0xE7D0] =	vst v22  }
0x3f7: {  	s5 =	sadd.s32 s3, s5;
	[tilespmem:s13+$0xE750] =	vst v19  }
0x3f8: {  	[hbm4b:s5+s4] =	stream.linear.scatter [tilespmem:s2], [sflag:$0x5], $0x3800, $0x38;
	[tilespmem:$0x15300] =	vst v63  }
0x3f9: {  	s5 =	sadd.s32 @!p0 s7, s18  }
0x3fa: {  	s5 =	sshll.u32 @!p0 s5, $0x5  }
0x3fb: {  	s10 =	simm.s32 @!p0 $0x7300;
	s8 =	simm.s32 @!p0 $0x0;
	s5 =	sadd.s32 @!p0 s1, s5  }
0x3fc: {  	[tilespmem:s10], [sflag:$0x3] =	stream.linear.gather @!p0 [hbm4b:s5+s8], $0x3800, $0x38;
	[tilespmem:$0x15300] =	vst v63  }
0x3fd: {  	_ =	swait.ge [sflag:s29], $0x3800  }
0x3fe: {  	[sflag:s29] =	ssyncset.done $0x0  }
0x3ff: {  	[sflag:s29] =	ssyncadd.s32 $0xFFFFC800  }
0x400: {  	s10 =	simm.s32 $0x0;
	_ =	swait.ge [sflag:s30], $0x3800  }
0x401: {  	s11 =	sand.u32 $0x3800, s10;
	s5 =	sand.u32 $0x300, s10;
	[sflag:s30] =	ssyncset.done $0x0  }
0x402: {  	s8 =	sor.u32 s5, s11;
	[sflag:s30] =	ssyncadd.s32 $0xFFFFC800  }
0x403: {  	v16 =	vld [tilespmem:s8+$0xAB80]  }
0x404: {  	v17 =	vld [tilespmem:s8+$0xAB00]  }
0x405: {  	v18 =	vld [tilespmem:s8+$0xAB90]  }
0x406: {  	v19 =	vld [tilespmem:s8+$0xAB10]  }
0x407: {  	v20 =	vld [tilespmem:s8+$0xABA0]  }
0x408: {  	v21 =	vld [tilespmem:s8+$0xAB20]  }
0x409: {  	v22 =	vld [tilespmem:s8+$0xAB30];
	v16 =	vtrunc.f32 v16  }
0x40a: {  	v23 =	vld [tilespmem:s8+$0xAB40];
	v16 =	vcvt.f32.s32 v16  }
0x40b: {  	v24 =	vld [tilespmem:s8+$0xAB50]  }
0x40c: {  	v25 =	vld [tilespmem:s8+$0xAB60]  }
0x40d: {  	v26 =	vld [tilespmem:s8+$0xAB70];
	v17 =	vtrunc.f32 v17  }
0x40e: {  	s12 =	simm.s32 $0x100;
	s13 =	simm.s32 $0x200;
	v27 =	vld [tilespmem:s8+$0xAF10];
	v17 =	vcvt.f32.s32 v17  }
0x40f: {  	s10 =	sand.u32 $0x3800, s13;
	s5 =	sand.u32 $0x300, s12;
	v28 =	vld [tilespmem:s8+$0xAF20];
	v18 =	vtrunc.f32 v18  }
0x410: {  	s11 =	sor.u32 s5, s10;
	v18 =	vcvt.f32.s32 v18;
	v16 =	vld.idx.msk [tilespmem:v16+s26+$0x0], $0xffff  }
0x411: {  	v29 =	vld [tilespmem:s11+$0xAB00]  }
0x412: {  	v30 =	vld [tilespmem:s11+$0xAB10]  }
0x413: {  	v31 =	vld [tilespmem:s11+$0xAB20];
	v19 =	vtrunc.f32 v19  }
0x414: {  	v19 =	vcvt.f32.s32 v19;
	v17 =	vld.idx.msk [tilespmem:v17+s26+$0x0], $0xffff  }
0x415: {  	[tilespmem:s8+$0x11B80] =	vst v16;
	v16 =	vtrunc.f32 v20;
	v20 =	vld [tilespmem:s8+$0xABB0]  }
0x416: {  	v18 =	vld.idx.msk [tilespmem:v18+s26+$0x0], $0xffff;
	v16 =	vcvt.f32.s32 v16  }
0x417: {  	v45 =	vld [tilespmem:s11+$0xAB30]  }
0x418: {  	v46 =	vld [tilespmem:s8+$0xAF90]  }
0x419: {  	v47 =	vld [tilespmem:s11+$0xAB40];
	[tilespmem:s8+$0x11B00] =	vst v17;
	v17 =	vtrunc.f32 v21  }
0x41a: {  	v19 =	vld.idx.msk [tilespmem:v19+s26+$0x0], $0xffff;
	v17 =	vcvt.f32.s32 v17  }
0x41b: {  	[tilespmem:s8+$0x11B90] =	vst v18;
	v18 =	vtrunc.f32 v20;
	v20 =	vld [tilespmem:s8+$0xABC0]  }
0x41c: {  	v16 =	vld.idx.msk [tilespmem:v16+s26+$0x0], $0xffff;
	v18 =	vcvt.f32.s32 v18  }
0x41d: {  	v35 =	vld [tilespmem:s11+$0xAB50]  }
0x41e: {  	v48 =	vld [tilespmem:s11+$0xABA0]  }
0x41f: {  	v38 =	vld [tilespmem:s8+$0xAFA0];
	[tilespmem:s8+$0x11B10] =	vst v19  }
0x420: {  	v22 =	vtrunc.f32 v22;
	v17 =	vld.idx.msk [tilespmem:v17+s26+$0x0], $0xffff  }
0x421: {  	v19 =	vcvt.f32.s32 v22;
	[tilespmem:s8+$0x11BA0] =	vst v16;
	v16 =	vtrunc.f32 v20;
	v20 =	vld [tilespmem:s8+$0xABD0]  }
0x422: {  	v18 =	vld.idx.msk [tilespmem:v18+s26+$0x0], $0xffff;
	v16 =	vcvt.f32.s32 v16  }
0x423: {  	v50 =	vld [tilespmem:s11+$0xABB0]  }
0x424: {  	v53 =	vld [tilespmem:s11+$0xABD0]  }
0x425: {  	v54 =	vld [tilespmem:s11+$0xABE0]  }
0x426: {  	v22 =	vld [tilespmem:s8+$0xABE0];
	[tilespmem:s8+$0x11B20] =	vst v17;
	v17 =	vtrunc.f32 v23  }
0x427: {  	s20 =	simm.s32 $0x200;
	s21 =	simm.s32 $0x400;
	v19 =	vld.idx.msk [tilespmem:v19+s26+$0x0], $0xffff;
	v17 =	vcvt.f32.s32 v17;
	[tilespmem:s8+$0x11BB0] =	vst v18;
	v18 =	vtrunc.f32 v20  }
0x428: {  	s10 =	sand.u32 $0x3800, s21;
	s5 =	sand.u32 $0x300, s20;
	v16 =	vld.idx.msk [tilespmem:v16+s26+$0x0], $0xffff;
	v20 =	vcvt.f32.s32 v18  }
0x429: {  	s12 =	sor.u32 s5, s10;
	v56 =	vld [tilespmem:s11+$0xABF0]  }
0x42a: {  	v57 =	vld [tilespmem:s12+$0xAB00]  }
0x42b: {  	v58 =	vld [tilespmem:s12+$0xAB10]  }
0x42c: {  	v59 =	vld [tilespmem:s12+$0xAB20];
	v23 =	vtrunc.f32 v24;
	[tilespmem:s8+$0x11B30] =	vst v19  }
0x42d: {  	v19 =	vcvt.f32.s32 v23;
	v23 =	vld.idx.msk [tilespmem:v17+s26+$0x0], $0xffff;
	[tilespmem:s8+$0x11BC0] =	vst v16;
	v16 =	vtrunc.f32 v22  }
0x42e: {  	v20 =	vld.idx.msk [tilespmem:v20+s26+$0x0], $0xffff;
	v22 =	vcvt.f32.s32 v16  }
0x42f: {  	v24 =	vld [tilespmem:s8+$0xABF0]  }
0x430: {  	v60 =	vld [tilespmem:s12+$0xAB30]  }
0x431: {  	v62 =	vld [tilespmem:s11+$0xAF90]  }
0x432: {  	v63 =	vld [tilespmem:s12+$0xAB40];
	[tilespmem:s8+$0x11B40] =	vst v23  }
0x433: {  	v23 =	vld [tilespmem:s11+$0xAB80];
	[tilespmem:s8+$0x11BD0] =	vst v20  }
0x434: {  	v20 =	vld.idx.msk [tilespmem:v22+s26+$0x0], $0xffff;
	v22 =	vtrunc.f32 v24  }
0x435: {  	s22 =	simm.s32 $0x300;
	s31 =	simm.s32 $0x600;
	v24 =	vld [tilespmem:s8+$0xAF80];
	v22 =	vcvt.f32.s32 v22  }
0x436: {  	s10 =	sand.u32 $0x3800, s31;
	s5 =	sand.u32 $0x300, s22;
	v40 =	vld [tilespmem:s12+$0xAB50];
	v29 =	vtrunc.f32 v29  }
0x437: {  	s13 =	sor.u32 s5, s10;
	v42 =	vld [tilespmem:s11+$0xAFA0];
	v29 =	vcvt.f32.s32 v29  }
0x438: {  	v43 =	vld [tilespmem:s13+$0xAB60]  }
0x439: {  	v44 =	vld [tilespmem:s12+$0xAFA0];
	v23 =	vtrunc.f32 v23  }
0x43a: {  	[tilespmem:s8+$0x11BE0] =	vst v20;
	v20 =	vcvt.f32.s32 v23;
	v23 =	vtrunc.f32 v24;
	v24 =	vld [tilespmem:s11+$0xAB90]  }
0x43b: {  	v22 =	vld.idx.msk [tilespmem:v22+s26+$0x0], $0xffff  }
0x43c: {  	v36 =	vtrunc.f32 v25;
	v25 =	vld [tilespmem:s11+$0xAB60];
	v23 =	vcvt.f32.s32 v23  }
0x43d: {  	v29 =	vld.idx.msk [tilespmem:v29+s26+$0x0], $0xffff  }
0x43e: {  	v19 =	vld.idx.msk [tilespmem:v19+s26+$0x0], $0xffff  }
0x43f: {  	v36 =	vcvt.f32.s32 v36;
	v21 =	vld [tilespmem:s8+$0xAF00];
	v24 =	vtrunc.f32 v24  }
0x440: {  	v20 =	vld.idx.msk [tilespmem:v20+s26+$0x0], $0xffff;
	[tilespmem:s8+$0x11BF0] =	vst v22;
	v22 =	vcvt.f32.s32 v24  }
0x441: {  	v18 =	vld [tilespmem:s8+$0xAF30];
	v24 =	vtrunc.f32 v46  }
0x442: {  	[tilespmem:s11+$0x11B00] =	vst v29;
	v23 =	vld.idx.msk [tilespmem:v23+s26+$0x0], $0xffff;
	v37 =	vcvt.f32.s32 v24;
	v24 =	vtrunc.f32 v30  }
0x443: {  	v29 =	vld [tilespmem:s8+$0xAFB0];
	[tilespmem:s8+$0x11B50] =	vst v19;
	v19 =	vcvt.f32.s32 v24  }
0x444: {  	v17 =	vld [tilespmem:s8+$0xAF40]  }
0x445: {  	v26 =	vtrunc.f32 v26;
	[tilespmem:s11+$0x11B80] =	vst v20;
	v20 =	vld.idx.msk [tilespmem:v36+s26+$0x0], $0xffff  }
0x446: {  	v26 =	vcvt.f32.s32 v26;
	v30 =	vld.idx.msk [tilespmem:v22+s26+$0x0], $0xffff;
	v22 =	vtrunc.f32 v48  }
0x447: {  	v55 =	vtrunc.f32 v18;
	v18 =	vld [tilespmem:s11+$0xAF40];
	[tilespmem:s8+$0x11F80] =	vst v23;
	v23 =	vcvt.f32.s32 v22  }
0x448: {  	v16 =	vld [tilespmem:s8+$0xAF50]  }
0x449: {  	v22 =	vtrunc.f32 v38;
	v19 =	vld.idx.msk [tilespmem:v19+s26+$0x0], $0xffff  }
0x44a: {  	v49 =	vld.idx.msk [tilespmem:v37+s26+$0x0], $0xffff;
	v51 =	vcvt.f32.s32 v22;
	v22 =	vtrunc.f32 v31  }
0x44b: {  	v24 =	vld [tilespmem:s11+$0xAB70];
	v31 =	vcvt.f32.s32 v22;
	[tilespmem:s8+$0x11B60] =	vst v20  }
0x44c: {  	v20 =	vtrunc.f32 v21;
	v21 =	vld.idx.msk [tilespmem:v26+s26+$0x0], $0xffff;
	[tilespmem:s11+$0x11B90] =	vst v30  }
0x44d: {  	v26 =	vld.idx.msk [tilespmem:v23+s26+$0x0], $0xffff  }
0x44e: {  	v20 =	vcvt.f32.s32 v20;
	v23 =	vtrunc.f32 v50;
	[tilespmem:s11+$0x11B10] =	vst v19;
	v19 =	vld [tilespmem:s8+$0xAFC0]  }
0x44f: {  	[tilespmem:s8+$0x11F90] =	vst v49;
	v30 =	vcvt.f32.s32 v23;
	v23 =	vtrunc.f32 v29;
	v29 =	vld [tilespmem:s11+$0xABC0]  }
0x450: {  	v33 =	vld.idx.msk [tilespmem:v51+s26+$0x0], $0xffff  }
0x451: {  	v52 =	vcvt.f32.s32 v23;
	v23 =	vtrunc.f32 v45;
	v31 =	vld.idx.msk [tilespmem:v31+s26+$0x0], $0xffff  }
0x452: {  	v22 =	vld [tilespmem:s11+$0xAF00];
	v32 =	vcvt.f32.s32 v23  }
0x453: {  	v49 =	vld [tilespmem:s12+$0xABB0];
	[tilespmem:s8+$0x11B70] =	vst v21;
	v21 =	vtrunc.f32 v27  }
0x454: {  	v20 =	vld.idx.msk [tilespmem:v20+s26+$0x0], $0xffff;
	v21 =	vcvt.f32.s32 v21;
	[tilespmem:s11+$0x11BA0] =	vst v26;
	v27 =	vtrunc.f32 v29  }
0x455: {  	[tilespmem:s8+$0x11FA0] =	vst v33;
	v26 =	vld.idx.msk [tilespmem:v30+s26+$0x0], $0xffff;
	v29 =	vcvt.f32.s32 v27  }
0x456: {  	v19 =	vtrunc.f32 v19;
	[tilespmem:s11+$0x11B20] =	vst v31;
	v31 =	vld [tilespmem:s8+$0xAFD0]  }
0x457: {  	v19 =	vcvt.f32.s32 v19;
	v27 =	vtrunc.f32 v47;
	v30 =	vld.idx.msk [tilespmem:v52+s26+$0x0], $0xffff  }
0x458: {  	v34 =	vcvt.f32.s32 v27;
	v32 =	vld.idx.msk [tilespmem:v32+s26+$0x0], $0xffff  }
0x459: {  	v51 =	vld [tilespmem:s11+$0xAFB0];
	[tilespmem:s8+$0x11F00] =	vst v20;
	v20 =	vtrunc.f32 v28  }
0x45a: {  	v20 =	vcvt.f32.s32 v20;
	[tilespmem:s11+$0x11BB0] =	vst v26;
	v26 =	vld.idx.msk [tilespmem:v21+s26+$0x0], $0xffff  }
0x45b: {  	v21 =	vtrunc.f32 v53;
	v28 =	vld.idx.msk [tilespmem:v29+s26+$0x0], $0xffff  }
0x45c: {  	v45 =	vld [tilespmem:s12+$0xABA0];
	v29 =	vcvt.f32.s32 v21;
	[tilespmem:s8+$0x11FB0] =	vst v30;
	v30 =	vtrunc.f32 v31  }
0x45d: {  	v31 =	vtrunc.f32 v35;
	v19 =	vld.idx.msk [tilespmem:v19+s26+$0x0], $0xffff;
	[tilespmem:s11+$0x11B30] =	vst v32;
	v30 =	vcvt.f32.s32 v30  }
0x45e: {  	v31 =	vcvt.f32.s32 v31;
	v32 =	vld.idx.msk [tilespmem:v34+s26+$0x0], $0xffff  }
0x45f: {  	v23 =	vld [tilespmem:s11+$0xAF10];
	[tilespmem:s8+$0x11F10] =	vst v26  }
0x460: {  	v26 =	vcvt.f32.s32 v55;
	[tilespmem:s11+$0x11BC0] =	vst v28;
	v28 =	vld.idx.msk [tilespmem:v20+s26+$0x0], $0xffff  }
0x461: {  	v27 =	vld [tilespmem:s11+$0xAF20];
	v20 =	vtrunc.f32 v54  }
0x462: {  	v29 =	vld.idx.msk [tilespmem:v29+s26+$0x0], $0xffff;
	v33 =	vcvt.f32.s32 v20;
	[tilespmem:s8+$0x11FC0] =	vst v19  }
0x463: {  	v19 =	vld.idx.msk [tilespmem:v30+s26+$0x0], $0xffff;
	[tilespmem:s11+$0x11B40] =	vst v32  }
0x464: {  	v25 =	vtrunc.f32 v25;
	v30 =	vld.idx.msk [tilespmem:v31+s26+$0x0], $0xffff  }
0x465: {  	v25 =	vcvt.f32.s32 v25;
	v31 =	vld [tilespmem:s11+$0xAF80];
	[tilespmem:s8+$0x11F20] =	vst v28  }
0x466: {  	v32 =	vld.idx.msk [tilespmem:v26+s26+$0x0], $0xffff  }
0x467: {  	[tilespmem:s11+$0x11BD0] =	vst v29;
	v29 =	vld [tilespmem:s12+$0xAB80]  }
0x468: {  	v28 =	vtrunc.f32 v56;
	v26 =	vld.idx.msk [tilespmem:v33+s26+$0x0], $0xffff  }
0x469: {  	v53 =	vld [tilespmem:s12+$0xABC0];
	v28 =	vcvt.f32.s32 v28  }
0x46a: {  	v24 =	vtrunc.f32 v24;
	v21 =	vld [tilespmem:s11+$0xAF30];
	[tilespmem:s11+$0x11B50] =	vst v30  }
0x46b: {  	v24 =	vcvt.f32.s32 v24;
	v25 =	vld.idx.msk [tilespmem:v25+s26+$0x0], $0xffff  }
0x46c: {  	v20 =	vld [tilespmem:s11+$0xAF50];
	v29 =	vtrunc.f32 v29  }
0x46d: {  	[tilespmem:s11+$0x11BE0] =	vst v26;
	v26 =	vcvt.f32.s32 v29;
	v29 =	vtrunc.f32 v31;
	v31 =	vld [tilespmem:s12+$0xAB90]  }
0x46e: {  	v56 =	vld [tilespmem:s12+$0xABD0]  }
0x46f: {  	v28 =	vld.idx.msk [tilespmem:v28+s26+$0x0], $0xffff;
	v61 =	vcvt.f32.s32 v29;
	v29 =	vtrunc.f32 v57  }
0x470: {  	v39 =	vcvt.f32.s32 v29;
	v29 =	vld [tilespmem:s12+$0xAB60];
	[tilespmem:s11+$0x11B60] =	vst v25  }
0x471: {  	v25 =	vld.idx.msk [tilespmem:v24+s26+$0x0], $0xffff;
	v24 =	vtrunc.f32 v49  }
0x472: {  	v49 =	vld [tilespmem:s13+$0xAB80];
	v52 =	vcvt.f32.s32 v24;
	v31 =	vtrunc.f32 v31  }
0x473: {  	v24 =	vtrunc.f32 v51;
	v26 =	vld.idx.msk [tilespmem:v26+s26+$0x0], $0xffff;
	v31 =	vcvt.f32.s32 v31  }
0x474: {  	v51 =	vld [tilespmem:s13+$0xAB00];
	v54 =	vcvt.f32.s32 v24;
	v24 =	vtrunc.f32 v60  }
0x475: {  	v22 =	vtrunc.f32 v22;
	v36 =	vcvt.f32.s32 v24;
	v24 =	vld [tilespmem:s12+$0xAF10]  }
0x476: {  	v22 =	vcvt.f32.s32 v22;
	[tilespmem:s11+$0x11BF0] =	vst v28;
	v28 =	vtrunc.f32 v62;
	v62 =	vld [tilespmem:s12+$0xABF0]  }
0x477: {  	v37 =	vld.idx.msk [tilespmem:v61+s26+$0x0], $0xffff  }
0x478: {  	v41 =	vcvt.f32.s32 v28;
	v46 =	vld.idx.msk [tilespmem:v39+s26+$0x0], $0xffff;
	[tilespmem:s12+$0x11B80] =	vst v26;
	v26 =	vtrunc.f32 v45  }
0x479: {  	v28 =	vtrunc.f32 v58;
	v31 =	vld.idx.msk [tilespmem:v31+s26+$0x0], $0xffff;
	v47 =	vcvt.f32.s32 v26  }
0x47a: {  	v30 =	vcvt.f32.s32 v28;
	v28 =	vld [tilespmem:s12+$0xAB70]  }
0x47b: {  	[tilespmem:s11+$0x11B70] =	vst v25;
	v25 =	vtrunc.f32 v53;
	v53 =	vld [tilespmem:s13+$0xAB20]  }
0x47c: {  	v22 =	vld.idx.msk [tilespmem:v22+s26+$0x0], $0xffff  }
0x47d: {  	v45 =	vld [tilespmem:s13+$0xABB0]  }
0x47e: {  	v26 =	vtrunc.f32 v42;
	v42 =	vld [tilespmem:s13+$0xAB50];
	[tilespmem:s12+$0x11B90] =	vst v31  }
0x47f: {  	v23 =	vtrunc.f32 v23;
	[tilespmem:s11+$0x11F80] =	vst v37;
	v31 =	vld.idx.msk [tilespmem:v47+s26+$0x0], $0xffff  }
0x480: {  	v23 =	vcvt.f32.s32 v23;
	v48 =	vld.idx.msk [tilespmem:v41+s26+$0x0], $0xffff  }
0x481: {  	v50 =	vcvt.f32.s32 v26;
	v26 =	vtrunc.f32 v59;
	v59 =	vld [tilespmem:s12+$0xABE0]  }
0x482: {  	[tilespmem:s12+$0x11B00] =	vst v46;
	v46 =	vld [tilespmem:s12+$0xAFB0]  }
0x483: {  	v30 =	vld.idx.msk [tilespmem:v30+s26+$0x0], $0xffff;
	v35 =	vcvt.f32.s32 v26  }
0x484: {  	v26 =	vld [tilespmem:s12+$0xAF00];
	[tilespmem:s12+$0x11BA0] =	vst v31  }
0x485: {  	v34 =	vcvt.f32.s32 v25;
	v31 =	vld.idx.msk [tilespmem:v52+s26+$0x0], $0xffff  }
0x486: {  	[tilespmem:s11+$0x11F00] =	vst v22;
	v22 =	vtrunc.f32 v27;
	v27 =	vtrunc.f32 v56;
	v56 =	vld [tilespmem:s13+$0xAB90]  }
0x487: {  	v23 =	vld.idx.msk [tilespmem:v23+s26+$0x0], $0xffff  }
0x488: {  	v22 =	vcvt.f32.s32 v22;
	v58 =	vcvt.f32.s32 v27;
	v27 =	vld [tilespmem:s12+$0xAF30];
	[tilespmem:s12+$0x11B10] =	vst v30  }
0x489: {  	v35 =	vld.idx.msk [tilespmem:v35+s26+$0x0], $0xffff  }
0x48a: {  	v30 =	vld [tilespmem:s11+$0xAFC0];
	[tilespmem:s12+$0x11BB0] =	vst v31  }
0x48b: {  	[tilespmem:s11+$0x11F90] =	vst v48;
	v31 =	vld.idx.msk [tilespmem:v34+s26+$0x0], $0xffff  }
0x48c: {  	v38 =	vld.idx.msk [tilespmem:v50+s26+$0x0], $0xffff  }
0x48d: {  	v50 =	vld [tilespmem:s12+$0xAF80];
	[tilespmem:s11+$0x11F10] =	vst v23  }
0x48e: {  	v17 =	vtrunc.f32 v17;
	v33 =	vtrunc.f32 v63;
	v23 =	vld.idx.msk [tilespmem:v22+s26+$0x0], $0xffff;
	[tilespmem:s12+$0x11B20] =	vst v35  }
0x48f: {  	v17 =	vcvt.f32.s32 v17;
	v33 =	vcvt.f32.s32 v33;
	v36 =	vld.idx.msk [tilespmem:v36+s26+$0x0], $0xffff  }
0x490: {  	v22 =	vtrunc.f32 v59;
	v25 =	vtrunc.f32 v30;
	v30 =	vld [tilespmem:s11+$0xAFD0];
	[tilespmem:s12+$0x11BC0] =	vst v31  }
0x491: {  	v37 =	vcvt.f32.s32 v22;
	v34 =	vld.idx.msk [tilespmem:v58+s26+$0x0], $0xffff  }
0x492: {  	[tilespmem:s8+$0x11F30] =	vst v32;
	v52 =	vld [tilespmem:s13+$0xAB10]  }
0x493: {  	v21 =	vtrunc.f32 v21;
	[tilespmem:s11+$0x11FA0] =	vst v38;
	v38 =	vtrunc.f32 v53;
	v53 =	vld [tilespmem:s13+$0xABD0]  }
0x494: {  	v21 =	vcvt.f32.s32 v21;
	v55 =	vld.idx.msk [tilespmem:v54+s26+$0x0], $0xffff;
	[tilespmem:s12+$0x11B30] =	vst v36  }
0x495: {  	v57 =	vcvt.f32.s32 v25;
	[tilespmem:s11+$0x11F20] =	vst v23;
	v33 =	vld.idx.msk [tilespmem:v33+s26+$0x0], $0xffff  }
0x496: {  	v23 =	vld.idx.msk [tilespmem:v17+s26+$0x0], $0xffff;
	[tilespmem:s12+$0x11BD0] =	vst v34  }
0x497: {  	v17 =	vld.idx.msk [tilespmem:v37+s26+$0x0], $0xffff  }
0x498: {  	v60 =	vtrunc.f32 v40;
	v25 =	vld [tilespmem:s12+$0xAF20]  }
0x499: {  	v48 =	vtrunc.f32 v62;
	v54 =	vld [tilespmem:s13+$0xAB30];
	[tilespmem:s11+$0x11FB0] =	vst v55;
	v36 =	vcvt.f32.s32 v60  }
0x49a: {  	v21 =	vld.idx.msk [tilespmem:v21+s26+$0x0], $0xffff;
	v30 =	vtrunc.f32 v30;
	[tilespmem:s12+$0x11B40] =	vst v33;
	v33 =	vcvt.f32.s32 v48  }
0x49b: {  	v61 =	vcvt.f32.s32 v30;
	v35 =	vld.idx.msk [tilespmem:v57+s26+$0x0], $0xffff;
	v34 =	vtrunc.f32 v49  }
0x49c: {  	v30 =	vld [tilespmem:s12+$0xAF40];
	[tilespmem:s12+$0x11BE0] =	vst v17;
	v17 =	vcvt.f32.s32 v34  }
0x49d: {  	v55 =	vtrunc.f32 v50;
	v50 =	vld [tilespmem:s12+$0xAFC0]  }
0x49e: {  	v57 =	vld [tilespmem:s12+$0xAF90]  }
0x49f: {  	v63 =	vld.idx.msk [tilespmem:v36+s26+$0x0], $0xffff  }
0x4a0: {  	[tilespmem:s11+$0x11FC0] =	vst v35;
	v36 =	vtrunc.f32 v51;
	v34 =	vcvt.f32.s32 v55;
	v33 =	vld.idx.msk [tilespmem:v33+s26+$0x0], $0xffff  }
0x4a1: {  	v29 =	vtrunc.f32 v29;
	v22 =	vld.idx.msk [tilespmem:v61+s26+$0x0], $0xffff;
	v36 =	vcvt.f32.s32 v36  }
0x4a2: {  	v29 =	vcvt.f32.s32 v29;
	v35 =	vtrunc.f32 v56;
	v17 =	vld.idx.msk [tilespmem:v17+s26+$0x0], $0xffff  }
0x4a3: {  	v18 =	vtrunc.f32 v18;
	v59 =	vcvt.f32.s32 v35;
	v61 =	vld [tilespmem:s13+$0xABA0]  }
0x4a4: {  	v39 =	vtrunc.f32 v54;
	v54 =	vcvt.f32.s32 v18;
	v18 =	vld [tilespmem:s12+$0xAFD0]  }
0x4a5: {  	v31 =	vld [tilespmem:s12+$0xAF50];
	v60 =	vtrunc.f32 v57;
	[tilespmem:s12+$0x11BF0] =	vst v33  }
0x4a6: {  	v35 =	vcvt.f32.s32 v60;
	v37 =	vtrunc.f32 v52;
	[tilespmem:s12+$0x11B50] =	vst v63;
	v34 =	vld.idx.msk [tilespmem:v34+s26+$0x0], $0xffff  }
0x4a7: {  	v62 =	vcvt.f32.s32 v37;
	v36 =	vld.idx.msk [tilespmem:v36+s26+$0x0], $0xffff;
	[tilespmem:s13+$0x11B80] =	vst v17;
	v17 =	vtrunc.f32 v28  }
0x4a8: {  	v40 =	vtrunc.f32 v61;
	v28 =	vld.idx.msk [tilespmem:v29+s26+$0x0], $0xffff;
	v17 =	vcvt.f32.s32 v17  }
0x4a9: {  	v33 =	vcvt.f32.s32 v40;
	v29 =	vld.idx.msk [tilespmem:v59+s26+$0x0], $0xffff  }
0x4aa: {  	v58 =	vld [tilespmem:s13+$0xAB40]  }
0x4ab: {  	v44 =	vtrunc.f32 v44;
	v56 =	vld [tilespmem:s13+$0xAF20];
	[tilespmem:s12+$0x11F80] =	vst v34  }
0x4ac: {  	[tilespmem:s13+$0x11B00] =	vst v36;
	v34 =	vld.idx.msk [tilespmem:v35+s26+$0x0], $0xffff;
	v35 =	vcvt.f32.s32 v44  }
0x4ad: {  	v26 =	vtrunc.f32 v26;
	v38 =	vcvt.f32.s32 v38;
	v32 =	vld.idx.msk [tilespmem:v62+s26+$0x0], $0xffff;
	[tilespmem:s12+$0x11B60] =	vst v28  }
0x4ae: {  	v47 =	vtrunc.f32 v45;
	v26 =	vcvt.f32.s32 v26;
	[tilespmem:s13+$0x11B90] =	vst v29;
	v17 =	vld.idx.msk [tilespmem:v17+s26+$0x0], $0xffff  }
0x4af: {  	v29 =	vld.idx.msk [tilespmem:v33+s26+$0x0], $0xffff;
	v33 =	vcvt.f32.s32 v47  }
0x4b0: {  	v49 =	vld [tilespmem:s13+$0xABC0]  }
0x4b1: {  	v57 =	vld [tilespmem:s13+$0xAF30];
	v48 =	vtrunc.f32 v46;
	[tilespmem:s12+$0x11F90] =	vst v34  }
0x4b2: {  	v20 =	vtrunc.f32 v20;
	[tilespmem:s13+$0x11B10] =	vst v32;
	v34 =	vld.idx.msk [tilespmem:v35+s26+$0x0], $0xffff;
	v35 =	vcvt.f32.s32 v48  }
0x4b3: {  	v25 =	vtrunc.f32 v25;
	v39 =	vcvt.f32.s32 v39;
	v38 =	vld.idx.msk [tilespmem:v38+s26+$0x0], $0xffff;
	[tilespmem:s12+$0x11B70] =	vst v17  }
0x4b4: {  	v18 =	vtrunc.f32 v18;
	[tilespmem:s13+$0x11BA0] =	vst v29;
	v17 =	vtrunc.f32 v24;
	v24 =	vld.idx.msk [tilespmem:v26+s26+$0x0], $0xffff  }
0x4b5: {  	v29 =	vtrunc.f32 v49;
	v26 =	vcvt.f32.s32 v17;
	v17 =	vld.idx.msk [tilespmem:v33+s26+$0x0], $0xffff  }
0x4b6: {  	v30 =	vtrunc.f32 v30;
	v51 =	vld [tilespmem:s13+$0xAF10];
	v29 =	vcvt.f32.s32 v29  }
0x4b7: {  	v61 =	vld [tilespmem:s13+$0xAF40];
	v55 =	vtrunc.f32 v58;
	v32 =	vtrunc.f32 v50;
	[tilespmem:s12+$0x11FA0] =	vst v34  }
0x4b8: {  	v58 =	vcvt.f32.s32 v18;
	v32 =	vcvt.f32.s32 v32;
	[tilespmem:s13+$0x11B20] =	vst v38;
	v52 =	vld.idx.msk [tilespmem:v35+s26+$0x0], $0xffff  }
0x4b9: {  	v18 =	vcvt.f32.s32 v30;
	v30 =	vld [tilespmem:s13+$0xABE0];
	v36 =	vcvt.f32.s32 v55;
	[tilespmem:s12+$0x11F00] =	vst v24  }
0x4ba: {  	v38 =	vld.idx.msk [tilespmem:v39+s26+$0x0], $0xffff;
	[tilespmem:s13+$0x11BB0] =	vst v17;
	v17 =	vcvt.f32.s32 v20;
	v20 =	vcvt.f32.s32 v25  }
0x4bb: {  	[tilespmem:s8+$0x11FD0] =	vst v19;
	v25 =	vtrunc.f32 v27;
	v27 =	vtrunc.f32 v53;
	v24 =	vld.idx.msk [tilespmem:v26+s26+$0x0], $0xffff  }
0x4bc: {  	[tilespmem:s11+$0x11F30] =	vst v21;
	v26 =	vld.idx.msk [tilespmem:v29+s26+$0x0], $0xffff;
	v27 =	vcvt.f32.s32 v27  }
0x4bd: {  	v16 =	vtrunc.f32 v16;
	v63 =	vld [tilespmem:s13+$0xAB70];
	[tilespmem:s12+$0x11FB0] =	vst v52  }
0x4be: {  	v16 =	vcvt.f32.s32 v16;
	v19 =	vtrunc.f32 v31;
	[tilespmem:s11+$0x11FD0] =	vst v22;
	v29 =	vld.idx.msk [tilespmem:v32+s26+$0x0], $0xffff  }
0x4bf: {  	v28 =	vld [tilespmem:s13+$0xAF00];
	[tilespmem:s13+$0x11B30] =	vst v38;
	v59 =	vcvt.f32.s32 v25;
	v25 =	vtrunc.f32 v42  }
0x4c0: {  	v19 =	vcvt.f32.s32 v19;
	v31 =	vld.idx.msk [tilespmem:v36+s26+$0x0], $0xffff;
	v60 =	vcvt.f32.s32 v25;
	[tilespmem:s12+$0x11F10] =	vst v24  }
0x4c1: {  	v22 =	vtrunc.f32 v51;
	v21 =	vtrunc.f32 v30;
	[tilespmem:s13+$0x11BC0] =	vst v26;
	v62 =	vld.idx.msk [tilespmem:v20+s26+$0x0], $0xffff  }
0x4c2: {  	v30 =	vtrunc.f32 v61;
	v25 =	vtrunc.f32 v63;
	v63 =	vld.idx.msk [tilespmem:v27+s26+$0x0], $0xffff  }
0x4c3: {  	v33 =	vcvt.f32.s32 v21;
	v24 =	vtrunc.f32 v43;
	[tilespmem:s12+$0x11FC0] =	vst v29;
	v29 =	vld [tilespmem:s13+$0xAF50]  }
0x4c4: {  	v26 =	vcvt.f32.s32 v24;
	v24 =	vcvt.f32.s32 v25;
	v27 =	vld.idx.msk [tilespmem:v58+s26+$0x0], $0xffff  }
0x4c5: {  	[tilespmem:s13+$0x11B40] =	vst v31;
	v32 =	vld [tilespmem:s13+$0xABF0];
	v20 =	vtrunc.f32 v28;
	v28 =	vtrunc.f32 v57  }
0x4c6: {  	[tilespmem:s8+$0x11F40] =	vst v23;
	v25 =	vcvt.f32.s32 v20;
	v20 =	vtrunc.f32 v56;
	v31 =	vld.idx.msk [tilespmem:v60+s26+$0x0], $0xffff  }
0x4c7: {  	v23 =	vcvt.f32.s32 v20;
	v20 =	vcvt.f32.s32 v28;
	v28 =	vld.idx.msk [tilespmem:v54+s26+$0x0], $0xffff;
	[tilespmem:s12+$0x11F20] =	vst v62  }
0x4c8: {  	s21 =	simm.s32 $0x400;
	s10 =	simm.s32 $0x6;
	s5 =	simm.s32 $0x800;
	v22 =	vcvt.f32.s32 v22;
	v21 =	vcvt.f32.s32 v30;
	[tilespmem:s13+$0x11BD0] =	vst v63;
	v30 =	vld.idx.msk [tilespmem:v59+s26+$0x0], $0xffff  }
.LBB2_9:
0x4c9: {  	s20 =	sand.u32 $0x3800, s5;
	s22 =	sand.u32 $0x300, s21;
	v29 =	vtrunc.f32 v29;
	[tilespmem:s12+$0x11FD0] =	vst v27;
	v27 =	vld.idx.msk [tilespmem:v16+s26+$0x0], $0xffff;
	v16 =	vmov v17;
	v17 =	vmov v19  }
0x4ca: {  	s10 =	sadd.s32 $0x2, s10;
	s20 =	sor.u32 s22, s20;
	v19 =	vcvt.f32.s32 v29;
	v29 =	vld.idx.msk [tilespmem:v33+s26+$0x0], $0xffff;
	v32 =	vtrunc.f32 v32  }
0x4cb: {  	p1 =	slt.u32 s10, $0x36;
	v33 =	vld [tilespmem:s20+$0xAB80];
	v32 =	vcvt.f32.s32 v32  }
0x4cc: {  	[tilespmem:s13+$0x11B50] =	vst v31;
	v31 =	vld [tilespmem:s13+$0xAF80]  }
0x4cd: {  	v34 =	vld [tilespmem:s20+$0xAB00];
	[tilespmem:s11+$0x11F40] =	vst v28  }
0x4ce: {  	v28 =	vld [tilespmem:s20+$0xAB10];
	[tilespmem:s12+$0x11F30] =	vst v30  }
0x4cf: {  	v30 =	vld [tilespmem:s20+$0xAB20];
	[tilespmem:s8+$0x11F50] =	vst v27;
	s8 =	smov.u32 s11;
	s11 =	smov.u32 s12;
	s12 =	smov.u32 s13  }
0x4d0: {  	s13 =	smov.u32 s20;
	v27 =	vld [tilespmem:s20+$0xAB30];
	v33 =	vtrunc.f32 v33;
	[tilespmem:s12+$0x11BE0] =	vst v29  }
0x4d1: {  	v29 =	vcvt.f32.s32 v33;
	v32 =	vld.idx.msk [tilespmem:v32+s26+$0x0], $0xffff;
	v31 =	vtrunc.f32 v31  }
0x4d2: {  	v33 =	vtrunc.f32 v34;
	v34 =	vld [tilespmem:s13+$0xAB90];
	v31 =	vcvt.f32.s32 v31  }
0x4d3: {  	v33 =	vcvt.f32.s32 v33;
	v28 =	vtrunc.f32 v28;
	v35 =	vld [tilespmem:s12+$0xAF90]  }
0x4d4: {  	v28 =	vcvt.f32.s32 v28;
	v30 =	vtrunc.f32 v30;
	v36 =	vld [tilespmem:s13+$0xAB40]  }
0x4d5: {  	v30 =	vcvt.f32.s32 v30;
	v27 =	vtrunc.f32 v27;
	v37 =	vld [tilespmem:s13+$0xAB50]  }
0x4d6: {  	v27 =	vcvt.f32.s32 v27;
	v38 =	vld [tilespmem:s13+$0xAB60]  }
0x4d7: {  	v29 =	vld.idx.msk [tilespmem:v29+s26+$0x0], $0xffff;
	v34 =	vtrunc.f32 v34;
	[tilespmem:s12+$0x11BF0] =	vst v32  }
0x4d8: {  	v32 =	vcvt.f32.s32 v34;
	v31 =	vld.idx.msk [tilespmem:v31+s26+$0x0], $0xffff;
	v34 =	vtrunc.f32 v35  }
0x4d9: {  	v35 =	vtrunc.f32 v36;
	v36 =	vld [tilespmem:s13+$0xABA0];
	v34 =	vcvt.f32.s32 v34  }
0x4da: {  	v35 =	vcvt.f32.s32 v35;
	v37 =	vtrunc.f32 v37;
	v39 =	vld [tilespmem:s12+$0xAFA0]  }
0x4db: {  	v33 =	vld.idx.msk [tilespmem:v33+s26+$0x0], $0xffff;
	v37 =	vcvt.f32.s32 v37;
	v38 =	vtrunc.f32 v38  }
0x4dc: {  	v38 =	vcvt.f32.s32 v38;
	v40 =	vld [tilespmem:s13+$0xAB70]  }
0x4dd: {  	[tilespmem:s13+$0x11B80] =	vst v29;
	v29 =	vld.idx.msk [tilespmem:v26+s26+$0x0], $0xffff  }
0x4de: {  	v32 =	vld.idx.msk [tilespmem:v32+s26+$0x0], $0xffff;
	v36 =	vtrunc.f32 v36;
	[tilespmem:s12+$0x11F80] =	vst v31;
	v26 =	vmov v38  }
0x4df: {  	v31 =	vcvt.f32.s32 v36;
	v34 =	vld.idx.msk [tilespmem:v34+s26+$0x0], $0xffff;
	v36 =	vtrunc.f32 v39  }
0x4e0: {  	v38 =	vld [tilespmem:s13+$0xABB0];
	v36 =	vcvt.f32.s32 v36  }
0x4e1: {  	[tilespmem:s13+$0x11B00] =	vst v33;
	v33 =	vtrunc.f32 v40;
	v39 =	vld [tilespmem:s12+$0xAFB0]  }
0x4e2: {  	v28 =	vld.idx.msk [tilespmem:v28+s26+$0x0], $0xffff;
	v33 =	vcvt.f32.s32 v33  }
0x4e3: {  	v40 =	vld [tilespmem:s13+$0xAF00];
	[tilespmem:s12+$0x11B60] =	vst v29  }
0x4e4: {  	[tilespmem:s13+$0x11B90] =	vst v32;
	v29 =	vld.idx.msk [tilespmem:v24+s26+$0x0], $0xffff;
	v24 =	vmov v33  }
0x4e5: {  	v31 =	vld.idx.msk [tilespmem:v31+s26+$0x0], $0xffff;
	v32 =	vtrunc.f32 v38;
	[tilespmem:s12+$0x11F90] =	vst v34  }
0x4e6: {  	v32 =	vcvt.f32.s32 v32;
	v33 =	vld.idx.msk [tilespmem:v36+s26+$0x0], $0xffff;
	v34 =	vtrunc.f32 v39  }
0x4e7: {  	v36 =	vld [tilespmem:s13+$0xABC0];
	v34 =	vcvt.f32.s32 v34  }
0x4e8: {  	[tilespmem:s13+$0x11B10] =	vst v28;
	v28 =	vtrunc.f32 v40;
	v38 =	vld [tilespmem:s12+$0xAFC0]  }
0x4e9: {  	v30 =	vld.idx.msk [tilespmem:v30+s26+$0x0], $0xffff;
	v28 =	vcvt.f32.s32 v28  }
0x4ea: {  	v39 =	vld [tilespmem:s13+$0xAF10];
	[tilespmem:s12+$0x11B70] =	vst v29  }
0x4eb: {  	[tilespmem:s13+$0x11BA0] =	vst v31;
	v29 =	vld.idx.msk [tilespmem:v25+s26+$0x0], $0xffff;
	v25 =	vmov v28  }
0x4ec: {  	v28 =	vld.idx.msk [tilespmem:v32+s26+$0x0], $0xffff;
	v31 =	vtrunc.f32 v36;
	[tilespmem:s12+$0x11FA0] =	vst v33  }
0x4ed: {  	v31 =	vcvt.f32.s32 v31;
	v32 =	vld.idx.msk [tilespmem:v34+s26+$0x0], $0xffff;
	v33 =	vtrunc.f32 v38  }
0x4ee: {  	v34 =	vld [tilespmem:s13+$0xABD0];
	v33 =	vcvt.f32.s32 v33  }
0x4ef: {  	[tilespmem:s13+$0x11B20] =	vst v30;
	v30 =	vtrunc.f32 v39;
	v36 =	vld [tilespmem:s12+$0xAFD0]  }
0x4f0: {  	v27 =	vld.idx.msk [tilespmem:v27+s26+$0x0], $0xffff;
	v30 =	vcvt.f32.s32 v30  }
0x4f1: {  	v38 =	vld [tilespmem:s13+$0xAF20];
	[tilespmem:s12+$0x11F00] =	vst v29  }
0x4f2: {  	[tilespmem:s13+$0x11BB0] =	vst v28;
	v28 =	vld.idx.msk [tilespmem:v22+s26+$0x0], $0xffff;
	v22 =	vmov v30  }
0x4f3: {  	v29 =	vld.idx.msk [tilespmem:v31+s26+$0x0], $0xffff;
	v30 =	vtrunc.f32 v34;
	[tilespmem:s12+$0x11FB0] =	vst v32  }
0x4f4: {  	v30 =	vcvt.f32.s32 v30;
	v31 =	vld.idx.msk [tilespmem:v33+s26+$0x0], $0xffff;
	v32 =	vtrunc.f32 v36  }
0x4f5: {  	v33 =	vld [tilespmem:s13+$0xAF30];
	v32 =	vcvt.f32.s32 v32  }
0x4f6: {  	[tilespmem:s13+$0x11B30] =	vst v27;
	v27 =	vtrunc.f32 v38;
	v34 =	vld [tilespmem:s13+$0xABE0]  }
0x4f7: {  	v35 =	vld.idx.msk [tilespmem:v35+s26+$0x0], $0xffff;
	v27 =	vcvt.f32.s32 v27  }
0x4f8: {  	v36 =	vld [tilespmem:s13+$0xAF40];
	[tilespmem:s12+$0x11F10] =	vst v28  }
0x4f9: {  	[tilespmem:s13+$0x11BC0] =	vst v29;
	v28 =	vld.idx.msk [tilespmem:v23+s26+$0x0], $0xffff;
	v23 =	vmov v27  }
0x4fa: {  	v27 =	vtrunc.f32 v33;
	v30 =	vld.idx.msk [tilespmem:v30+s26+$0x0], $0xffff;
	[tilespmem:s12+$0x11FC0] =	vst v31  }
0x4fb: {  	v38 =	vcvt.f32.s32 v27;
	v31 =	vtrunc.f32 v34;
	v27 =	vld.idx.msk [tilespmem:v32+s26+$0x0], $0xffff  }
.Ltmp5:
0x4fc: {  	v29 =	vld [tilespmem:s13+$0xAF50];
	v33 =	vcvt.f32.s32 v31;
	(pc) =	sbr.rel @p1 .LBB2_9-.Ltmp5, $4  }
0x4fd: {  	[tilespmem:s13+$0x11B40] =	vst v35;
	v34 =	vtrunc.f32 v36;
	v32 =	vld [tilespmem:s13+$0xABF0]  }
0x4fe: {  	v31 =	vld.idx.msk [tilespmem:v37+s26+$0x0], $0xffff;
	v34 =	vcvt.f32.s32 v34  }
0x4ff: {  	[tilespmem:s12+$0x11F20] =	vst v28;
	v28 =	vld.idx.msk [tilespmem:v18+s26+$0x0], $0xffff;
	v18 =	vmov v21  }
0x500: {  	s21 =	sadd.s32 $0x100, s21;
	s5 =	sadd.s32 $0x200, s5;
	[tilespmem:s13+$0x11BD0] =	vst v30;
	v30 =	vld.idx.msk [tilespmem:v20+s26+$0x0], $0xffff;
	v20 =	vmov v38;
	v21 =	vmov v34  }
0x501: {  	_ =	sdelay $0x3  }
0x502: {  	v33 =	vld.idx.msk [tilespmem:v33+s26+$0x0], $0xffff;
	v32 =	vtrunc.f32 v32  }
0x503: {  	v34 =	vld [tilespmem:s13+$0xAF80];
	v32 =	vcvt.f32.s32 v32;
	[tilespmem:s13+$0x11B50] =	vst v31  }
0x504: {  	v26 =	vld.idx.msk [tilespmem:v26+s26+$0x0], $0xffff;
	_ =	sdelay $0x3  }
0x505: {  	v49 =	vld [tilespmem:s13+$0xAF90];
	[tilespmem:s13+$0x11BE0] =	vst v33;
	v48 =	vtrunc.f32 v34  }
0x506: {  	v47 =	vld.idx.msk [tilespmem:v32+s26+$0x0], $0xffff;
	v32 =	vcvt.f32.s32 v48;
	[tilespmem:s13+$0x11B60] =	vst v26  }
0x507: {  	v24 =	vld.idx.msk [tilespmem:v24+s26+$0x0], $0xffff;
	_ =	sdelay $0x3  }
0x508: {  	v51 =	vld [tilespmem:s13+$0xAFA0];
	v50 =	vtrunc.f32 v49;
	[tilespmem:s13+$0x11BF0] =	vst v47  }
0x509: {  	v26 =	vcvt.f32.s32 v50;
	v31 =	vld.idx.msk [tilespmem:v32+s26+$0x0], $0xffff;
	[tilespmem:s13+$0x11B70] =	vst v24  }
0x50a: {  	v24 =	vld.idx.msk [tilespmem:v25+s26+$0x0], $0xffff;
	_ =	sdelay $0x3  }
0x50b: {  	v54 =	vld [tilespmem:s13+$0xAFB0];
	v53 =	vtrunc.f32 v51;
	[tilespmem:s13+$0x11F80] =	vst v31  }
0x50c: {  	v52 =	vld.idx.msk [tilespmem:v26+s26+$0x0], $0xffff;
	v26 =	vcvt.f32.s32 v53;
	[tilespmem:s13+$0x11F00] =	vst v24  }
0x50d: {  	v22 =	vld.idx.msk [tilespmem:v22+s26+$0x0], $0xffff;
	_ =	sdelay $0x3  }
0x50e: {  	v56 =	vld [tilespmem:s13+$0xAFC0];
	v55 =	vtrunc.f32 v54;
	[tilespmem:s13+$0x11F90] =	vst v52  }
0x50f: {  	v24 =	vcvt.f32.s32 v55;
	v25 =	vld.idx.msk [tilespmem:v26+s26+$0x0], $0xffff;
	[tilespmem:s13+$0x11F10] =	vst v22  }
0x510: {  	v22 =	vld.idx.msk [tilespmem:v23+s26+$0x0], $0xffff;
	_ =	sdelay $0x3  }
0x511: {  	v59 =	vld [tilespmem:s13+$0xAFD0];
	v58 =	vtrunc.f32 v56;
	[tilespmem:s13+$0x11FA0] =	vst v25  }
0x512: {  	v57 =	vld.idx.msk [tilespmem:v24+s26+$0x0], $0xffff;
	v24 =	vcvt.f32.s32 v58;
	[tilespmem:s13+$0x11F20] =	vst v22  }
0x513: {  	v20 =	vld.idx.msk [tilespmem:v20+s26+$0x0], $0xffff;
	_ =	sdelay $0x2  }
0x514: {  	[tilespmem:s12+$0x11F30] =	vst v30  }
0x515: {  	v60 =	vtrunc.f32 v59;
	v18 =	vld.idx.msk [tilespmem:v18+s26+$0x0], $0xffff;
	[tilespmem:s13+$0x11FB0] =	vst v57  }
0x516: {  	v61 =	vtrunc.f32 v29;
	v22 =	vcvt.f32.s32 v60;
	v23 =	vld.idx.msk [tilespmem:v24+s26+$0x0], $0xffff;
	[tilespmem:s13+$0x11F30] =	vst v20  }
0x517: {  	v62 =	vcvt.f32.s32 v61;
	v21 =	vld.idx.msk [tilespmem:v21+s26+$0x0], $0xffff;
	_ =	sdelay $0x1  }
0x518: {  	v16 =	vld.idx.msk [tilespmem:v16+s26+$0x0], $0xffff;
	[tilespmem:s11+$0x11F40] =	vst v28  }
0x519: {  	v17 =	vld.idx.msk [tilespmem:v17+s26+$0x0], $0xffff;
	[tilespmem:s12+$0x11F40] =	vst v18  }
0x51a: {  	v18 =	vld.idx.msk [tilespmem:v19+s26+$0x0], $0xffff;
	[tilespmem:s13+$0x11FC0] =	vst v23  }
0x51b: {  	v22 =	vld.idx.msk [tilespmem:v22+s26+$0x0], $0xffff;
	[tilespmem:s13+$0x11F40] =	vst v21  }
0x51c: {  	[tilespmem:s12+$0x11FD0] =	vst v27;
	v63 =	vld.idx.msk [tilespmem:v62+s26+$0x0], $0xffff  }
0x51d: {  	[tilespmem:s8+$0x11F50] =	vst v16  }
.Ltmp6:
0x51e: {  	[tilespmem:s11+$0x11F50] =	vst v17;
	(pc) =	sbr.rel @p0 .LBB2_12-.Ltmp6, $4  }
0x51f: {  	s5 =	sadd.s32 s7, s19;
	[tilespmem:s12+$0x11F50] =	vst v18  }
0x520: {  	s5 =	sshll.u32 s5, $0x5;
	[tilespmem:s13+$0x11FD0] =	vst v22  }
0x521: {  	s5 =	sadd.s32 s3, s5;
	[tilespmem:s13+$0x11F50] =	vst v63  }
0x522: {  	[hbm4b:s5+s4] =	stream.linear.scatter [tilespmem:s24], [sflag:$0x6], $0x3800, $0x38;
	[tilespmem:$0x15300] =	vst v63  }
.Ltmp7:
0x523: {  	s5 =	rddreg [dreg:$0xc];
	(pc) =	sbr.rel .LBB2_2-.Ltmp7, $4  }
0x524: {  	s5 =	sadd.s32 s7, s5  }
0x525: {  	s5 =	sshll.u32 s5, $0x5  }
0x526: {  	s31 =	simm.s32 $0xAB00;
	s6 =	sadd.s32 $0x1, s6;
	s5 =	sadd.s32 s1, s5  }
0x527: {  	[tilespmem:s31], [sflag:$0x4] =	stream.linear.gather [hbm4b:s5+s4], $0x3800, $0x38;
	[tilespmem:$0x15300] =	vst v63  }
.LBB2_13:
0x528: {  	_ =	sfence.sel $0x180000  }
0x529: {  	[bflag:$0x0] =	sbarrier.arrive $0xFFFF  }
0x52a: {  	_ =	strace $0x90000047  }
0x52b: {  	s0 =	stileid.u32;
	[bflag:$0x2] =	sbarrier.arrive $0xFFFF  }
0x52c: {  	p0 =	sne.s32 s0, $0x0;
	s0 =	rddreg [dreg:$0x3]  }
0x52d: {  	s0 =	sadd.s32 @!p0 $0x100000, s0  }
0x52e: {  	[sflag:s0] =	ssyncadd.tile.s32 @!p0 $0x1;
	_ =	shalt  }
.Lfunc_end2:
_tile_overlayer_lowered:
.L_overlay_start_2:
0x52f: {  	(tag) =	ssettag $0x2  }
0x530: {  	s0 =	rddreg [dreg:$0x0];
	s2 =	stileid.u32  }
0x531: {  	s1 =	rddreg [dreg:$0x1];
	p0 =	sne.s32 s2, $0x0  }
0x532: {  	s3 =	rddreg [dreg:$0x2];
	[bflag:$0x3] =	sbarrier.arrive $0xFFFF;
	s2 =	simm.s32 @!p0 $0x1C07  }
0x533: {  	[timem:s3], [sflag:s2] =	dma.local @!p0 [hbm:s0], s1  }
0x534: {  	s0 =	simm.s32 @!p0 $0x7  }
0x535: {  	_ =	swait.ge @!p0 [sflag:s0], s1  }
0x536: {  	s1 =	ssub.s32 @!p0 $0x0, s1;
	[sflag:s0] =	ssyncset.done @!p0 $0x0  }
0x537: {  	[sflag:s0] =	ssyncadd.s32 @!p0 s1  }
0x538: {  	[bflag:$0x3] =	sbarrier.arrive $0xFFFF  }
0x539: {  	_ =	shalt  }

</sc_bundles>
